<compile_context>
chip_gen: v7x
topology: tpu7x:2x2x1
jax: 0.10.2.dev20260603
libtpu: 0.0.44.dev20260713+nightly
codegen_flags: <defaults>
</compile_context>

<pallas_src>
import functools
import jax
import jax.numpy as jnp
from jax import lax
from jax.experimental import pallas as pl
from jax.experimental.pallas import tpu as pltpu
from jax.experimental.pallas import tpu_sc as plsc

_N = 10000
_E = 320000
_F = 128
_NCLASS = 40
_NLAYERS = 3

_NP = 10240
_SUB = 16
_CH = 80
_NCH = 250
_EP = _SUB * _NCH * _CH
_RPS = _NP // _SUB

_R = 640
_GRID = _NP // _R

_sc_mesh = plsc.VectorSubcoreMesh(core_axis_name="c", subcore_axis_name="s")


@functools.partial(
    pl.kernel,
    out_type=(
        jax.ShapeDtypeStruct((_NP,), jnp.float32),
        jax.ShapeDtypeStruct((_NP,), jnp.float32),
    ),
    mesh=_sc_mesh,
    scratch_types=[
        pltpu.VMEM((_NCH, _CH), jnp.int32),
        pltpu.VMEM((_CH,), jnp.float32),
        pltpu.VMEM_SHARED((_NP + 256,), jnp.float32),
    ],
)
def _deg_kernel(ers_hbm, zfull_hbm, degout_hbm, indeg_hbm, idx_v, ones_v, dsh):
    c = lax.axis_index("c")
    s = lax.axis_index("s")
    rs = pl.ds(s * _RPS, _RPS)

    @pl.when(s == 0)
    def _():
        pltpu.sync_copy(zfull_hbm, dsh.at[pl.ds(0, _NP)])

    pltpu.sync_copy(ers_hbm.at[c, s], idx_v)
    ones = jnp.full((16,), 1.0, jnp.float32)
    for k in range(_CH // 16):
        ones_v[pl.ds(k * 16, 16)] = ones
    plsc.subcore_barrier()

    def body(j, carry):
        pltpu.sync_copy(ones_v, dsh.at[idx_v.at[j]], add=True)
        return carry

    lax.fori_loop(0, _NCH, body, 0)
    plsc.subcore_barrier()

    @pl.when(c == 0)
    def _():
        pltpu.sync_copy(dsh.at[rs], degout_hbm.at[rs])

    @pl.when(c == 1)
    def _():
        pltpu.sync_copy(dsh.at[rs], indeg_hbm.at[rs])


_HALF = _NP // 2
_ACCN = 5248
_WPS = _HALF // _SUB
_ZPS = _ACCN // _SUB
def _chunks(total, ch):
    full, rem = divmod(total, ch)
    return (ch,) * full + ((rem,) if rem else ())


_ZCH = _chunks(_ZPS, _CH)
_WCH = _chunks(_WPS, _CH)
_NPAIR = _NCH // 2


@functools.partial(
    pl.kernel,
    out_type=(
        jax.ShapeDtypeStruct((2, _NP, _F), jnp.float32),
        jax.ShapeDtypeStruct((_NP,), jnp.float32),
    ),
    mesh=_sc_mesh,
    scratch_types=[
        pltpu.VMEM((_NCH, _CH), jnp.int32),
        pltpu.VMEM((_NCH, _CH), jnp.int32),
        pltpu.VMEM((_CH,), jnp.int32),
        pltpu.VMEM((_CH, _F), jnp.float32),
        pltpu.VMEM((_NP,), jnp.float32),
        pltpu.VMEM((_CH,), jnp.float32),
        pltpu.VMEM_SHARED((_ACCN, _F), jnp.float32),
        pltpu.VMEM_SHARED((_ACCN,), jnp.float32),
        pltpu.SemaphoreType.DMA,
    ],
    compiler_params=pltpu.CompilerParams(needs_layout_passes=False),
)
def _edge_kernel(h_hbm, g_hbm, sq_hbm, erg_hbm, ers_hbm, z128_hbm, zfull_hbm,
                 out128_hbm, t_hbm,
                 idx_g, idx_s, idx_c, rows, sqv, svals, acc, tsh, sem0):
    c = lax.axis_index("c")
    s = lax.axis_index("s")
    base = c * _HALF

    def zero_acc():
        off = 0
        for n in _ZCH:
            pltpu.sync_copy(rows.at[pl.ds(0, n)],
                            acc.at[pl.ds(s * _ZPS + off, n)])
            off += n

    def writeout(d):
        off = 0
        for n in _WCH:
            pltpu.sync_copy(acc.at[pl.ds(s * _WPS + off, n)],
                            rows.at[pl.ds(0, n)])
            pltpu.sync_copy(rows.at[pl.ds(0, n)],
                            out128_hbm.at[d, pl.ds(base + s * _WPS + off, n)])
            off += n

    pltpu.sync_copy(z128_hbm, rows)
    zero_acc()

    pltpu.sync_copy(sq_hbm, sqv)

    @pl.when(s == 0)
    def _():
        pltpu.sync_copy(zfull_hbm.at[pl.ds(0, _ACCN)], tsh)

    lanes = lax.iota(jnp.int32, 16)

    def clamp_store(sr):
        for k in range(_CH // 16):
            si = sr[pl.ds(k * 16, 16)]
            lo = si - base
            ok = jnp.logical_and(lo >= 0, lo < _HALF)
            idx_c[pl.ds(k * 16, 16)] = jnp.where(ok, lo,
                                                 _HALF + k * 16 + lanes)

    def sv_gather(gr):
        for k in range(_CH // 16):
            gi = gr[pl.ds(k * 16, 16)]
            svals[pl.ds(k * 16, 16)] = plsc.load_gather(sqv, [gi])

    pltpu.sync_copy(erg_hbm.at[1, s], idx_g)
    pltpu.sync_copy(ers_hbm.at[0, s], idx_s)
    plsc.subcore_barrier()

    def body_a(j, carry):
        cp = pltpu.async_copy(h_hbm.at[idx_g.at[j]], rows, sem0)
        clamp_store(idx_s.at[j])
        sv_gather(idx_g.at[j])
        cp.wait()
        pltpu.sync_copy(rows, acc.at[idx_c], add=True)
        pltpu.sync_copy(svals, tsh.at[idx_c], add=True)
        return carry

    lax.fori_loop(0, _NCH, body_a, 0)
    plsc.subcore_barrier()

    writeout(0)
    pltpu.sync_copy(tsh.at[pl.ds(s * _WPS, _WPS)], sqv.at[pl.ds(0, _WPS)])
    pltpu.sync_copy(sqv.at[pl.ds(0, _WPS)],
                    t_hbm.at[pl.ds(base + s * _WPS, _WPS)])
    pltpu.sync_copy(z128_hbm, rows)
    zero_acc()

    pltpu.sync_copy(erg_hbm.at[0, s], idx_g)
    pltpu.sync_copy(ers_hbm.at[1, s], idx_s)
    plsc.subcore_barrier()

    def body_b(j, carry):
        cp = pltpu.async_copy(g_hbm.at[idx_g.at[j]], rows, sem0)
        clamp_store(idx_s.at[j])
        cp.wait()
        pltpu.sync_copy(rows, acc.at[idx_c], add=True)
        return carry

    lax.fori_loop(0, _NCH, body_b, 0)
    plsc.subcore_barrier()
    writeout(1)


def _pre_body(x_ref, encw_ref, encb_ref, skipw_ref, convw_ref, indeg_ref,
              h_ref, xs_ref, g_ref, sq_ref, gm_ref):
    i = pl.program_id(0)
    x = x_ref[...]
    h = jnp.maximum(x @ encw_ref[...] + encb_ref[...], 0.0)
    h_ref[...] = h
    xs_ref[...] = x @ skipw_ref[...]
    dinv = lax.rsqrt(indeg_ref[...] + 1.0)
    g_ref[...] = (h @ convw_ref[...]) * dinv
    sq_ref[...] = jnp.sum(h * h, axis=1, keepdims=True)

    @pl.when(i == 0)
    def _():
        gm_ref[...] = jnp.zeros_like(gm_ref)

    rid = i * _R + lax.broadcasted_iota(jnp.int32, (_R, 1), 0)
    w = jnp.where(rid < _N, 1.0 / _N, 0.0)
    gm_ref[...] += jnp.sum(h * w, axis=0, keepdims=True)


_pre_call = pl.pallas_call(
    _pre_body,
    grid=(_GRID,),
    in_specs=[
        pl.BlockSpec((_R, _F), lambda i: (i, 0)),
        pl.BlockSpec((_F, _F), lambda i: (0, 0)),
        pl.BlockSpec((1, _F), lambda i: (0, 0)),
        pl.BlockSpec((_F, _F), lambda i: (0, 0)),
        pl.BlockSpec((_F, _F), lambda i: (0, 0)),
        pl.BlockSpec((_R, 1), lambda i: (i, 0)),
    ],
    out_specs=[
        pl.BlockSpec((_R, _F), lambda i: (i, 0)),
        pl.BlockSpec((_R, _F), lambda i: (i, 0)),
        pl.BlockSpec((_R, _F), lambda i: (i, 0)),
        pl.BlockSpec((_R, 1), lambda i: (i, 0)),
        pl.BlockSpec((1, _F), lambda i: (0, 0)),
    ],
    out_shape=[
        jax.ShapeDtypeStruct((_NP, _F), jnp.float32),
        jax.ShapeDtypeStruct((_NP, _F), jnp.float32),
        jax.ShapeDtypeStruct((_NP, _F), jnp.float32),
        jax.ShapeDtypeStruct((_NP, 1), jnp.float32),
        jax.ShapeDtypeStruct((1, _F), jnp.float32),
    ],
)


def _layer_body(h_ref, xs_ref, g_ref, o128_ref, t_ref, od_ref, id_ref,
                gm_ref, convw_ref, convb_ref,
                hn_ref, gn_ref, sqn_ref, gmn_ref):
    i = pl.program_id(0)
    h = h_ref[...]
    s_agg = o128_ref[0]
    agg_raw = o128_ref[1]
    t = t_ref[...]
    outdeg = od_ref[...]
    dinv = lax.rsqrt(id_ref[...] + 1.0)

    x_agg = jnp.maximum(dinv * (agg_raw + g_ref[...]) + convb_ref[...], 0.0)

    sq = jnp.sum(h * h, axis=1, keepdims=True)
    hs = jnp.sum(h * s_agg, axis=1, keepdims=True)
    gamma = (outdeg * sq - 2.0 * hs + t) / (outdeg + 1e-10)
    gs = jnp.tanh(gamma)

    d = h - gm_ref[...]
    d2 = d * d
    dq = jnp.sum(d2 * jnp.sqrt(jnp.sqrt(d2)), axis=1, keepdims=True)
    gq = 1.0 - jnp.tanh(dq)

    hn = (h + gs * x_agg + gq * xs_ref[...]) / (1.0 + gs + gq)
    hn_ref[...] = hn
    gn_ref[...] = (hn @ convw_ref[...]) * dinv
    sqn_ref[...] = jnp.sum(hn * hn, axis=1, keepdims=True)

    @pl.when(i == 0)
    def _():
        gmn_ref[...] = jnp.zeros_like(gmn_ref)

    rid = i * _R + lax.broadcasted_iota(jnp.int32, (_R, 1), 0)
    w = jnp.where(rid < _N, 1.0 / _N, 0.0)
    gmn_ref[...] += jnp.sum(hn * w, axis=0, keepdims=True)


_layer_call = pl.pallas_call(
    _layer_body,
    grid=(_GRID,),
    in_specs=[
        pl.BlockSpec((_R, _F), lambda i: (i, 0)),
        pl.BlockSpec((_R, _F), lambda i: (i, 0)),
        pl.BlockSpec((_R, _F), lambda i: (i, 0)),
        pl.BlockSpec((2, _R, _F), lambda i: (0, i, 0)),
        pl.BlockSpec((_R, 1), lambda i: (i, 0)),
        pl.BlockSpec((_R, 1), lambda i: (i, 0)),
        pl.BlockSpec((_R, 1), lambda i: (i, 0)),
        pl.BlockSpec((1, _F), lambda i: (0, 0)),
        pl.BlockSpec((_F, _F), lambda i: (0, 0)),
        pl.BlockSpec((1, _F), lambda i: (0, 0)),
    ],
    out_specs=[
        pl.BlockSpec((_R, _F), lambda i: (i, 0)),
        pl.BlockSpec((_R, _F), lambda i: (i, 0)),
        pl.BlockSpec((_R, 1), lambda i: (i, 0)),
        pl.BlockSpec((1, _F), lambda i: (0, 0)),
    ],
    out_shape=[
        jax.ShapeDtypeStruct((_NP, _F), jnp.float32),
        jax.ShapeDtypeStruct((_NP, _F), jnp.float32),
        jax.ShapeDtypeStruct((_NP, 1), jnp.float32),
        jax.ShapeDtypeStruct((1, _F), jnp.float32),
    ],
)


def _post_body(h_ref, decw_ref, decb_ref, out_ref):
    out_ref[...] = h_ref[...] @ decw_ref[...] + decb_ref[...]


_post_call = pl.pallas_call(
    _post_body,
    grid=(_GRID,),
    in_specs=[
        pl.BlockSpec((_R, _F), lambda i: (i, 0)),
        pl.BlockSpec((_F, _NCLASS), lambda i: (0, 0)),
        pl.BlockSpec((1, _NCLASS), lambda i: (0, 0)),
    ],
    out_specs=pl.BlockSpec((_R, _NCLASS), lambda i: (i, 0)),
    out_shape=jax.ShapeDtypeStruct((_NP, _NCLASS), jnp.float32),
)


def kernel(x, edge_index, enc_W, enc_b, skip_W, conv_W, conv_b, dec_W, dec_b):
    pad = _EP - _E
    erg = jnp.pad(edge_index, ((0, 0), (0, pad))).reshape(
        2, _SUB, _NCH, _CH)
    ers = jnp.pad(edge_index, ((0, 0), (0, pad)),
                  constant_values=_NP).reshape(2, _SUB, _NCH, _CH)
    zfull = jnp.zeros((_NP,), jnp.float32)
    z128 = jnp.zeros((_CH, _F), jnp.float32)
    enc_b2 = enc_b.reshape(1, _F)
    conv_b2 = conv_b.reshape(1, _F)
    dec_b2 = dec_b.reshape(1, _NCLASS)
    xp = jnp.pad(x, ((0, _NP - _N), (0, 0)))

    outdeg, indeg = _deg_kernel(ers, zfull)
    outdeg2 = outdeg.reshape(_NP, 1)
    indeg2 = indeg.reshape(_NP, 1)

    h, xs, g, sq, gm = _pre_call(xp, enc_W, enc_b2, skip_W, conv_W, indeg2)

    def lbody(_, carry):
        h, g, sq, gm = carry
        out128, t = _edge_kernel(h, g, sq.reshape(_NP), erg, ers,
                                 z128, zfull)
        return _layer_call(h, xs, g, out128, t.reshape(_NP, 1),
                           outdeg2, indeg2, gm, conv_W, conv_b2)

    h, g, sq, gm = lax.fori_loop(0, _NLAYERS, lbody, (h, g, sq, gm))
    return _post_call(h, dec_W, dec_b2)[:_N]

# --- scband reference (transcript-rebuilt; emitter-appended) ---
"""Pipeline reference for scband-dual-gate-gnn-5858335391844 (READ-ONLY COPY).

The authoritative reference and input builder live on the scoring server;
editing this copy changes nothing except your own understanding.
"""

import jax, jax.numpy as jnp
import numpy as np

N = 10000
E = 320000
NFEAT = 128
NHID = 128
NCLASS = 40
NLAYERS = 3
P = 2.5


def setup_inputs(seed: int = 0) -> dict:
    key = jax.random.key(seed)
    ks = jax.random.split(key, 10)
    x = jax.random.normal(ks[0], (N, NFEAT), dtype=jnp.float32)
    edge_index = jax.random.randint(ks[1], (2, E), 0, N, dtype=jnp.int32)
    s = 0.05
    enc_W = jax.random.normal(ks[2], (NFEAT, NHID), dtype=jnp.float32) * s
    enc_b = jax.random.normal(ks[3], (NHID,), dtype=jnp.float32) * s
    skip_W = jax.random.normal(ks[4], (NFEAT, NHID), dtype=jnp.float32) * s
    conv_W = jax.random.normal(ks[5], (NHID, NHID), dtype=jnp.float32) * s
    conv_b = jax.random.normal(ks[6], (NHID,), dtype=jnp.float32) * s
    dec_W = jax.random.normal(ks[7], (NHID, NCLASS), dtype=jnp.float32) * s
    dec_b = jax.random.normal(ks[8], (NCLASS,), dtype=jnp.float32) * s
    return {"x": x, "edge_index": edge_index, "enc_W": enc_W, "enc_b": enc_b,
            "skip_W": skip_W, "conv_W": conv_W, "conv_b": conv_b,
            "dec_W": dec_W, "dec_b": dec_b}


def _gcn_conv(x, edge_index, W, b):
    n = x.shape[0]
    loop = jnp.arange(n, dtype=edge_index.dtype)
    row = jnp.concatenate([edge_index[0], loop])
    col = jnp.concatenate([edge_index[1], loop])
    deg = jnp.zeros((n,), jnp.float32).at[col].add(1.0)
    dinv = jnp.where(deg > 0, deg ** -0.5, 0.0)
    norm = dinv[row] * dinv[col]
    h = x @ W
    msg = h[row] * norm[:, None]
    out = jnp.zeros((n, h.shape[1]), jnp.float32).at[col].add(msg)
    return out + b


def _gamma_smooth(x, edge_index, p=2):
    row = edge_index[0]
    col = edge_index[1]
    diffs = jnp.sum(jnp.abs(x[row] - x[col]) ** p, axis=-1)
    gamma = jnp.zeros((x.shape[0],), jnp.float32).at[row].add(diffs)
    deg = jnp.bincount(row, length=x.shape[0]).astype(jnp.float32) + 1e-10
    gamma = gamma / deg
    return jnp.tanh(gamma)[:, None]


def _gamma_squash(x, p=P):
    gm = jnp.mean(x, axis=0, keepdims=True)
    diffs = jnp.sum(jnp.abs(x - gm) ** p, axis=1)
    return (1.0 - jnp.tanh(diffs))[:, None]


def reference(x, edge_index, enc_W, enc_b, skip_W, conv_W, conv_b, dec_W, dec_b):
    x0 = x
    h = jax.nn.relu(x0 @ enc_W + enc_b)
    x_skip = x0 @ skip_W
    for _ in range(NLAYERS):
        x_agg = jax.nn.relu(_gcn_conv(h, edge_index, conv_W, conv_b))
        gs = _gamma_smooth(h, edge_index, p=2)
        gq = _gamma_squash(h, p=P)
        denom = 1.0 + gs + gq
        A = 1.0 / denom
        B = gs / denom
        C = gq / denom
        h = A * h + B * x_agg + C * x_skip
    return h @ dec_W + dec_b

if __name__ == "__main__":
    import jax
    _d = setup_inputs()
    print(jax.jit(kernel)(*tuple(_d.values())))

</pallas_src>

<mosaic_0001>
#map = affine_map<(d0, d1) -> (0, 0, 0, 0)>
#map1 = affine_map<(d0, d1) -> (0)>
module attributes {stable_mosaic.version = 14 : i64} {
  func.func @_deg_kernel(%arg0: i32, %arg1: i32, %arg2: memref<2x16x250x80xi32, #tpu.memory_space<hbm>>, %arg3: memref<10240xf32, #tpu.memory_space<hbm>>, %arg4: memref<10240xf32, #tpu.memory_space<hbm>>, %arg5: memref<10240xf32, #tpu.memory_space<hbm>>, %arg6: memref<250x80xi32, #tpu.memory_space<vmem>>, %arg7: memref<80xf32, #tpu.memory_space<vmem>>, %arg8: memref<10496xf32, #tpu.memory_space<vmem_shared>>) attributes {dimension_semantics = [#tpu.dimension_semantics<core_parallel>, #tpu.dimension_semantics<subcore_parallel>], iteration_bounds = array<i64: 2, 16>, scalar_prefetch = 0 : i64, scratch_operands = 3 : i64, tpu.core_type = #tpu.core_type<sc_vector_subcore>, window_params = [{transform_indices = #map}, {transform_indices = #map1}, {transform_indices = #map1}, {transform_indices = #map1}]} {
    %mul3A = arith.constant 640 : i32
    %mul3A_0 = arith.muli %arg1, %mul3A : i32
    %eq3A = arith.constant 0 : i32
    %eq3A_1 = arith.cmpi eq, %arg1, %eq3A : i32
    %convert_element_type3A = arith.extui %eq3A_1 : i1 to i32
    %cond3A = arith.constant 0 : i32
    %cond3A_2 = arith.cmpi ne, %convert_element_type3A, %cond3A : i32
    scf.if %cond3A_2 {
      "tpu.region"() ({
        %run_scoped3A = tpu.sem_alloc : memref<!tpu.dma_semaphore, #tpu.memory_space<semaphore_mem>>
        %dma_start3A = arith.constant 0 : i32
        %dma_start3A_39 = tpu.memref_slice %arg8[%dma_start3A] : memref<10496xf32, #tpu.memory_space<vmem_shared>> -> memref<10240xf32, #tpu.memory_space<vmem_shared>>
        tpu.enqueue_dma source(%arg3 : memref<10240xf32, #tpu.memory_space<hbm>>) target(%dma_start3A_39 : memref<10240xf32, #tpu.memory_space<vmem_shared>>) target_semaphore(%run_scoped3A : memref<!tpu.dma_semaphore, #tpu.memory_space<semaphore_mem>>)
        %dma_wait3A = arith.constant 0 : i32
        %dma_wait3A_40 = tpu.memref_slice %arg8[%dma_wait3A] : memref<10496xf32, #tpu.memory_space<vmem_shared>> -> memref<10240xf32, #tpu.memory_space<vmem_shared>>
        tpu.wait_dma2 semaphore(%run_scoped3A : memref<!tpu.dma_semaphore, #tpu.memory_space<semaphore_mem>>) src(%arg3 : memref<10240xf32, #tpu.memory_space<hbm>>) dst(%dma_wait3A_40 : memref<10240xf32, #tpu.memory_space<vmem_shared>>)
        tpu.yield
      }) : () -> ()
    } else {
    }
    "tpu.region"() ({
      %run_scoped3A = tpu.sem_alloc : memref<!tpu.dma_semaphore, #tpu.memory_space<semaphore_mem>>
      %dma_start3A = arith.constant 0 : i32
      %dma_start3A_39 = arith.constant 0 : i32
      %dma_start3A_40 = tpu.memref_slice %arg2[%arg0, %arg1, %dma_start3A, %dma_start3A_39] : memref<2x16x250x80xi32, #tpu.memory_space<hbm>> -> memref<1x1x250x80xi32, #tpu.memory_space<hbm>>
      %dma_start3A_41 = tpu.memref_squeeze %dma_start3A_40 : memref<1x1x250x80xi32, #tpu.memory_space<hbm>> -> memref<250x80xi32, #tpu.memory_space<hbm>>
      %dma_start3A_42 = arith.constant 0 : i32
      %dma_start3A_43 = arith.constant 0 : i32
      %dma_start3A_44 = tpu.memref_slice %arg2[%arg0, %arg1, %dma_start3A_42, %dma_start3A_43] : memref<2x16x250x80xi32, #tpu.memory_space<hbm>> -> memref<1x1x250x80xi32, #tpu.memory_space<hbm>>
      %dma_start3A_45 = tpu.memref_squeeze %dma_start3A_44 : memref<1x1x250x80xi32, #tpu.memory_space<hbm>> -> memref<250x80xi32, #tpu.memory_space<hbm>>
      tpu.enqueue_dma source(%dma_start3A_45 : memref<250x80xi32, #tpu.memory_space<hbm>>) target(%arg6 : memref<250x80xi32, #tpu.memory_space<vmem>>) target_semaphore(%run_scoped3A : memref<!tpu.dma_semaphore, #tpu.memory_space<semaphore_mem>>)
      %dma_wait3A = arith.constant 0 : i32
      %dma_wait3A_46 = arith.constant 0 : i32
      %dma_wait3A_47 = tpu.memref_slice %arg2[%arg0, %arg1, %dma_wait3A, %dma_wait3A_46] : memref<2x16x250x80xi32, #tpu.memory_space<hbm>> -> memref<1x1x250x80xi32, #tpu.memory_space<hbm>>
      %dma_wait3A_48 = tpu.memref_squeeze %dma_wait3A_47 : memref<1x1x250x80xi32, #tpu.memory_space<hbm>> -> memref<250x80xi32, #tpu.memory_space<hbm>>
      %dma_wait3A_49 = arith.constant 0 : i32
      %dma_wait3A_50 = arith.constant 0 : i32
      %dma_wait3A_51 = tpu.memref_slice %arg2[%arg0, %arg1, %dma_wait3A_49, %dma_wait3A_50] : memref<2x16x250x80xi32, #tpu.memory_space<hbm>> -> memref<1x1x250x80xi32, #tpu.memory_space<hbm>>
      %dma_wait3A_52 = tpu.memref_squeeze %dma_wait3A_51 : memref<1x1x250x80xi32, #tpu.memory_space<hbm>> -> memref<250x80xi32, #tpu.memory_space<hbm>>
      tpu.wait_dma2 semaphore(%run_scoped3A : memref<!tpu.dma_semaphore, #tpu.memory_space<semaphore_mem>>) src(%dma_wait3A_52 : memref<250x80xi32, #tpu.memory_space<hbm>>) dst(%arg6 : memref<250x80xi32, #tpu.memory_space<vmem>>)
      tpu.yield
    }) : () -> ()
    %broadcast_in_dim3A = arith.constant 1.000000e+00 : f32
    %broadcast_in_dim3A_3 = vector.broadcast %broadcast_in_dim3A : f32 to vector<16xf32>
    %swap3A = arith.constant 0 : index
    %swap3A_4 = tpu.vector_load %arg7[%swap3A] {strides = array<i32>} : memref<80xf32, #tpu.memory_space<vmem>>, vector<16xf32>,
    %swap3A_5 = vector.shape_cast %swap3A_4 : vector<16xf32> to vector<16xf32>
    %swap3A_6 = vector.shape_cast %broadcast_in_dim3A_3 : vector<16xf32> to vector<16xf32>
    tpu.vector_store %arg7[%swap3A], %swap3A_6 {strides = array<i32>} : memref<80xf32, #tpu.memory_space<vmem>>, vector<16xf32>,
    %swap3A_7 = arith.constant 16 : index
    %swap3A_8 = tpu.vector_load %arg7[%swap3A_7] {strides = array<i32>} : memref<80xf32, #tpu.memory_space<vmem>>, vector<16xf32>,
    %swap3A_9 = vector.shape_cast %swap3A_8 : vector<16xf32> to vector<16xf32>
    %swap3A_10 = vector.shape_cast %broadcast_in_dim3A_3 : vector<16xf32> to vector<16xf32>
    tpu.vector_store %arg7[%swap3A_7], %swap3A_10 {strides = array<i32>} : memref<80xf32, #tpu.memory_space<vmem>>, vector<16xf32>,
    %swap3A_11 = arith.constant 32 : index
    %swap3A_12 = tpu.vector_load %arg7[%swap3A_11] {strides = array<i32>} : memref<80xf32, #tpu.memory_space<vmem>>, vector<16xf32>,
    %swap3A_13 = vector.shape_cast %swap3A_12 : vector<16xf32> to vector<16xf32>
    %swap3A_14 = vector.shape_cast %broadcast_in_dim3A_3 : vector<16xf32> to vector<16xf32>
    tpu.vector_store %arg7[%swap3A_11], %swap3A_14 {strides = array<i32>} : memref<80xf32, #tpu.memory_space<vmem>>, vector<16xf32>,
    %swap3A_15 = arith.constant 48 : index
    %swap3A_16 = tpu.vector_load %arg7[%swap3A_15] {strides = array<i32>} : memref<80xf32, #tpu.memory_space<vmem>>, vector<16xf32>,
    %swap3A_17 = vector.shape_cast %swap3A_16 : vector<16xf32> to vector<16xf32>
    %swap3A_18 = vector.shape_cast %broadcast_in_dim3A_3 : vector<16xf32> to vector<16xf32>
    tpu.vector_store %arg7[%swap3A_15], %swap3A_18 {strides = array<i32>} : memref<80xf32, #tpu.memory_space<vmem>>, vector<16xf32>,
    %swap3A_19 = arith.constant 64 : index
    %swap3A_20 = tpu.vector_load %arg7[%swap3A_19] {strides = array<i32>} : memref<80xf32, #tpu.memory_space<vmem>>, vector<16xf32>,
    %swap3A_21 = vector.shape_cast %swap3A_20 : vector<16xf32> to vector<16xf32>
    %swap3A_22 = vector.shape_cast %broadcast_in_dim3A_3 : vector<16xf32> to vector<16xf32>
    tpu.vector_store %arg7[%swap3A_19], %swap3A_22 {strides = array<i32>} : memref<80xf32, #tpu.memory_space<vmem>>, vector<16xf32>,
    %barrier3A = arith.constant 0 : index
    tpu.barrier barrier_id(%barrier3A)
    %scan3A = arith.constant 0 : i32
    %scan3A_23 = arith.constant 0 : i32
    %scan3A_24 = arith.constant 250 : i32
    %scan3A_25 = arith.addi %scan3A_23, %scan3A_24 : i32
    %scan3A_26 = arith.constant 1 : i32
    scf.for %scan3A_39 = %scan3A_23 to %scan3A_25 step %scan3A_26  : i32 {
      "tpu.region"() ({
        %run_scoped3A = tpu.sem_alloc : memref<!tpu.dma_semaphore, #tpu.memory_space<semaphore_mem>>
        %dma_start3A = arith.constant 0 : i32
        %dma_start3A_40 = tpu.memref_slice %arg6[%scan3A_39, %dma_start3A] : memref<250x80xi32, #tpu.memory_space<vmem>> -> memref<1x80xi32, #tpu.memory_space<vmem>>
        %dma_start3A_41 = tpu.memref_squeeze %dma_start3A_40 : memref<1x80xi32, #tpu.memory_space<vmem>> -> memref<80xi32, #tpu.memory_space<vmem>>
        %dma_start3A_42 = arith.constant 0 : i32
        %dma_start3A_43 = tpu.memref_slice %arg8[%dma_start3A_42] : memref<10496xf32, #tpu.memory_space<vmem_shared>> -> memref<10496xf32, #tpu.memory_space<vmem_shared>>
        tpu.enqueue_indirect_dma source(%arg7 : memref<80xf32, #tpu.memory_space<vmem>>) target(%dma_start3A_43 : memref<10496xf32, #tpu.memory_space<vmem_shared>>) offsets(%dma_start3A_41 : memref<80xi32, #tpu.memory_space<vmem>>) semaphore(%run_scoped3A : memref<!tpu.dma_semaphore, #tpu.memory_space<semaphore_mem>>) {add = true}
        %dma_wait3A = arith.constant 0 : i32
        %dma_wait3A_44 = tpu.memref_slice %arg6[%scan3A_39, %dma_wait3A] : memref<250x80xi32, #tpu.memory_space<vmem>> -> memref<1x80xi32, #tpu.memory_space<vmem>>
        %dma_wait3A_45 = tpu.memref_squeeze %dma_wait3A_44 : memref<1x80xi32, #tpu.memory_space<vmem>> -> memref<80xi32, #tpu.memory_space<vmem>>
        %dma_wait3A_46 = arith.constant 0 : i32
        %dma_wait3A_47 = tpu.memref_slice %arg8[%dma_wait3A_46] : memref<10496xf32, #tpu.memory_space<vmem_shared>> -> memref<10496xf32, #tpu.memory_space<vmem_shared>>
        tpu.wait_indirect_dma semaphore(%run_scoped3A : memref<!tpu.dma_semaphore, #tpu.memory_space<semaphore_mem>>) src(%arg7 : memref<80xf32, #tpu.memory_space<vmem>>) dst(%dma_wait3A_47 : memref<10496xf32, #tpu.memory_space<vmem_shared>>)
        tpu.yield
      }) : () -> ()
    }
    %scan3A_27 = arith.constant 250 : i32
    %barrier3A_28 = arith.constant 0 : index
    tpu.barrier barrier_id(%barrier3A_28)
    %eq3A_29 = arith.constant 0 : i32
    %eq3A_30 = arith.cmpi eq, %arg0, %eq3A_29 : i32
    %convert_element_type3A_31 = arith.extui %eq3A_30 : i1 to i32
    %cond3A_32 = arith.constant 0 : i32
    %cond3A_33 = arith.cmpi ne, %convert_element_type3A_31, %cond3A_32 : i32
    scf.if %cond3A_33 {
      "tpu.region"() ({
        %run_scoped3A = tpu.sem_alloc : memref<!tpu.dma_semaphore, #tpu.memory_space<semaphore_mem>>
        %dma_start3A = tpu.memref_slice %arg4[%mul3A_0] : memref<10240xf32, #tpu.memory_space<hbm>> -> memref<640xf32, #tpu.memory_space<hbm>>
        %dma_start3A_39 = tpu.memref_slice %arg8[%mul3A_0] : memref<10496xf32, #tpu.memory_space<vmem_shared>> -> memref<640xf32, #tpu.memory_space<vmem_shared>>
        tpu.enqueue_dma source(%dma_start3A_39 : memref<640xf32, #tpu.memory_space<vmem_shared>>) target(%dma_start3A : memref<640xf32, #tpu.memory_space<hbm>>) target_semaphore(%run_scoped3A : memref<!tpu.dma_semaphore, #tpu.memory_space<semaphore_mem>>)
        %dma_wait3A = tpu.memref_slice %arg4[%mul3A_0] : memref<10240xf32, #tpu.memory_space<hbm>> -> memref<640xf32, #tpu.memory_space<hbm>>
        %dma_wait3A_40 = tpu.memref_slice %arg8[%mul3A_0] : memref<10496xf32, #tpu.memory_space<vmem_shared>> -> memref<640xf32, #tpu.memory_space<vmem_shared>>
        tpu.wait_dma2 semaphore(%run_scoped3A : memref<!tpu.dma_semaphore, #tpu.memory_space<semaphore_mem>>) src(%dma_wait3A_40 : memref<640xf32, #tpu.memory_space<vmem_shared>>) dst(%dma_wait3A : memref<640xf32, #tpu.memory_space<hbm>>)
        tpu.yield
      }) : () -> ()
    } else {
    }
    %eq3A_34 = arith.constant 1 : i32
    %eq3A_35 = arith.cmpi eq, %arg0, %eq3A_34 : i32
    %convert_element_type3A_36 = arith.extui %eq3A_35 : i1 to i32
    %cond3A_37 = arith.constant 0 : i32
    %cond3A_38 = arith.cmpi ne, %convert_element_type3A_36, %cond3A_37 : i32
    scf.if %cond3A_38 {
      "tpu.region"() ({
        %run_scoped3A = tpu.sem_alloc : memref<!tpu.dma_semaphore, #tpu.memory_space<semaphore_mem>>
        %dma_start3A = tpu.memref_slice %arg5[%mul3A_0] : memref<10240xf32, #tpu.memory_space<hbm>> -> memref<640xf32, #tpu.memory_space<hbm>>
        %dma_start3A_39 = tpu.memref_slice %arg8[%mul3A_0] : memref<10496xf32, #tpu.memory_space<vmem_shared>> -> memref<640xf32, #tpu.memory_space<vmem_shared>>
        tpu.enqueue_dma source(%dma_start3A_39 : memref<640xf32, #tpu.memory_space<vmem_shared>>) target(%dma_start3A : memref<640xf32, #tpu.memory_space<hbm>>) target_semaphore(%run_scoped3A : memref<!tpu.dma_semaphore, #tpu.memory_space<semaphore_mem>>)
        %dma_wait3A = tpu.memref_slice %arg5[%mul3A_0] : memref<10240xf32, #tpu.memory_space<hbm>> -> memref<640xf32, #tpu.memory_space<hbm>>
        %dma_wait3A_40 = tpu.memref_slice %arg8[%mul3A_0] : memref<10496xf32, #tpu.memory_space<vmem_shared>> -> memref<640xf32, #tpu.memory_space<vmem_shared>>
        tpu.wait_dma2 semaphore(%run_scoped3A : memref<!tpu.dma_semaphore, #tpu.memory_space<semaphore_mem>>) src(%dma_wait3A_40 : memref<640xf32, #tpu.memory_space<vmem_shared>>) dst(%dma_wait3A : memref<640xf32, #tpu.memory_space<hbm>>)
        tpu.yield
      }) : () -> ()
    } else {
    }
    return
  }
}

#map = affine_map<(d0, d1) -> (0, 0)>
#map1 = affine_map<(d0, d1) -> (0)>
#map2 = affine_map<(d0, d1) -> (0, 0, 0, 0)>
#map3 = affine_map<(d0, d1) -> (0, 0, 0)>
module attributes {stable_mosaic.version = 14 : i64} {
  func.func @_edge_kernel(%arg0: i32, %arg1: i32, %arg2: memref<10240x128xf32, #tpu.memory_space<hbm>>, %arg3: memref<10240x128xf32, #tpu.memory_space<hbm>>, %arg4: memref<10240xf32, #tpu.memory_space<hbm>>, %arg5: memref<2x16x250x80xi32, #tpu.memory_space<hbm>>, %arg6: memref<2x16x250x80xi32, #tpu.memory_space<hbm>>, %arg7: memref<80x128xf32, #tpu.memory_space<hbm>>, %arg8: memref<10240xf32, #tpu.memory_space<hbm>>, %arg9: memref<2x10240x128xf32, #tpu.memory_space<hbm>>, %arg10: memref<10240xf32, #tpu.memory_space<hbm>>, %arg11: memref<250x80xi32, #tpu.memory_space<vmem>>, %arg12: memref<250x80xi32, #tpu.memory_space<vmem>>, %arg13: memref<80xi32, #tpu.memory_space<vmem>>, %arg14: memref<80x128xf32, #tpu.memory_space<vmem>>, %arg15: memref<10240xf32, #tpu.memory_space<vmem>>, %arg16: memref<80xf32, #tpu.memory_space<vmem>>, %arg17: memref<5248x128xf32, #tpu.memory_space<vmem_shared>>, %arg18: memref<5248xf32, #tpu.memory_space<vmem_shared>>, %arg19: memref<!tpu.dma_semaphore, #tpu.memory_space<semaphore_mem>>) attributes {dimension_semantics = [#tpu.dimension_semantics<core_parallel>, #tpu.dimension_semantics<subcore_parallel>], iteration_bounds = array<i64: 2, 16>, scalar_prefetch = 0 : i64, scratch_operands = 9 : i64, tpu.core_type = #tpu.core_type<sc_vector_subcore>, window_params = [{transform_indices = #map}, {transform_indices = #map}, {transform_indices = #map1}, {transform_indices = #map2}, {transform_indices = #map2}, {transform_indices = #map}, {transform_indices = #map1}, {transform_indices = #map3}, {transform_indices = #map1}]} {
    %mul3A = arith.constant 5120 : i32
    %mul3A_0 = arith.muli %arg0, %mul3A : i32
    "tpu.region"() ({
      %run_scoped3A_144 = tpu.sem_alloc : memref<!tpu.dma_semaphore, #tpu.memory_space<semaphore_mem>>
      tpu.enqueue_dma source(%arg7 : memref<80x128xf32, #tpu.memory_space<hbm>>) target(%arg14 : memref<80x128xf32, #tpu.memory_space<vmem>>) target_semaphore(%run_scoped3A_144 : memref<!tpu.dma_semaphore, #tpu.memory_space<semaphore_mem>>)
      tpu.wait_dma2 semaphore(%run_scoped3A_144 : memref<!tpu.dma_semaphore, #tpu.memory_space<semaphore_mem>>) src(%arg7 : memref<80x128xf32, #tpu.memory_space<hbm>>) dst(%arg14 : memref<80x128xf32, #tpu.memory_space<vmem>>)
      tpu.yield
    }) : () -> ()
    %mul3A_1 = arith.constant 328 : i32
    %mul3A_2 = arith.muli %arg1, %mul3A_1 : i32
    %add3A = arith.constant 0 : i32
    %add3A_3 = arith.addi %mul3A_2, %add3A : i32
    "tpu.region"() ({
      %run_scoped3A_144 = tpu.sem_alloc : memref<!tpu.dma_semaphore, #tpu.memory_space<semaphore_mem>>
      %dma_start3A = arith.constant 0 : i32
      %dma_start3A_145 = arith.constant 0 : i32
      %dma_start3A_146 = tpu.memref_slice %arg14[%dma_start3A, %dma_start3A_145] : memref<80x128xf32, #tpu.memory_space<vmem>> -> memref<80x128xf32, #tpu.memory_space<vmem>>
      %dma_start3A_147 = arith.constant 0 : i32
      %dma_start3A_148 = tpu.memref_slice %arg17[%add3A_3, %dma_start3A_147] : memref<5248x128xf32, #tpu.memory_space<vmem_shared>> -> memref<80x128xf32, #tpu.memory_space<vmem_shared>>
      %dma_start3A_149 = arith.constant 0 : i32
      %dma_start3A_150 = tpu.memref_slice %arg17[%add3A_3, %dma_start3A_149] : memref<5248x128xf32, #tpu.memory_space<vmem_shared>> -> memref<80x128xf32, #tpu.memory_space<vmem_shared>>
      %dma_start3A_151 = arith.constant 0 : i32
      %dma_start3A_152 = arith.constant 0 : i32
      %dma_start3A_153 = tpu.memref_slice %arg14[%dma_start3A_151, %dma_start3A_152] : memref<80x128xf32, #tpu.memory_space<vmem>> -> memref<80x128xf32, #tpu.memory_space<vmem>>
      tpu.enqueue_dma source(%dma_start3A_153 : memref<80x128xf32, #tpu.memory_space<vmem>>) target(%dma_start3A_150 : memref<80x128xf32, #tpu.memory_space<vmem_shared>>) target_semaphore(%run_scoped3A_144 : memref<!tpu.dma_semaphore, #tpu.memory_space<semaphore_mem>>)
      %dma_wait3A = arith.constant 0 : i32
      %dma_wait3A_154 = arith.constant 0 : i32
      %dma_wait3A_155 = tpu.memref_slice %arg14[%dma_wait3A, %dma_wait3A_154] : memref<80x128xf32, #tpu.memory_space<vmem>> -> memref<80x128xf32, #tpu.memory_space<vmem>>
      %dma_wait3A_156 = arith.constant 0 : i32
      %dma_wait3A_157 = tpu.memref_slice %arg17[%add3A_3, %dma_wait3A_156] : memref<5248x128xf32, #tpu.memory_space<vmem_shared>> -> memref<80x128xf32, #tpu.memory_space<vmem_shared>>
      %dma_wait3A_158 = arith.constant 0 : i32
      %dma_wait3A_159 = tpu.memref_slice %arg17[%add3A_3, %dma_wait3A_158] : memref<5248x128xf32, #tpu.memory_space<vmem_shared>> -> memref<80x128xf32, #tpu.memory_space<vmem_shared>>
      %dma_wait3A_160 = arith.constant 0 : i32
      %dma_wait3A_161 = arith.constant 0 : i32
      %dma_wait3A_162 = tpu.memref_slice %arg14[%dma_wait3A_160, %dma_wait3A_161] : memref<80x128xf32, #tpu.memory_space<vmem>> -> memref<80x128xf32, #tpu.memory_space<vmem>>
      tpu.wait_dma2 semaphore(%run_scoped3A_144 : memref<!tpu.dma_semaphore, #tpu.memory_space<semaphore_mem>>) src(%dma_wait3A_162 : memref<80x128xf32, #tpu.memory_space<vmem>>) dst(%dma_wait3A_159 : memref<80x128xf32, #tpu.memory_space<vmem_shared>>)
      tpu.yield
    }) : () -> ()
    %mul3A_4 = arith.constant 328 : i32
    %mul3A_5 = arith.muli %arg1, %mul3A_4 : i32
    %add3A_6 = arith.constant 80 : i32
    %add3A_7 = arith.addi %mul3A_5, %add3A_6 : i32
    "tpu.region"() ({
      %run_scoped3A_144 = tpu.sem_alloc : memref<!tpu.dma_semaphore, #tpu.memory_space<semaphore_mem>>
      %dma_start3A = arith.constant 0 : i32
      %dma_start3A_145 = arith.constant 0 : i32
      %dma_start3A_146 = tpu.memref_slice %arg14[%dma_start3A, %dma_start3A_145] : memref<80x128xf32, #tpu.memory_space<vmem>> -> memref<80x128xf32, #tpu.memory_space<vmem>>
      %dma_start3A_147 = arith.constant 0 : i32
      %dma_start3A_148 = tpu.memref_slice %arg17[%add3A_7, %dma_start3A_147] : memref<5248x128xf32, #tpu.memory_space<vmem_shared>> -> memref<80x128xf32, #tpu.memory_space<vmem_shared>>
      %dma_start3A_149 = arith.constant 0 : i32
      %dma_start3A_150 = tpu.memref_slice %arg17[%add3A_7, %dma_start3A_149] : memref<5248x128xf32, #tpu.memory_space<vmem_shared>> -> memref<80x128xf32, #tpu.memory_space<vmem_shared>>
      %dma_start3A_151 = arith.constant 0 : i32
      %dma_start3A_152 = arith.constant 0 : i32
      %dma_start3A_153 = tpu.memref_slice %arg14[%dma_start3A_151, %dma_start3A_152] : memref<80x128xf32, #tpu.memory_space<vmem>> -> memref<80x128xf32, #tpu.memory_space<vmem>>
      tpu.enqueue_dma source(%dma_start3A_153 : memref<80x128xf32, #tpu.memory_space<vmem>>) target(%dma_start3A_150 : memref<80x128xf32, #tpu.memory_space<vmem_shared>>) target_semaphore(%run_scoped3A_144 : memref<!tpu.dma_semaphore, #tpu.memory_space<semaphore_mem>>)
      %dma_wait3A = arith.constant 0 : i32
      %dma_wait3A_154 = arith.constant 0 : i32
      %dma_wait3A_155 = tpu.memref_slice %arg14[%dma_wait3A, %dma_wait3A_154] : memref<80x128xf32, #tpu.memory_space<vmem>> -> memref<80x128xf32, #tpu.memory_space<vmem>>
      %dma_wait3A_156 = arith.constant 0 : i32
      %dma_wait3A_157 = tpu.memref_slice %arg17[%add3A_7, %dma_wait3A_156] : memref<5248x128xf32, #tpu.memory_space<vmem_shared>> -> memref<80x128xf32, #tpu.memory_space<vmem_shared>>
      %dma_wait3A_158 = arith.constant 0 : i32
      %dma_wait3A_159 = tpu.memref_slice %arg17[%add3A_7, %dma_wait3A_158] : memref<5248x128xf32, #tpu.memory_space<vmem_shared>> -> memref<80x128xf32, #tpu.memory_space<vmem_shared>>
      %dma_wait3A_160 = arith.constant 0 : i32
      %dma_wait3A_161 = arith.constant 0 : i32
      %dma_wait3A_162 = tpu.memref_slice %arg14[%dma_wait3A_160, %dma_wait3A_161] : memref<80x128xf32, #tpu.memory_space<vmem>> -> memref<80x128xf32, #tpu.memory_space<vmem>>
      tpu.wait_dma2 semaphore(%run_scoped3A_144 : memref<!tpu.dma_semaphore, #tpu.memory_space<semaphore_mem>>) src(%dma_wait3A_162 : memref<80x128xf32, #tpu.memory_space<vmem>>) dst(%dma_wait3A_159 : memref<80x128xf32, #tpu.memory_space<vmem_shared>>)
      tpu.yield
    }) : () -> ()
    %mul3A_8 = arith.constant 328 : i32
    %mul3A_9 = arith.muli %arg1, %mul3A_8 : i32
    %add3A_10 = arith.constant 160 : i32
    %add3A_11 = arith.addi %mul3A_9, %add3A_10 : i32
    "tpu.region"() ({
      %run_scoped3A_144 = tpu.sem_alloc : memref<!tpu.dma_semaphore, #tpu.memory_space<semaphore_mem>>
      %dma_start3A = arith.constant 0 : i32
      %dma_start3A_145 = arith.constant 0 : i32
      %dma_start3A_146 = tpu.memref_slice %arg14[%dma_start3A, %dma_start3A_145] : memref<80x128xf32, #tpu.memory_space<vmem>> -> memref<80x128xf32, #tpu.memory_space<vmem>>
      %dma_start3A_147 = arith.constant 0 : i32
      %dma_start3A_148 = tpu.memref_slice %arg17[%add3A_11, %dma_start3A_147] : memref<5248x128xf32, #tpu.memory_space<vmem_shared>> -> memref<80x128xf32, #tpu.memory_space<vmem_shared>>
      %dma_start3A_149 = arith.constant 0 : i32
      %dma_start3A_150 = tpu.memref_slice %arg17[%add3A_11, %dma_start3A_149] : memref<5248x128xf32, #tpu.memory_space<vmem_shared>> -> memref<80x128xf32, #tpu.memory_space<vmem_shared>>
      %dma_start3A_151 = arith.constant 0 : i32
      %dma_start3A_152 = arith.constant 0 : i32
      %dma_start3A_153 = tpu.memref_slice %arg14[%dma_start3A_151, %dma_start3A_152] : memref<80x128xf32, #tpu.memory_space<vmem>> -> memref<80x128xf32, #tpu.memory_space<vmem>>
      tpu.enqueue_dma source(%dma_start3A_153 : memref<80x128xf32, #tpu.memory_space<vmem>>) target(%dma_start3A_150 : memref<80x128xf32, #tpu.memory_space<vmem_shared>>) target_semaphore(%run_scoped3A_144 : memref<!tpu.dma_semaphore, #tpu.memory_space<semaphore_mem>>)
      %dma_wait3A = arith.constant 0 : i32
      %dma_wait3A_154 = arith.constant 0 : i32
      %dma_wait3A_155 = tpu.memref_slice %arg14[%dma_wait3A, %dma_wait3A_154] : memref<80x128xf32, #tpu.memory_space<vmem>> -> memref<80x128xf32, #tpu.memory_space<vmem>>
      %dma_wait3A_156 = arith.constant 0 : i32
      %dma_wait3A_157 = tpu.memref_slice %arg17[%add3A_11, %dma_wait3A_156] : memref<5248x128xf32, #tpu.memory_space<vmem_shared>> -> memref<80x128xf32, #tpu.memory_space<vmem_shared>>
      %dma_wait3A_158 = arith.constant 0 : i32
      %dma_wait3A_159 = tpu.memref_slice %arg17[%add3A_11, %dma_wait3A_158] : memref<5248x128xf32, #tpu.memory_space<vmem_shared>> -> memref<80x128xf32, #tpu.memory_space<vmem_shared>>
      %dma_wait3A_160 = arith.constant 0 : i32
      %dma_wait3A_161 = arith.constant 0 : i32
      %dma_wait3A_162 = tpu.memref_slice %arg14[%dma_wait3A_160, %dma_wait3A_161] : memref<80x128xf32, #tpu.memory_space<vmem>> -> memref<80x128xf32, #tpu.memory_space<vmem>>
      tpu.wait_dma2 semaphore(%run_scoped3A_144 : memref<!tpu.dma_semaphore, #tpu.memory_space<semaphore_mem>>) src(%dma_wait3A_162 : memref<80x128xf32, #tpu.memory_space<vmem>>) dst(%dma_wait3A_159 : memref<80x128xf32, #tpu.memory_space<vmem_shared>>)
      tpu.yield
    }) : () -> ()
    %mul3A_12 = arith.constant 328 : i32
    %mul3A_13 = arith.muli %arg1, %mul3A_12 : i32
    %add3A_14 = arith.constant 240 : i32
    %add3A_15 = arith.addi %mul3A_13, %add3A_14 : i32
    "tpu.region"() ({
      %run_scoped3A_144 = tpu.sem_alloc : memref<!tpu.dma_semaphore, #tpu.memory_space<semaphore_mem>>
      %dma_start3A = arith.constant 0 : i32
      %dma_start3A_145 = arith.constant 0 : i32
      %dma_start3A_146 = tpu.memref_slice %arg14[%dma_start3A, %dma_start3A_145] : memref<80x128xf32, #tpu.memory_space<vmem>> -> memref<80x128xf32, #tpu.memory_space<vmem>>
      %dma_start3A_147 = arith.constant 0 : i32
      %dma_start3A_148 = tpu.memref_slice %arg17[%add3A_15, %dma_start3A_147] : memref<5248x128xf32, #tpu.memory_space<vmem_shared>> -> memref<80x128xf32, #tpu.memory_space<vmem_shared>>
      %dma_start3A_149 = arith.constant 0 : i32
      %dma_start3A_150 = tpu.memref_slice %arg17[%add3A_15, %dma_start3A_149] : memref<5248x128xf32, #tpu.memory_space<vmem_shared>> -> memref<80x128xf32, #tpu.memory_space<vmem_shared>>
      %dma_start3A_151 = arith.constant 0 : i32
      %dma_start3A_152 = arith.constant 0 : i32
      %dma_start3A_153 = tpu.memref_slice %arg14[%dma_start3A_151, %dma_start3A_152] : memref<80x128xf32, #tpu.memory_space<vmem>> -> memref<80x128xf32, #tpu.memory_space<vmem>>
      tpu.enqueue_dma source(%dma_start3A_153 : memref<80x128xf32, #tpu.memory_space<vmem>>) target(%dma_start3A_150 : memref<80x128xf32, #tpu.memory_space<vmem_shared>>) target_semaphore(%run_scoped3A_144 : memref<!tpu.dma_semaphore, #tpu.memory_space<semaphore_mem>>)
      %dma_wait3A = arith.constant 0 : i32
      %dma_wait3A_154 = arith.constant 0 : i32
      %dma_wait3A_155 = tpu.memref_slice %arg14[%dma_wait3A, %dma_wait3A_154] : memref<80x128xf32, #tpu.memory_space<vmem>> -> memref<80x128xf32, #tpu.memory_space<vmem>>
      %dma_wait3A_156 = arith.constant 0 : i32
      %dma_wait3A_157 = tpu.memref_slice %arg17[%add3A_15, %dma_wait3A_156] : memref<5248x128xf32, #tpu.memory_space<vmem_shared>> -> memref<80x128xf32, #tpu.memory_space<vmem_shared>>
      %dma_wait3A_158 = arith.constant 0 : i32
      %dma_wait3A_159 = tpu.memref_slice %arg17[%add3A_15, %dma_wait3A_158] : memref<5248x128xf32, #tpu.memory_space<vmem_shared>> -> memref<80x128xf32, #tpu.memory_space<vmem_shared>>
      %dma_wait3A_160 = arith.constant 0 : i32
      %dma_wait3A_161 = arith.constant 0 : i32
      %dma_wait3A_162 = tpu.memref_slice %arg14[%dma_wait3A_160, %dma_wait3A_161] : memref<80x128xf32, #tpu.memory_space<vmem>> -> memref<80x128xf32, #tpu.memory_space<vmem>>
      tpu.wait_dma2 semaphore(%run_scoped3A_144 : memref<!tpu.dma_semaphore, #tpu.memory_space<semaphore_mem>>) src(%dma_wait3A_162 : memref<80x128xf32, #tpu.memory_space<vmem>>) dst(%dma_wait3A_159 : memref<80x128xf32, #tpu.memory_space<vmem_shared>>)
      tpu.yield
    }) : () -> ()
    %mul3A_16 = arith.constant 328 : i32
    %mul3A_17 = arith.muli %arg1, %mul3A_16 : i32
    %add3A_18 = arith.constant 320 : i32
    %add3A_19 = arith.addi %mul3A_17, %add3A_18 : i32
    "tpu.region"() ({
      %run_scoped3A_144 = tpu.sem_alloc : memref<!tpu.dma_semaphore, #tpu.memory_space<semaphore_mem>>
      %dma_start3A = arith.constant 0 : i32
      %dma_start3A_145 = arith.constant 0 : i32
      %dma_start3A_146 = tpu.memref_slice %arg14[%dma_start3A, %dma_start3A_145] : memref<80x128xf32, #tpu.memory_space<vmem>> -> memref<8x128xf32, #tpu.memory_space<vmem>>
      %dma_start3A_147 = arith.constant 0 : i32
      %dma_start3A_148 = tpu.memref_slice %arg17[%add3A_19, %dma_start3A_147] : memref<5248x128xf32, #tpu.memory_space<vmem_shared>> -> memref<8x128xf32, #tpu.memory_space<vmem_shared>>
      %dma_start3A_149 = arith.constant 0 : i32
      %dma_start3A_150 = tpu.memref_slice %arg17[%add3A_19, %dma_start3A_149] : memref<5248x128xf32, #tpu.memory_space<vmem_shared>> -> memref<8x128xf32, #tpu.memory_space<vmem_shared>>
      %dma_start3A_151 = arith.constant 0 : i32
      %dma_start3A_152 = arith.constant 0 : i32
      %dma_start3A_153 = tpu.memref_slice %arg14[%dma_start3A_151, %dma_start3A_152] : memref<80x128xf32, #tpu.memory_space<vmem>> -> memref<8x128xf32, #tpu.memory_space<vmem>>
      tpu.enqueue_dma source(%dma_start3A_153 : memref<8x128xf32, #tpu.memory_space<vmem>>) target(%dma_start3A_150 : memref<8x128xf32, #tpu.memory_space<vmem_shared>>) target_semaphore(%run_scoped3A_144 : memref<!tpu.dma_semaphore, #tpu.memory_space<semaphore_mem>>)
      %dma_wait3A = arith.constant 0 : i32
      %dma_wait3A_154 = arith.constant 0 : i32
      %dma_wait3A_155 = tpu.memref_slice %arg14[%dma_wait3A, %dma_wait3A_154] : memref<80x128xf32, #tpu.memory_space<vmem>> -> memref<8x128xf32, #tpu.memory_space<vmem>>
      %dma_wait3A_156 = arith.constant 0 : i32
      %dma_wait3A_157 = tpu.memref_slice %arg17[%add3A_19, %dma_wait3A_156] : memref<5248x128xf32, #tpu.memory_space<vmem_shared>> -> memref<8x128xf32, #tpu.memory_space<vmem_shared>>
      %dma_wait3A_158 = arith.constant 0 : i32
      %dma_wait3A_159 = tpu.memref_slice %arg17[%add3A_19, %dma_wait3A_158] : memref<5248x128xf32, #tpu.memory_space<vmem_shared>> -> memref<8x128xf32, #tpu.memory_space<vmem_shared>>
      %dma_wait3A_160 = arith.constant 0 : i32
      %dma_wait3A_161 = arith.constant 0 : i32
      %dma_wait3A_162 = tpu.memref_slice %arg14[%dma_wait3A_160, %dma_wait3A_161] : memref<80x128xf32, #tpu.memory_space<vmem>> -> memref<8x128xf32, #tpu.memory_space<vmem>>
      tpu.wait_dma2 semaphore(%run_scoped3A_144 : memref<!tpu.dma_semaphore, #tpu.memory_space<semaphore_mem>>) src(%dma_wait3A_162 : memref<8x128xf32, #tpu.memory_space<vmem>>) dst(%dma_wait3A_159 : memref<8x128xf32, #tpu.memory_space<vmem_shared>>)
      tpu.yield
    }) : () -> ()
    "tpu.region"() ({
      %run_scoped3A_144 = tpu.sem_alloc : memref<!tpu.dma_semaphore, #tpu.memory_space<semaphore_mem>>
      tpu.enqueue_dma source(%arg4 : memref<10240xf32, #tpu.memory_space<hbm>>) target(%arg15 : memref<10240xf32, #tpu.memory_space<vmem>>) target_semaphore(%run_scoped3A_144 : memref<!tpu.dma_semaphore, #tpu.memory_space<semaphore_mem>>)
      tpu.wait_dma2 semaphore(%run_scoped3A_144 : memref<!tpu.dma_semaphore, #tpu.memory_space<semaphore_mem>>) src(%arg4 : memref<10240xf32, #tpu.memory_space<hbm>>) dst(%arg15 : memref<10240xf32, #tpu.memory_space<vmem>>)
      tpu.yield
    }) : () -> ()
    %eq3A = arith.constant 0 : i32
    %eq3A_20 = arith.cmpi eq, %arg1, %eq3A : i32
    %convert_element_type3A = arith.extui %eq3A_20 : i1 to i32
    %cond3A = arith.constant 0 : i32
    %cond3A_21 = arith.cmpi ne, %convert_element_type3A, %cond3A : i32
    scf.if %cond3A_21 {
      "tpu.region"() ({
        %run_scoped3A_144 = tpu.sem_alloc : memref<!tpu.dma_semaphore, #tpu.memory_space<semaphore_mem>>
        %dma_start3A = arith.constant 0 : i32
        %dma_start3A_145 = tpu.memref_slice %arg8[%dma_start3A] : memref<10240xf32, #tpu.memory_space<hbm>> -> memref<5248xf32, #tpu.memory_space<hbm>>
        tpu.enqueue_dma source(%dma_start3A_145 : memref<5248xf32, #tpu.memory_space<hbm>>) target(%arg18 : memref<5248xf32, #tpu.memory_space<vmem_shared>>) target_semaphore(%run_scoped3A_144 : memref<!tpu.dma_semaphore, #tpu.memory_space<semaphore_mem>>)
        %dma_wait3A = arith.constant 0 : i32
        %dma_wait3A_146 = tpu.memref_slice %arg8[%dma_wait3A] : memref<10240xf32, #tpu.memory_space<hbm>> -> memref<5248xf32, #tpu.memory_space<hbm>>
        tpu.wait_dma2 semaphore(%run_scoped3A_144 : memref<!tpu.dma_semaphore, #tpu.memory_space<semaphore_mem>>) src(%dma_wait3A_146 : memref<5248xf32, #tpu.memory_space<hbm>>) dst(%arg18 : memref<5248xf32, #tpu.memory_space<vmem_shared>>)
        tpu.yield
      }) : () -> ()
    } else {
    }
    %iota3A = tpu.iota {dimensions = array<i32: 0>} : vector<16xi32>
    %run_scoped3A = arith.constant 1 : i32
    "tpu.region"() ({
      %run_scoped3A_144 = tpu.sem_alloc : memref<!tpu.dma_semaphore, #tpu.memory_space<semaphore_mem>>
      %dma_start3A = arith.constant 0 : i32
      %dma_start3A_145 = arith.constant 0 : i32
      %dma_start3A_146 = tpu.memref_slice %arg5[%run_scoped3A, %arg1, %dma_start3A, %dma_start3A_145] : memref<2x16x250x80xi32, #tpu.memory_space<hbm>> -> memref<1x1x250x80xi32, #tpu.memory_space<hbm>>
      %dma_start3A_147 = tpu.memref_squeeze %dma_start3A_146 : memref<1x1x250x80xi32, #tpu.memory_space<hbm>> -> memref<250x80xi32, #tpu.memory_space<hbm>>
      %dma_start3A_148 = arith.constant 0 : i32
      %dma_start3A_149 = arith.constant 0 : i32
      %dma_start3A_150 = tpu.memref_slice %arg5[%run_scoped3A, %arg1, %dma_start3A_148, %dma_start3A_149] : memref<2x16x250x80xi32, #tpu.memory_space<hbm>> -> memref<1x1x250x80xi32, #tpu.memory_space<hbm>>
      %dma_start3A_151 = tpu.memref_squeeze %dma_start3A_150 : memref<1x1x250x80xi32, #tpu.memory_space<hbm>> -> memref<250x80xi32, #tpu.memory_space<hbm>>
      tpu.enqueue_dma source(%dma_start3A_151 : memref<250x80xi32, #tpu.memory_space<hbm>>) target(%arg11 : memref<250x80xi32, #tpu.memory_space<vmem>>) target_semaphore(%run_scoped3A_144 : memref<!tpu.dma_semaphore, #tpu.memory_space<semaphore_mem>>)
      %dma_wait3A = arith.constant 0 : i32
      %dma_wait3A_152 = arith.constant 0 : i32
      %dma_wait3A_153 = tpu.memref_slice %arg5[%run_scoped3A, %arg1, %dma_wait3A, %dma_wait3A_152] : memref<2x16x250x80xi32, #tpu.memory_space<hbm>> -> memref<1x1x250x80xi32, #tpu.memory_space<hbm>>
      %dma_wait3A_154 = tpu.memref_squeeze %dma_wait3A_153 : memref<1x1x250x80xi32, #tpu.memory_space<hbm>> -> memref<250x80xi32, #tpu.memory_space<hbm>>
      %dma_wait3A_155 = arith.constant 0 : i32
      %dma_wait3A_156 = arith.constant 0 : i32
      %dma_wait3A_157 = tpu.memref_slice %arg5[%run_scoped3A, %arg1, %dma_wait3A_155, %dma_wait3A_156] : memref<2x16x250x80xi32, #tpu.memory_space<hbm>> -> memref<1x1x250x80xi32, #tpu.memory_space<hbm>>
      %dma_wait3A_158 = tpu.memref_squeeze %dma_wait3A_157 : memref<1x1x250x80xi32, #tpu.memory_space<hbm>> -> memref<250x80xi32, #tpu.memory_space<hbm>>
      tpu.wait_dma2 semaphore(%run_scoped3A_144 : memref<!tpu.dma_semaphore, #tpu.memory_space<semaphore_mem>>) src(%dma_wait3A_158 : memref<250x80xi32, #tpu.memory_space<hbm>>) dst(%arg11 : memref<250x80xi32, #tpu.memory_space<vmem>>)
      tpu.yield
    }) : () -> ()
    %run_scoped3A_22 = arith.constant 0 : i32
    "tpu.region"() ({
      %run_scoped3A_144 = tpu.sem_alloc : memref<!tpu.dma_semaphore, #tpu.memory_space<semaphore_mem>>
      %dma_start3A = arith.constant 0 : i32
      %dma_start3A_145 = arith.constant 0 : i32
      %dma_start3A_146 = tpu.memref_slice %arg6[%run_scoped3A_22, %arg1, %dma_start3A, %dma_start3A_145] : memref<2x16x250x80xi32, #tpu.memory_space<hbm>> -> memref<1x1x250x80xi32, #tpu.memory_space<hbm>>
      %dma_start3A_147 = tpu.memref_squeeze %dma_start3A_146 : memref<1x1x250x80xi32, #tpu.memory_space<hbm>> -> memref<250x80xi32, #tpu.memory_space<hbm>>
      %dma_start3A_148 = arith.constant 0 : i32
      %dma_start3A_149 = arith.constant 0 : i32
      %dma_start3A_150 = tpu.memref_slice %arg6[%run_scoped3A_22, %arg1, %dma_start3A_148, %dma_start3A_149] : memref<2x16x250x80xi32, #tpu.memory_space<hbm>> -> memref<1x1x250x80xi32, #tpu.memory_space<hbm>>
      %dma_start3A_151 = tpu.memref_squeeze %dma_start3A_150 : memref<1x1x250x80xi32, #tpu.memory_space<hbm>> -> memref<250x80xi32, #tpu.memory_space<hbm>>
      tpu.enqueue_dma source(%dma_start3A_151 : memref<250x80xi32, #tpu.memory_space<hbm>>) target(%arg12 : memref<250x80xi32, #tpu.memory_space<vmem>>) target_semaphore(%run_scoped3A_144 : memref<!tpu.dma_semaphore, #tpu.memory_space<semaphore_mem>>)
      %dma_wait3A = arith.constant 0 : i32
      %dma_wait3A_152 = arith.constant 0 : i32
      %dma_wait3A_153 = tpu.memref_slice %arg6[%run_scoped3A_22, %arg1, %dma_wait3A, %dma_wait3A_152] : memref<2x16x250x80xi32, #tpu.memory_space<hbm>> -> memref<1x1x250x80xi32, #tpu.memory_space<hbm>>
      %dma_wait3A_154 = tpu.memref_squeeze %dma_wait3A_153 : memref<1x1x250x80xi32, #tpu.memory_space<hbm>> -> memref<250x80xi32, #tpu.memory_space<hbm>>
      %dma_wait3A_155 = arith.constant 0 : i32
      %dma_wait3A_156 = arith.constant 0 : i32
      %dma_wait3A_157 = tpu.memref_slice %arg6[%run_scoped3A_22, %arg1, %dma_wait3A_155, %dma_wait3A_156] : memref<2x16x250x80xi32, #tpu.memory_space<hbm>> -> memref<1x1x250x80xi32, #tpu.memory_space<hbm>>
      %dma_wait3A_158 = tpu.memref_squeeze %dma_wait3A_157 : memref<1x1x250x80xi32, #tpu.memory_space<hbm>> -> memref<250x80xi32, #tpu.memory_space<hbm>>
      tpu.wait_dma2 semaphore(%run_scoped3A_144 : memref<!tpu.dma_semaphore, #tpu.memory_space<semaphore_mem>>) src(%dma_wait3A_158 : memref<250x80xi32, #tpu.memory_space<hbm>>) dst(%arg12 : memref<250x80xi32, #tpu.memory_space<vmem>>)
      tpu.yield
    }) : () -> ()
    %barrier3A = arith.constant 0 : index
    tpu.barrier barrier_id(%barrier3A)
    %scan3A = arith.constant 0 : i32
    %scan3A_23 = arith.constant 0 : i32
    %scan3A_24 = arith.constant 250 : i32
    %scan3A_25 = arith.addi %scan3A_23, %scan3A_24 : i32
    %scan3A_26 = arith.constant 1 : i32
    scf.for %scan3A_144 = %scan3A_23 to %scan3A_25 step %scan3A_26  : i32 {
      %dma_start3A = arith.constant 0 : i32
      %dma_start3A_145 = tpu.memref_slice %arg11[%scan3A_144, %dma_start3A] : memref<250x80xi32, #tpu.memory_space<vmem>> -> memref<1x80xi32, #tpu.memory_space<vmem>>
      %dma_start3A_146 = tpu.memref_squeeze %dma_start3A_145 : memref<1x80xi32, #tpu.memory_space<vmem>> -> memref<80xi32, #tpu.memory_space<vmem>>
      %dma_start3A_147 = arith.constant 0 : i32
      %dma_start3A_148 = arith.constant 0 : i32
      %dma_start3A_149 = tpu.memref_slice %arg2[%dma_start3A_147, %dma_start3A_148] : memref<10240x128xf32, #tpu.memory_space<hbm>> -> memref<10240x128xf32, #tpu.memory_space<hbm>>
      tpu.enqueue_indirect_dma source(%dma_start3A_149 : memref<10240x128xf32, #tpu.memory_space<hbm>>) target(%arg14 : memref<80x128xf32, #tpu.memory_space<vmem>>) offsets(%dma_start3A_146 : memref<80xi32, #tpu.memory_space<vmem>>) semaphore(%arg19 : memref<!tpu.dma_semaphore, #tpu.memory_space<semaphore_mem>>)
      %get3A = arith.constant 0 : i32
      %get3A_150 = tpu.memref_slice %arg12[%scan3A_144, %get3A] : memref<250x80xi32, #tpu.memory_space<vmem>> -> memref<1x80xi32, #tpu.memory_space<vmem>>
      %get3A_151 = tpu.memref_squeeze %get3A_150 : memref<1x80xi32, #tpu.memory_space<vmem>> -> memref<80xi32, #tpu.memory_space<vmem>>
      %get3A_152 = arith.constant 0 : index
      %get3A_153 = tpu.vector_load %get3A_151[%get3A_152] {strides = array<i32>} : memref<80xi32, #tpu.memory_space<vmem>>, vector<16xi32>,
      %sub3A = vector.broadcast %mul3A_0 : i32 to vector<16xi32>
      %sub3A_154 = arith.subi %get3A_153, %sub3A : vector<16xi32>
      %ge3A = arith.constant 0 : i32
      %ge3A_155 = vector.broadcast %ge3A : i32 to vector<16xi32>
      %ge3A_156 = arith.cmpi sge, %sub3A_154, %ge3A_155 : vector<16xi32>
      %lt3A = arith.constant 5120 : i32
      %lt3A_157 = vector.broadcast %lt3A : i32 to vector<16xi32>
      %lt3A_158 = arith.cmpi slt, %sub3A_154, %lt3A_157 : vector<16xi32>
      %and3A = arith.andi %ge3A_156, %lt3A_158 : vector<16xi1>
      %add3A_159 = arith.constant 5120 : i32
      %add3A_160 = vector.broadcast %add3A_159 : i32 to vector<16xi32>
      %add3A_161 = arith.addi %add3A_160, %iota3A : vector<16xi32>
      %select_n3A = arith.select %and3A, %sub3A_154, %add3A_161 : vector<16xi1>, vector<16xi32>
      %swap3A = arith.constant 0 : index
      %swap3A_162 = tpu.vector_load %arg13[%swap3A] {strides = array<i32>} : memref<80xi32, #tpu.memory_space<vmem>>, vector<16xi32>,
      tpu.vector_store %arg13[%swap3A], %select_n3A {strides = array<i32>} : memref<80xi32, #tpu.memory_space<vmem>>, vector<16xi32>,
      %get3A_163 = arith.constant 0 : i32
      %get3A_164 = tpu.memref_slice %arg12[%scan3A_144, %get3A_163] : memref<250x80xi32, #tpu.memory_space<vmem>> -> memref<1x80xi32, #tpu.memory_space<vmem>>
      %get3A_165 = tpu.memref_squeeze %get3A_164 : memref<1x80xi32, #tpu.memory_space<vmem>> -> memref<80xi32, #tpu.memory_space<vmem>>
      %get3A_166 = arith.constant 16 : index
      %get3A_167 = tpu.vector_load %get3A_165[%get3A_166] {strides = array<i32>} : memref<80xi32, #tpu.memory_space<vmem>>, vector<16xi32>,
      %sub3A_168 = vector.broadcast %mul3A_0 : i32 to vector<16xi32>
      %sub3A_169 = arith.subi %get3A_167, %sub3A_168 : vector<16xi32>
      %ge3A_170 = arith.constant 0 : i32
      %ge3A_171 = vector.broadcast %ge3A_170 : i32 to vector<16xi32>
      %ge3A_172 = arith.cmpi sge, %sub3A_169, %ge3A_171 : vector<16xi32>
      %lt3A_173 = arith.constant 5120 : i32
      %lt3A_174 = vector.broadcast %lt3A_173 : i32 to vector<16xi32>
      %lt3A_175 = arith.cmpi slt, %sub3A_169, %lt3A_174 : vector<16xi32>
      %and3A_176 = arith.andi %ge3A_172, %lt3A_175 : vector<16xi1>
      %add3A_177 = arith.constant 5136 : i32
      %add3A_178 = vector.broadcast %add3A_177 : i32 to vector<16xi32>
      %add3A_179 = arith.addi %add3A_178, %iota3A : vector<16xi32>
      %select_n3A_180 = arith.select %and3A_176, %sub3A_169, %add3A_179 : vector<16xi1>, vector<16xi32>
      %swap3A_181 = arith.constant 16 : index
      %swap3A_182 = tpu.vector_load %arg13[%swap3A_181] {strides = array<i32>} : memref<80xi32, #tpu.memory_space<vmem>>, vector<16xi32>,
      tpu.vector_store %arg13[%swap3A_181], %select_n3A_180 {strides = array<i32>} : memref<80xi32, #tpu.memory_space<vmem>>, vector<16xi32>,
      %get3A_183 = arith.constant 0 : i32
      %get3A_184 = tpu.memref_slice %arg12[%scan3A_144, %get3A_183] : memref<250x80xi32, #tpu.memory_space<vmem>> -> memref<1x80xi32, #tpu.memory_space<vmem>>
      %get3A_185 = tpu.memref_squeeze %get3A_184 : memref<1x80xi32, #tpu.memory_space<vmem>> -> memref<80xi32, #tpu.memory_space<vmem>>
      %get3A_186 = arith.constant 32 : index
      %get3A_187 = tpu.vector_load %get3A_185[%get3A_186] {strides = array<i32>} : memref<80xi32, #tpu.memory_space<vmem>>, vector<16xi32>,
      %sub3A_188 = vector.broadcast %mul3A_0 : i32 to vector<16xi32>
      %sub3A_189 = arith.subi %get3A_187, %sub3A_188 : vector<16xi32>
      %ge3A_190 = arith.constant 0 : i32
      %ge3A_191 = vector.broadcast %ge3A_190 : i32 to vector<16xi32>
      %ge3A_192 = arith.cmpi sge, %sub3A_189, %ge3A_191 : vector<16xi32>
      %lt3A_193 = arith.constant 5120 : i32
      %lt3A_194 = vector.broadcast %lt3A_193 : i32 to vector<16xi32>
      %lt3A_195 = arith.cmpi slt, %sub3A_189, %lt3A_194 : vector<16xi32>
      %and3A_196 = arith.andi %ge3A_192, %lt3A_195 : vector<16xi1>
      %add3A_197 = arith.constant 5152 : i32
      %add3A_198 = vector.broadcast %add3A_197 : i32 to vector<16xi32>
      %add3A_199 = arith.addi %add3A_198, %iota3A : vector<16xi32>
      %select_n3A_200 = arith.select %and3A_196, %sub3A_189, %add3A_199 : vector<16xi1>, vector<16xi32>
      %swap3A_201 = arith.constant 32 : index
      %swap3A_202 = tpu.vector_load %arg13[%swap3A_201] {strides = array<i32>} : memref<80xi32, #tpu.memory_space<vmem>>, vector<16xi32>,
      tpu.vector_store %arg13[%swap3A_201], %select_n3A_200 {strides = array<i32>} : memref<80xi32, #tpu.memory_space<vmem>>, vector<16xi32>,
      %get3A_203 = arith.constant 0 : i32
      %get3A_204 = tpu.memref_slice %arg12[%scan3A_144, %get3A_203] : memref<250x80xi32, #tpu.memory_space<vmem>> -> memref<1x80xi32, #tpu.memory_space<vmem>>
      %get3A_205 = tpu.memref_squeeze %get3A_204 : memref<1x80xi32, #tpu.memory_space<vmem>> -> memref<80xi32, #tpu.memory_space<vmem>>
      %get3A_206 = arith.constant 48 : index
      %get3A_207 = tpu.vector_load %get3A_205[%get3A_206] {strides = array<i32>} : memref<80xi32, #tpu.memory_space<vmem>>, vector<16xi32>,
      %sub3A_208 = vector.broadcast %mul3A_0 : i32 to vector<16xi32>
      %sub3A_209 = arith.subi %get3A_207, %sub3A_208 : vector<16xi32>
      %ge3A_210 = arith.constant 0 : i32
      %ge3A_211 = vector.broadcast %ge3A_210 : i32 to vector<16xi32>
      %ge3A_212 = arith.cmpi sge, %sub3A_209, %ge3A_211 : vector<16xi32>
      %lt3A_213 = arith.constant 5120 : i32
      %lt3A_214 = vector.broadcast %lt3A_213 : i32 to vector<16xi32>
      %lt3A_215 = arith.cmpi slt, %sub3A_209, %lt3A_214 : vector<16xi32>
      %and3A_216 = arith.andi %ge3A_212, %lt3A_215 : vector<16xi1>
      %add3A_217 = arith.constant 5168 : i32
      %add3A_218 = vector.broadcast %add3A_217 : i32 to vector<16xi32>
      %add3A_219 = arith.addi %add3A_218, %iota3A : vector<16xi32>
      %select_n3A_220 = arith.select %and3A_216, %sub3A_209, %add3A_219 : vector<16xi1>, vector<16xi32>
      %swap3A_221 = arith.constant 48 : index
      %swap3A_222 = tpu.vector_load %arg13[%swap3A_221] {strides = array<i32>} : memref<80xi32, #tpu.memory_space<vmem>>, vector<16xi32>,
      tpu.vector_store %arg13[%swap3A_221], %select_n3A_220 {strides = array<i32>} : memref<80xi32, #tpu.memory_space<vmem>>, vector<16xi32>,
      %get3A_223 = arith.constant 0 : i32
      %get3A_224 = tpu.memref_slice %arg12[%scan3A_144, %get3A_223] : memref<250x80xi32, #tpu.memory_space<vmem>> -> memref<1x80xi32, #tpu.memory_space<vmem>>
      %get3A_225 = tpu.memref_squeeze %get3A_224 : memref<1x80xi32, #tpu.memory_space<vmem>> -> memref<80xi32, #tpu.memory_space<vmem>>
      %get3A_226 = arith.constant 64 : index
      %get3A_227 = tpu.vector_load %get3A_225[%get3A_226] {strides = array<i32>} : memref<80xi32, #tpu.memory_space<vmem>>, vector<16xi32>,
      %sub3A_228 = vector.broadcast %mul3A_0 : i32 to vector<16xi32>
      %sub3A_229 = arith.subi %get3A_227, %sub3A_228 : vector<16xi32>
      %ge3A_230 = arith.constant 0 : i32
      %ge3A_231 = vector.broadcast %ge3A_230 : i32 to vector<16xi32>
      %ge3A_232 = arith.cmpi sge, %sub3A_229, %ge3A_231 : vector<16xi32>
      %lt3A_233 = arith.constant 5120 : i32
      %lt3A_234 = vector.broadcast %lt3A_233 : i32 to vector<16xi32>
      %lt3A_235 = arith.cmpi slt, %sub3A_229, %lt3A_234 : vector<16xi32>
      %and3A_236 = arith.andi %ge3A_232, %lt3A_235 : vector<16xi1>
      %add3A_237 = arith.constant 5184 : i32
      %add3A_238 = vector.broadcast %add3A_237 : i32 to vector<16xi32>
      %add3A_239 = arith.addi %add3A_238, %iota3A : vector<16xi32>
      %select_n3A_240 = arith.select %and3A_236, %sub3A_229, %add3A_239 : vector<16xi1>, vector<16xi32>
      %swap3A_241 = arith.constant 64 : index
      %swap3A_242 = tpu.vector_load %arg13[%swap3A_241] {strides = array<i32>} : memref<80xi32, #tpu.memory_space<vmem>>, vector<16xi32>,
      tpu.vector_store %arg13[%swap3A_241], %select_n3A_240 {strides = array<i32>} : memref<80xi32, #tpu.memory_space<vmem>>, vector<16xi32>,
      %get3A_243 = arith.constant 0 : i32
      %get3A_244 = tpu.memref_slice %arg11[%scan3A_144, %get3A_243] : memref<250x80xi32, #tpu.memory_space<vmem>> -> memref<1x80xi32, #tpu.memory_space<vmem>>
      %get3A_245 = tpu.memref_squeeze %get3A_244 : memref<1x80xi32, #tpu.memory_space<vmem>> -> memref<80xi32, #tpu.memory_space<vmem>>
      %get3A_246 = arith.constant 0 : index
      %get3A_247 = tpu.vector_load %get3A_245[%get3A_246] {strides = array<i32>} : memref<80xi32, #tpu.memory_space<vmem>>, vector<16xi32>,
      %gather3A = tpu.vector_load_idx %arg15[%get3A_247] : memref<10240xf32, #tpu.memory_space<vmem>>[vector<16xi32>], vector<16xf32>,
      %swap3A_248 = arith.constant 0 : index
      %swap3A_249 = tpu.vector_load %arg16[%swap3A_248] {strides = array<i32>} : memref<80xf32, #tpu.memory_space<vmem>>, vector<16xf32>,
      %swap3A_250 = vector.shape_cast %swap3A_249 : vector<16xf32> to vector<16xf32>
      %swap3A_251 = vector.shape_cast %gather3A : vector<16xf32> to vector<16xf32>
      tpu.vector_store %arg16[%swap3A_248], %swap3A_251 {strides = array<i32>} : memref<80xf32, #tpu.memory_space<vmem>>, vector<16xf32>,
      %get3A_252 = arith.constant 0 : i32
      %get3A_253 = tpu.memref_slice %arg11[%scan3A_144, %get3A_252] : memref<250x80xi32, #tpu.memory_space<vmem>> -> memref<1x80xi32, #tpu.memory_space<vmem>>
      %get3A_254 = tpu.memref_squeeze %get3A_253 : memref<1x80xi32, #tpu.memory_space<vmem>> -> memref<80xi32, #tpu.memory_space<vmem>>
      %get3A_255 = arith.constant 16 : index
      %get3A_256 = tpu.vector_load %get3A_254[%get3A_255] {strides = array<i32>} : memref<80xi32, #tpu.memory_space<vmem>>, vector<16xi32>,
      %gather3A_257 = tpu.vector_load_idx %arg15[%get3A_256] : memref<10240xf32, #tpu.memory_space<vmem>>[vector<16xi32>], vector<16xf32>,
      %swap3A_258 = arith.constant 16 : index
      %swap3A_259 = tpu.vector_load %arg16[%swap3A_258] {strides = array<i32>} : memref<80xf32, #tpu.memory_space<vmem>>, vector<16xf32>,
      %swap3A_260 = vector.shape_cast %swap3A_259 : vector<16xf32> to vector<16xf32>
      %swap3A_261 = vector.shape_cast %gather3A_257 : vector<16xf32> to vector<16xf32>
      tpu.vector_store %arg16[%swap3A_258], %swap3A_261 {strides = array<i32>} : memref<80xf32, #tpu.memory_space<vmem>>, vector<16xf32>,
      %get3A_262 = arith.constant 0 : i32
      %get3A_263 = tpu.memref_slice %arg11[%scan3A_144, %get3A_262] : memref<250x80xi32, #tpu.memory_space<vmem>> -> memref<1x80xi32, #tpu.memory_space<vmem>>
      %get3A_264 = tpu.memref_squeeze %get3A_263 : memref<1x80xi32, #tpu.memory_space<vmem>> -> memref<80xi32, #tpu.memory_space<vmem>>
      %get3A_265 = arith.constant 32 : index
      %get3A_266 = tpu.vector_load %get3A_264[%get3A_265] {strides = array<i32>} : memref<80xi32, #tpu.memory_space<vmem>>, vector<16xi32>,
      %gather3A_267 = tpu.vector_load_idx %arg15[%get3A_266] : memref<10240xf32, #tpu.memory_space<vmem>>[vector<16xi32>], vector<16xf32>,
      %swap3A_268 = arith.constant 32 : index
      %swap3A_269 = tpu.vector_load %arg16[%swap3A_268] {strides = array<i32>} : memref<80xf32, #tpu.memory_space<vmem>>, vector<16xf32>,
      %swap3A_270 = vector.shape_cast %swap3A_269 : vector<16xf32> to vector<16xf32>
      %swap3A_271 = vector.shape_cast %gather3A_267 : vector<16xf32> to vector<16xf32>
      tpu.vector_store %arg16[%swap3A_268], %swap3A_271 {strides = array<i32>} : memref<80xf32, #tpu.memory_space<vmem>>, vector<16xf32>,
      %get3A_272 = arith.constant 0 : i32
      %get3A_273 = tpu.memref_slice %arg11[%scan3A_144, %get3A_272] : memref<250x80xi32, #tpu.memory_space<vmem>> -> memref<1x80xi32, #tpu.memory_space<vmem>>
      %get3A_274 = tpu.memref_squeeze %get3A_273 : memref<1x80xi32, #tpu.memory_space<vmem>> -> memref<80xi32, #tpu.memory_space<vmem>>
      %get3A_275 = arith.constant 48 : index
      %get3A_276 = tpu.vector_load %get3A_274[%get3A_275] {strides = array<i32>} : memref<80xi32, #tpu.memory_space<vmem>>, vector<16xi32>,
      %gather3A_277 = tpu.vector_load_idx %arg15[%get3A_276] : memref<10240xf32, #tpu.memory_space<vmem>>[vector<16xi32>], vector<16xf32>,
      %swap3A_278 = arith.constant 48 : index
      %swap3A_279 = tpu.vector_load %arg16[%swap3A_278] {strides = array<i32>} : memref<80xf32, #tpu.memory_space<vmem>>, vector<16xf32>,
      %swap3A_280 = vector.shape_cast %swap3A_279 : vector<16xf32> to vector<16xf32>
      %swap3A_281 = vector.shape_cast %gather3A_277 : vector<16xf32> to vector<16xf32>
      tpu.vector_store %arg16[%swap3A_278], %swap3A_281 {strides = array<i32>} : memref<80xf32, #tpu.memory_space<vmem>>, vector<16xf32>,
      %get3A_282 = arith.constant 0 : i32
      %get3A_283 = tpu.memref_slice %arg11[%scan3A_144, %get3A_282] : memref<250x80xi32, #tpu.memory_space<vmem>> -> memref<1x80xi32, #tpu.memory_space<vmem>>
      %get3A_284 = tpu.memref_squeeze %get3A_283 : memref<1x80xi32, #tpu.memory_space<vmem>> -> memref<80xi32, #tpu.memory_space<vmem>>
      %get3A_285 = arith.constant 64 : index
      %get3A_286 = tpu.vector_load %get3A_284[%get3A_285] {strides = array<i32>} : memref<80xi32, #tpu.memory_space<vmem>>, vector<16xi32>,
      %gather3A_287 = tpu.vector_load_idx %arg15[%get3A_286] : memref<10240xf32, #tpu.memory_space<vmem>>[vector<16xi32>], vector<16xf32>,
      %swap3A_288 = arith.constant 64 : index
      %swap3A_289 = tpu.vector_load %arg16[%swap3A_288] {strides = array<i32>} : memref<80xf32, #tpu.memory_space<vmem>>, vector<16xf32>,
      %swap3A_290 = vector.shape_cast %swap3A_289 : vector<16xf32> to vector<16xf32>
      %swap3A_291 = vector.shape_cast %gather3A_287 : vector<16xf32> to vector<16xf32>
      tpu.vector_store %arg16[%swap3A_288], %swap3A_291 {strides = array<i32>} : memref<80xf32, #tpu.memory_space<vmem>>, vector<16xf32>,
      %dma_wait3A = arith.constant 0 : i32
      %dma_wait3A_292 = tpu.memref_slice %arg11[%scan3A_144, %dma_wait3A] : memref<250x80xi32, #tpu.memory_space<vmem>> -> memref<1x80xi32, #tpu.memory_space<vmem>>
      %dma_wait3A_293 = tpu.memref_squeeze %dma_wait3A_292 : memref<1x80xi32, #tpu.memory_space<vmem>> -> memref<80xi32, #tpu.memory_space<vmem>>
      %dma_wait3A_294 = arith.constant 0 : i32
      %dma_wait3A_295 = arith.constant 0 : i32
      %dma_wait3A_296 = tpu.memref_slice %arg2[%dma_wait3A_294, %dma_wait3A_295] : memref<10240x128xf32, #tpu.memory_space<hbm>> -> memref<10240x128xf32, #tpu.memory_space<hbm>>
      tpu.wait_indirect_dma semaphore(%arg19 : memref<!tpu.dma_semaphore, #tpu.memory_space<semaphore_mem>>) src(%dma_wait3A_296 : memref<10240x128xf32, #tpu.memory_space<hbm>>) dst(%arg14 : memref<80x128xf32, #tpu.memory_space<vmem>>)
      "tpu.region"() ({
        %run_scoped3A_297 = tpu.sem_alloc : memref<!tpu.dma_semaphore, #tpu.memory_space<semaphore_mem>>
        %dma_start3A_298 = arith.constant 0 : i32
        %dma_start3A_299 = arith.constant 0 : i32
        %dma_start3A_300 = tpu.memref_slice %arg17[%dma_start3A_298, %dma_start3A_299] : memref<5248x128xf32, #tpu.memory_space<vmem_shared>> -> memref<5248x128xf32, #tpu.memory_space<vmem_shared>>
        tpu.enqueue_indirect_dma source(%arg14 : memref<80x128xf32, #tpu.memory_space<vmem>>) target(%dma_start3A_300 : memref<5248x128xf32, #tpu.memory_space<vmem_shared>>) offsets(%arg13 : memref<80xi32, #tpu.memory_space<vmem>>) semaphore(%run_scoped3A_297 : memref<!tpu.dma_semaphore, #tpu.memory_space<semaphore_mem>>) {add = true}
        %dma_wait3A_301 = arith.constant 0 : i32
        %dma_wait3A_302 = arith.constant 0 : i32
        %dma_wait3A_303 = tpu.memref_slice %arg17[%dma_wait3A_301, %dma_wait3A_302] : memref<5248x128xf32, #tpu.memory_space<vmem_shared>> -> memref<5248x128xf32, #tpu.memory_space<vmem_shared>>
        tpu.wait_indirect_dma semaphore(%run_scoped3A_297 : memref<!tpu.dma_semaphore, #tpu.memory_space<semaphore_mem>>) src(%arg14 : memref<80x128xf32, #tpu.memory_space<vmem>>) dst(%dma_wait3A_303 : memref<5248x128xf32, #tpu.memory_space<vmem_shared>>)
        tpu.yield
      }) : () -> ()
      "tpu.region"() ({
        %run_scoped3A_297 = tpu.sem_alloc : memref<!tpu.dma_semaphore, #tpu.memory_space<semaphore_mem>>
        %dma_start3A_298 = arith.constant 0 : i32
        %dma_start3A_299 = tpu.memref_slice %arg18[%dma_start3A_298] : memref<5248xf32, #tpu.memory_space<vmem_shared>> -> memref<5248xf32, #tpu.memory_space<vmem_shared>>
        tpu.enqueue_indirect_dma source(%arg16 : memref<80xf32, #tpu.memory_space<vmem>>) target(%dma_start3A_299 : memref<5248xf32, #tpu.memory_space<vmem_shared>>) offsets(%arg13 : memref<80xi32, #tpu.memory_space<vmem>>) semaphore(%run_scoped3A_297 : memref<!tpu.dma_semaphore, #tpu.memory_space<semaphore_mem>>) {add = true}
        %dma_wait3A_300 = arith.constant 0 : i32
        %dma_wait3A_301 = tpu.memref_slice %arg18[%dma_wait3A_300] : memref<5248xf32, #tpu.memory_space<vmem_shared>> -> memref<5248xf32, #tpu.memory_space<vmem_shared>>
        tpu.wait_indirect_dma semaphore(%run_scoped3A_297 : memref<!tpu.dma_semaphore, #tpu.memory_space<semaphore_mem>>) src(%arg16 : memref<80xf32, #tpu.memory_space<vmem>>) dst(%dma_wait3A_301 : memref<5248xf32, #tpu.memory_space<vmem_shared>>)
        tpu.yield
      }) : () -> ()
    }
    %scan3A_27 = arith.constant 250 : i32
    %barrier3A_28 = arith.constant 0 : index
    tpu.barrier barrier_id(%barrier3A_28)
    %mul3A_29 = arith.constant 320 : i32
    %mul3A_30 = arith.muli %arg1, %mul3A_29 : i32
    %add3A_31 = arith.constant 0 : i32
    %add3A_32 = arith.addi %mul3A_30, %add3A_31 : i32
    "tpu.region"() ({
      %run_scoped3A_144 = tpu.sem_alloc : memref<!tpu.dma_semaphore, #tpu.memory_space<semaphore_mem>>
      %dma_start3A = arith.constant 0 : i32
      %dma_start3A_145 = arith.constant 0 : i32
      %dma_start3A_146 = tpu.memref_slice %arg14[%dma_start3A, %dma_start3A_145] : memref<80x128xf32, #tpu.memory_space<vmem>> -> memref<80x128xf32, #tpu.memory_space<vmem>>
      %dma_start3A_147 = arith.constant 0 : i32
      %dma_start3A_148 = tpu.memref_slice %arg17[%add3A_32, %dma_start3A_147] : memref<5248x128xf32, #tpu.memory_space<vmem_shared>> -> memref<80x128xf32, #tpu.memory_space<vmem_shared>>
      %dma_start3A_149 = arith.constant 0 : i32
      %dma_start3A_150 = arith.constant 0 : i32
      %dma_start3A_151 = tpu.memref_slice %arg14[%dma_start3A_149, %dma_start3A_150] : memref<80x128xf32, #tpu.memory_space<vmem>> -> memref<80x128xf32, #tpu.memory_space<vmem>>
      %dma_start3A_152 = arith.constant 0 : i32
      %dma_start3A_153 = tpu.memref_slice %arg17[%add3A_32, %dma_start3A_152] : memref<5248x128xf32, #tpu.memory_space<vmem_shared>> -> memref<80x128xf32, #tpu.memory_space<vmem_shared>>
      tpu.enqueue_dma source(%dma_start3A_153 : memref<80x128xf32, #tpu.memory_space<vmem_shared>>) target(%dma_start3A_151 : memref<80x128xf32, #tpu.memory_space<vmem>>) target_semaphore(%run_scoped3A_144 : memref<!tpu.dma_semaphore, #tpu.memory_space<semaphore_mem>>)
      %dma_wait3A = arith.constant 0 : i32
      %dma_wait3A_154 = arith.constant 0 : i32
      %dma_wait3A_155 = tpu.memref_slice %arg14[%dma_wait3A, %dma_wait3A_154] : memref<80x128xf32, #tpu.memory_space<vmem>> -> memref<80x128xf32, #tpu.memory_space<vmem>>
      %dma_wait3A_156 = arith.constant 0 : i32
      %dma_wait3A_157 = tpu.memref_slice %arg17[%add3A_32, %dma_wait3A_156] : memref<5248x128xf32, #tpu.memory_space<vmem_shared>> -> memref<80x128xf32, #tpu.memory_space<vmem_shared>>
      %dma_wait3A_158 = arith.constant 0 : i32
      %dma_wait3A_159 = arith.constant 0 : i32
      %dma_wait3A_160 = tpu.memref_slice %arg14[%dma_wait3A_158, %dma_wait3A_159] : memref<80x128xf32, #tpu.memory_space<vmem>> -> memref<80x128xf32, #tpu.memory_space<vmem>>
      %dma_wait3A_161 = arith.constant 0 : i32
      %dma_wait3A_162 = tpu.memref_slice %arg17[%add3A_32, %dma_wait3A_161] : memref<5248x128xf32, #tpu.memory_space<vmem_shared>> -> memref<80x128xf32, #tpu.memory_space<vmem_shared>>
      tpu.wait_dma2 semaphore(%run_scoped3A_144 : memref<!tpu.dma_semaphore, #tpu.memory_space<semaphore_mem>>) src(%dma_wait3A_162 : memref<80x128xf32, #tpu.memory_space<vmem_shared>>) dst(%dma_wait3A_160 : memref<80x128xf32, #tpu.memory_space<vmem>>)
      tpu.yield
    }) : () -> ()
    %mul3A_33 = arith.constant 320 : i32
    %mul3A_34 = arith.muli %arg1, %mul3A_33 : i32
    %add3A_35 = arith.addi %mul3A_0, %mul3A_34 : i32
    %add3A_36 = arith.constant 0 : i32
    %add3A_37 = arith.addi %add3A_35, %add3A_36 : i32
    %run_scoped3A_38 = arith.constant 0 : i32
    "tpu.region"() ({
      %run_scoped3A_144 = tpu.sem_alloc : memref<!tpu.dma_semaphore, #tpu.memory_space<semaphore_mem>>
      %dma_start3A = arith.constant 0 : i32
      %dma_start3A_145 = arith.constant 0 : i32
      %dma_start3A_146 = tpu.memref_slice %arg14[%dma_start3A, %dma_start3A_145] : memref<80x128xf32, #tpu.memory_space<vmem>> -> memref<80x128xf32, #tpu.memory_space<vmem>>
      %dma_start3A_147 = arith.constant 0 : i32
      %dma_start3A_148 = tpu.memref_slice %arg9[%run_scoped3A_38, %add3A_37, %dma_start3A_147] : memref<2x10240x128xf32, #tpu.memory_space<hbm>> -> memref<1x80x128xf32, #tpu.memory_space<hbm>>
      %dma_start3A_149 = tpu.memref_squeeze %dma_start3A_148 : memref<1x80x128xf32, #tpu.memory_space<hbm>> -> memref<80x128xf32, #tpu.memory_space<hbm>>
      %dma_start3A_150 = arith.constant 0 : i32
      %dma_start3A_151 = tpu.memref_slice %arg9[%run_scoped3A_38, %add3A_37, %dma_start3A_150] : memref<2x10240x128xf32, #tpu.memory_space<hbm>> -> memref<1x80x128xf32, #tpu.memory_space<hbm>>
      %dma_start3A_152 = tpu.memref_squeeze %dma_start3A_151 : memref<1x80x128xf32, #tpu.memory_space<hbm>> -> memref<80x128xf32, #tpu.memory_space<hbm>>
      %dma_start3A_153 = arith.constant 0 : i32
      %dma_start3A_154 = arith.constant 0 : i32
      %dma_start3A_155 = tpu.memref_slice %arg14[%dma_start3A_153, %dma_start3A_154] : memref<80x128xf32, #tpu.memory_space<vmem>> -> memref<80x128xf32, #tpu.memory_space<vmem>>
      tpu.enqueue_dma source(%dma_start3A_155 : memref<80x128xf32, #tpu.memory_space<vmem>>) target(%dma_start3A_152 : memref<80x128xf32, #tpu.memory_space<hbm>>) target_semaphore(%run_scoped3A_144 : memref<!tpu.dma_semaphore, #tpu.memory_space<semaphore_mem>>)
      %dma_wait3A = arith.constant 0 : i32
      %dma_wait3A_156 = arith.constant 0 : i32
      %dma_wait3A_157 = tpu.memref_slice %arg14[%dma_wait3A, %dma_wait3A_156] : memref<80x128xf32, #tpu.memory_space<vmem>> -> memref<80x128xf32, #tpu.memory_space<vmem>>
      %dma_wait3A_158 = arith.constant 0 : i32
      %dma_wait3A_159 = tpu.memref_slice %arg9[%run_scoped3A_38, %add3A_37, %dma_wait3A_158] : memref<2x10240x128xf32, #tpu.memory_space<hbm>> -> memref<1x80x128xf32, #tpu.memory_space<hbm>>
      %dma_wait3A_160 = tpu.memref_squeeze %dma_wait3A_159 : memref<1x80x128xf32, #tpu.memory_space<hbm>> -> memref<80x128xf32, #tpu.memory_space<hbm>>
      %dma_wait3A_161 = arith.constant 0 : i32
      %dma_wait3A_162 = tpu.memref_slice %arg9[%run_scoped3A_38, %add3A_37, %dma_wait3A_161] : memref<2x10240x128xf32, #tpu.memory_space<hbm>> -> memref<1x80x128xf32, #tpu.memory_space<hbm>>
      %dma_wait3A_163 = tpu.memref_squeeze %dma_wait3A_162 : memref<1x80x128xf32, #tpu.memory_space<hbm>> -> memref<80x128xf32, #tpu.memory_space<hbm>>
      %dma_wait3A_164 = arith.constant 0 : i32
      %dma_wait3A_165 = arith.constant 0 : i32
      %dma_wait3A_166 = tpu.memref_slice %arg14[%dma_wait3A_164, %dma_wait3A_165] : memref<80x128xf32, #tpu.memory_space<vmem>> -> memref<80x128xf32, #tpu.memory_space<vmem>>
      tpu.wait_dma2 semaphore(%run_scoped3A_144 : memref<!tpu.dma_semaphore, #tpu.memory_space<semaphore_mem>>) src(%dma_wait3A_166 : memref<80x128xf32, #tpu.memory_space<vmem>>) dst(%dma_wait3A_163 : memref<80x128xf32, #tpu.memory_space<hbm>>)
      tpu.yield
    }) : () -> ()
    %mul3A_39 = arith.constant 320 : i32
    %mul3A_40 = arith.muli %arg1, %mul3A_39 : i32
    %add3A_41 = arith.constant 80 : i32
    %add3A_42 = arith.addi %mul3A_40, %add3A_41 : i32
    "tpu.region"() ({
      %run_scoped3A_144 = tpu.sem_alloc : memref<!tpu.dma_semaphore, #tpu.memory_space<semaphore_mem>>
      %dma_start3A = arith.constant 0 : i32
      %dma_start3A_145 = arith.constant 0 : i32
      %dma_start3A_146 = tpu.memref_slice %arg14[%dma_start3A, %dma_start3A_145] : memref<80x128xf32, #tpu.memory_space<vmem>> -> memref<80x128xf32, #tpu.memory_space<vmem>>
      %dma_start3A_147 = arith.constant 0 : i32
      %dma_start3A_148 = tpu.memref_slice %arg17[%add3A_42, %dma_start3A_147] : memref<5248x128xf32, #tpu.memory_space<vmem_shared>> -> memref<80x128xf32, #tpu.memory_space<vmem_shared>>
      %dma_start3A_149 = arith.constant 0 : i32
      %dma_start3A_150 = arith.constant 0 : i32
      %dma_start3A_151 = tpu.memref_slice %arg14[%dma_start3A_149, %dma_start3A_150] : memref<80x128xf32, #tpu.memory_space<vmem>> -> memref<80x128xf32, #tpu.memory_space<vmem>>
      %dma_start3A_152 = arith.constant 0 : i32
      %dma_start3A_153 = tpu.memref_slice %arg17[%add3A_42, %dma_start3A_152] : memref<5248x128xf32, #tpu.memory_space<vmem_shared>> -> memref<80x128xf32, #tpu.memory_space<vmem_shared>>
      tpu.enqueue_dma source(%dma_start3A_153 : memref<80x128xf32, #tpu.memory_space<vmem_shared>>) target(%dma_start3A_151 : memref<80x128xf32, #tpu.memory_space<vmem>>) target_semaphore(%run_scoped3A_144 : memref<!tpu.dma_semaphore, #tpu.memory_space<semaphore_mem>>)
      %dma_wait3A = arith.constant 0 : i32
      %dma_wait3A_154 = arith.constant 0 : i32
      %dma_wait3A_155 = tpu.memref_slice %arg14[%dma_wait3A, %dma_wait3A_154] : memref<80x128xf32, #tpu.memory_space<vmem>> -> memref<80x128xf32, #tpu.memory_space<vmem>>
      %dma_wait3A_156 = arith.constant 0 : i32
      %dma_wait3A_157 = tpu.memref_slice %arg17[%add3A_42, %dma_wait3A_156] : memref<5248x128xf32, #tpu.memory_space<vmem_shared>> -> memref<80x128xf32, #tpu.memory_space<vmem_shared>>
      %dma_wait3A_158 = arith.constant 0 : i32
      %dma_wait3A_159 = arith.constant 0 : i32
      %dma_wait3A_160 = tpu.memref_slice %arg14[%dma_wait3A_158, %dma_wait3A_159] : memref<80x128xf32, #tpu.memory_space<vmem>> -> memref<80x128xf32, #tpu.memory_space<vmem>>
      %dma_wait3A_161 = arith.constant 0 : i32
      %dma_wait3A_162 = tpu.memref_slice %arg17[%add3A_42, %dma_wait3A_161] : memref<5248x128xf32, #tpu.memory_space<vmem_shared>> -> memref<80x128xf32, #tpu.memory_space<vmem_shared>>
      tpu.wait_dma2 semaphore(%run_scoped3A_144 : memref<!tpu.dma_semaphore, #tpu.memory_space<semaphore_mem>>) src(%dma_wait3A_162 : memref<80x128xf32, #tpu.memory_space<vmem_shared>>) dst(%dma_wait3A_160 : memref<80x128xf32, #tpu.memory_space<vmem>>)
      tpu.yield
    }) : () -> ()
    %mul3A_43 = arith.constant 320 : i32
    %mul3A_44 = arith.muli %arg1, %mul3A_43 : i32
    %add3A_45 = arith.addi %mul3A_0, %mul3A_44 : i32
    %add3A_46 = arith.constant 80 : i32
    %add3A_47 = arith.addi %add3A_45, %add3A_46 : i32
    %run_scoped3A_48 = arith.constant 0 : i32
    "tpu.region"() ({
      %run_scoped3A_144 = tpu.sem_alloc : memref<!tpu.dma_semaphore, #tpu.memory_space<semaphore_mem>>
      %dma_start3A = arith.constant 0 : i32
      %dma_start3A_145 = arith.constant 0 : i32
      %dma_start3A_146 = tpu.memref_slice %arg14[%dma_start3A, %dma_start3A_145] : memref<80x128xf32, #tpu.memory_space<vmem>> -> memref<80x128xf32, #tpu.memory_space<vmem>>
      %dma_start3A_147 = arith.constant 0 : i32
      %dma_start3A_148 = tpu.memref_slice %arg9[%run_scoped3A_48, %add3A_47, %dma_start3A_147] : memref<2x10240x128xf32, #tpu.memory_space<hbm>> -> memref<1x80x128xf32, #tpu.memory_space<hbm>>
      %dma_start3A_149 = tpu.memref_squeeze %dma_start3A_148 : memref<1x80x128xf32, #tpu.memory_space<hbm>> -> memref<80x128xf32, #tpu.memory_space<hbm>>
      %dma_start3A_150 = arith.constant 0 : i32
      %dma_start3A_151 = tpu.memref_slice %arg9[%run_scoped3A_48, %add3A_47, %dma_start3A_150] : memref<2x10240x128xf32, #tpu.memory_space<hbm>> -> memref<1x80x128xf32, #tpu.memory_space<hbm>>
      %dma_start3A_152 = tpu.memref_squeeze %dma_start3A_151 : memref<1x80x128xf32, #tpu.memory_space<hbm>> -> memref<80x128xf32, #tpu.memory_space<hbm>>
      %dma_start3A_153 = arith.constant 0 : i32
      %dma_start3A_154 = arith.constant 0 : i32
      %dma_start3A_155 = tpu.memref_slice %arg14[%dma_start3A_153, %dma_start3A_154] : memref<80x128xf32, #tpu.memory_space<vmem>> -> memref<80x128xf32, #tpu.memory_space<vmem>>
      tpu.enqueue_dma source(%dma_start3A_155 : memref<80x128xf32, #tpu.memory_space<vmem>>) target(%dma_start3A_152 : memref<80x128xf32, #tpu.memory_space<hbm>>) target_semaphore(%run_scoped3A_144 : memref<!tpu.dma_semaphore, #tpu.memory_space<semaphore_mem>>)
      %dma_wait3A = arith.constant 0 : i32
      %dma_wait3A_156 = arith.constant 0 : i32
      %dma_wait3A_157 = tpu.memref_slice %arg14[%dma_wait3A, %dma_wait3A_156] : memref<80x128xf32, #tpu.memory_space<vmem>> -> memref<80x128xf32, #tpu.memory_space<vmem>>
      %dma_wait3A_158 = arith.constant 0 : i32
      %dma_wait3A_159 = tpu.memref_slice %arg9[%run_scoped3A_48, %add3A_47, %dma_wait3A_158] : memref<2x10240x128xf32, #tpu.memory_space<hbm>> -> memref<1x80x128xf32, #tpu.memory_space<hbm>>
      %dma_wait3A_160 = tpu.memref_squeeze %dma_wait3A_159 : memref<1x80x128xf32, #tpu.memory_space<hbm>> -> memref<80x128xf32, #tpu.memory_space<hbm>>
      %dma_wait3A_161 = arith.constant 0 : i32
      %dma_wait3A_162 = tpu.memref_slice %arg9[%run_scoped3A_48, %add3A_47, %dma_wait3A_161] : memref<2x10240x128xf32, #tpu.memory_space<hbm>> -> memref<1x80x128xf32, #tpu.memory_space<hbm>>
      %dma_wait3A_163 = tpu.memref_squeeze %dma_wait3A_162 : memref<1x80x128xf32, #tpu.memory_space<hbm>> -> memref<80x128xf32, #tpu.memory_space<hbm>>
      %dma_wait3A_164 = arith.constant 0 : i32
      %dma_wait3A_165 = arith.constant 0 : i32
      %dma_wait3A_166 = tpu.memref_slice %arg14[%dma_wait3A_164, %dma_wait3A_165] : memref<80x128xf32, #tpu.memory_space<vmem>> -> memref<80x128xf32, #tpu.memory_space<vmem>>
      tpu.wait_dma2 semaphore(%run_scoped3A_144 : memref<!tpu.dma_semaphore, #tpu.memory_space<semaphore_mem>>) src(%dma_wait3A_166 : memref<80x128xf32, #tpu.memory_space<vmem>>) dst(%dma_wait3A_163 : memref<80x128xf32, #tpu.memory_space<hbm>>)
      tpu.yield
    }) : () -> ()
    %mul3A_49 = arith.constant 320 : i32
    %mul3A_50 = arith.muli %arg1, %mul3A_49 : i32
    %add3A_51 = arith.constant 160 : i32
    %add3A_52 = arith.addi %mul3A_50, %add3A_51 : i32
    "tpu.region"() ({
      %run_scoped3A_144 = tpu.sem_alloc : memref<!tpu.dma_semaphore, #tpu.memory_space<semaphore_mem>>
      %dma_start3A = arith.constant 0 : i32
      %dma_start3A_145 = arith.constant 0 : i32
      %dma_start3A_146 = tpu.memref_slice %arg14[%dma_start3A, %dma_start3A_145] : memref<80x128xf32, #tpu.memory_space<vmem>> -> memref<80x128xf32, #tpu.memory_space<vmem>>
      %dma_start3A_147 = arith.constant 0 : i32
      %dma_start3A_148 = tpu.memref_slice %arg17[%add3A_52, %dma_start3A_147] : memref<5248x128xf32, #tpu.memory_space<vmem_shared>> -> memref<80x128xf32, #tpu.memory_space<vmem_shared>>
      %dma_start3A_149 = arith.constant 0 : i32
      %dma_start3A_150 = arith.constant 0 : i32
      %dma_start3A_151 = tpu.memref_slice %arg14[%dma_start3A_149, %dma_start3A_150] : memref<80x128xf32, #tpu.memory_space<vmem>> -> memref<80x128xf32, #tpu.memory_space<vmem>>
      %dma_start3A_152 = arith.constant 0 : i32
      %dma_start3A_153 = tpu.memref_slice %arg17[%add3A_52, %dma_start3A_152] : memref<5248x128xf32, #tpu.memory_space<vmem_shared>> -> memref<80x128xf32, #tpu.memory_space<vmem_shared>>
      tpu.enqueue_dma source(%dma_start3A_153 : memref<80x128xf32, #tpu.memory_space<vmem_shared>>) target(%dma_start3A_151 : memref<80x128xf32, #tpu.memory_space<vmem>>) target_semaphore(%run_scoped3A_144 : memref<!tpu.dma_semaphore, #tpu.memory_space<semaphore_mem>>)
      %dma_wait3A = arith.constant 0 : i32
      %dma_wait3A_154 = arith.constant 0 : i32
      %dma_wait3A_155 = tpu.memref_slice %arg14[%dma_wait3A, %dma_wait3A_154] : memref<80x128xf32, #tpu.memory_space<vmem>> -> memref<80x128xf32, #tpu.memory_space<vmem>>
      %dma_wait3A_156 = arith.constant 0 : i32
      %dma_wait3A_157 = tpu.memref_slice %arg17[%add3A_52, %dma_wait3A_156] : memref<5248x128xf32, #tpu.memory_space<vmem_shared>> -> memref<80x128xf32, #tpu.memory_space<vmem_shared>>
      %dma_wait3A_158 = arith.constant 0 : i32
      %dma_wait3A_159 = arith.constant 0 : i32
      %dma_wait3A_160 = tpu.memref_slice %arg14[%dma_wait3A_158, %dma_wait3A_159] : memref<80x128xf32, #tpu.memory_space<vmem>> -> memref<80x128xf32, #tpu.memory_space<vmem>>
      %dma_wait3A_161 = arith.constant 0 : i32
      %dma_wait3A_162 = tpu.memref_slice %arg17[%add3A_52, %dma_wait3A_161] : memref<5248x128xf32, #tpu.memory_space<vmem_shared>> -> memref<80x128xf32, #tpu.memory_space<vmem_shared>>
      tpu.wait_dma2 semaphore(%run_scoped3A_144 : memref<!tpu.dma_semaphore, #tpu.memory_space<semaphore_mem>>) src(%dma_wait3A_162 : memref<80x128xf32, #tpu.memory_space<vmem_shared>>) dst(%dma_wait3A_160 : memref<80x128xf32, #tpu.memory_space<vmem>>)
      tpu.yield
    }) : () -> ()
    %mul3A_53 = arith.constant 320 : i32
    %mul3A_54 = arith.muli %arg1, %mul3A_53 : i32
    %add3A_55 = arith.addi %mul3A_0, %mul3A_54 : i32
    %add3A_56 = arith.constant 160 : i32
    %add3A_57 = arith.addi %add3A_55, %add3A_56 : i32
    %run_scoped3A_58 = arith.constant 0 : i32
    "tpu.region"() ({
      %run_scoped3A_144 = tpu.sem_alloc : memref<!tpu.dma_semaphore, #tpu.memory_space<semaphore_mem>>
      %dma_start3A = arith.constant 0 : i32
      %dma_start3A_145 = arith.constant 0 : i32
      %dma_start3A_146 = tpu.memref_slice %arg14[%dma_start3A, %dma_start3A_145] : memref<80x128xf32, #tpu.memory_space<vmem>> -> memref<80x128xf32, #tpu.memory_space<vmem>>
      %dma_start3A_147 = arith.constant 0 : i32
      %dma_start3A_148 = tpu.memref_slice %arg9[%run_scoped3A_58, %add3A_57, %dma_start3A_147] : memref<2x10240x128xf32, #tpu.memory_space<hbm>> -> memref<1x80x128xf32, #tpu.memory_space<hbm>>
      %dma_start3A_149 = tpu.memref_squeeze %dma_start3A_148 : memref<1x80x128xf32, #tpu.memory_space<hbm>> -> memref<80x128xf32, #tpu.memory_space<hbm>>
      %dma_start3A_150 = arith.constant 0 : i32
      %dma_start3A_151 = tpu.memref_slice %arg9[%run_scoped3A_58, %add3A_57, %dma_start3A_150] : memref<2x10240x128xf32, #tpu.memory_space<hbm>> -> memref<1x80x128xf32, #tpu.memory_space<hbm>>
      %dma_start3A_152 = tpu.memref_squeeze %dma_start3A_151 : memref<1x80x128xf32, #tpu.memory_space<hbm>> -> memref<80x128xf32, #tpu.memory_space<hbm>>
      %dma_start3A_153 = arith.constant 0 : i32
      %dma_start3A_154 = arith.constant 0 : i32
      %dma_start3A_155 = tpu.memref_slice %arg14[%dma_start3A_153, %dma_start3A_154] : memref<80x128xf32, #tpu.memory_space<vmem>> -> memref<80x128xf32, #tpu.memory_space<vmem>>
      tpu.enqueue_dma source(%dma_start3A_155 : memref<80x128xf32, #tpu.memory_space<vmem>>) target(%dma_start3A_152 : memref<80x128xf32, #tpu.memory_space<hbm>>) target_semaphore(%run_scoped3A_144 : memref<!tpu.dma_semaphore, #tpu.memory_space<semaphore_mem>>)
      %dma_wait3A = arith.constant 0 : i32
      %dma_wait3A_156 = arith.constant 0 : i32
      %dma_wait3A_157 = tpu.memref_slice %arg14[%dma_wait3A, %dma_wait3A_156] : memref<80x128xf32, #tpu.memory_space<vmem>> -> memref<80x128xf32, #tpu.memory_space<vmem>>
      %dma_wait3A_158 = arith.constant 0 : i32
      %dma_wait3A_159 = tpu.memref_slice %arg9[%run_scoped3A_58, %add3A_57, %dma_wait3A_158] : memref<2x10240x128xf32, #tpu.memory_space<hbm>> -> memref<1x80x128xf32, #tpu.memory_space<hbm>>
      %dma_wait3A_160 = tpu.memref_squeeze %dma_wait3A_159 : memref<1x80x128xf32, #tpu.memory_space<hbm>> -> memref<80x128xf32, #tpu.memory_space<hbm>>
      %dma_wait3A_161 = arith.constant 0 : i32
      %dma_wait3A_162 = tpu.memref_slice %arg9[%run_scoped3A_58, %add3A_57, %dma_wait3A_161] : memref<2x10240x128xf32, #tpu.memory_space<hbm>> -> memref<1x80x128xf32, #tpu.memory_space<hbm>>
      %dma_wait3A_163 = tpu.memref_squeeze %dma_wait3A_162 : memref<1x80x128xf32, #tpu.memory_space<hbm>> -> memref<80x128xf32, #tpu.memory_space<hbm>>
      %dma_wait3A_164 = arith.constant 0 : i32
      %dma_wait3A_165 = arith.constant 0 : i32
      %dma_wait3A_166 = tpu.memref_slice %arg14[%dma_wait3A_164, %dma_wait3A_165] : memref<80x128xf32, #tpu.memory_space<vmem>> -> memref<80x128xf32, #tpu.memory_space<vmem>>
      tpu.wait_dma2 semaphore(%run_scoped3A_144 : memref<!tpu.dma_semaphore, #tpu.memory_space<semaphore_mem>>) src(%dma_wait3A_166 : memref<80x128xf32, #tpu.memory_space<vmem>>) dst(%dma_wait3A_163 : memref<80x128xf32, #tpu.memory_space<hbm>>)
      tpu.yield
    }) : () -> ()
    %mul3A_59 = arith.constant 320 : i32
    %mul3A_60 = arith.muli %arg1, %mul3A_59 : i32
    %add3A_61 = arith.constant 240 : i32
    %add3A_62 = arith.addi %mul3A_60, %add3A_61 : i32
    "tpu.region"() ({
      %run_scoped3A_144 = tpu.sem_alloc : memref<!tpu.dma_semaphore, #tpu.memory_space<semaphore_mem>>
      %dma_start3A = arith.constant 0 : i32
      %dma_start3A_145 = arith.constant 0 : i32
      %dma_start3A_146 = tpu.memref_slice %arg14[%dma_start3A, %dma_start3A_145] : memref<80x128xf32, #tpu.memory_space<vmem>> -> memref<80x128xf32, #tpu.memory_space<vmem>>
      %dma_start3A_147 = arith.constant 0 : i32
      %dma_start3A_148 = tpu.memref_slice %arg17[%add3A_62, %dma_start3A_147] : memref<5248x128xf32, #tpu.memory_space<vmem_shared>> -> memref<80x128xf32, #tpu.memory_space<vmem_shared>>
      %dma_start3A_149 = arith.constant 0 : i32
      %dma_start3A_150 = arith.constant 0 : i32
      %dma_start3A_151 = tpu.memref_slice %arg14[%dma_start3A_149, %dma_start3A_150] : memref<80x128xf32, #tpu.memory_space<vmem>> -> memref<80x128xf32, #tpu.memory_space<vmem>>
      %dma_start3A_152 = arith.constant 0 : i32
      %dma_start3A_153 = tpu.memref_slice %arg17[%add3A_62, %dma_start3A_152] : memref<5248x128xf32, #tpu.memory_space<vmem_shared>> -> memref<80x128xf32, #tpu.memory_space<vmem_shared>>
      tpu.enqueue_dma source(%dma_start3A_153 : memref<80x128xf32, #tpu.memory_space<vmem_shared>>) target(%dma_start3A_151 : memref<80x128xf32, #tpu.memory_space<vmem>>) target_semaphore(%run_scoped3A_144 : memref<!tpu.dma_semaphore, #tpu.memory_space<semaphore_mem>>)
      %dma_wait3A = arith.constant 0 : i32
      %dma_wait3A_154 = arith.constant 0 : i32
      %dma_wait3A_155 = tpu.memref_slice %arg14[%dma_wait3A, %dma_wait3A_154] : memref<80x128xf32, #tpu.memory_space<vmem>> -> memref<80x128xf32, #tpu.memory_space<vmem>>
      %dma_wait3A_156 = arith.constant 0 : i32
      %dma_wait3A_157 = tpu.memref_slice %arg17[%add3A_62, %dma_wait3A_156] : memref<5248x128xf32, #tpu.memory_space<vmem_shared>> -> memref<80x128xf32, #tpu.memory_space<vmem_shared>>
      %dma_wait3A_158 = arith.constant 0 : i32
      %dma_wait3A_159 = arith.constant 0 : i32
      %dma_wait3A_160 = tpu.memref_slice %arg14[%dma_wait3A_158, %dma_wait3A_159] : memref<80x128xf32, #tpu.memory_space<vmem>> -> memref<80x128xf32, #tpu.memory_space<vmem>>
      %dma_wait3A_161 = arith.constant 0 : i32
      %dma_wait3A_162 = tpu.memref_slice %arg17[%add3A_62, %dma_wait3A_161] : memref<5248x128xf32, #tpu.memory_space<vmem_shared>> -> memref<80x128xf32, #tpu.memory_space<vmem_shared>>
      tpu.wait_dma2 semaphore(%run_scoped3A_144 : memref<!tpu.dma_semaphore, #tpu.memory_space<semaphore_mem>>) src(%dma_wait3A_162 : memref<80x128xf32, #tpu.memory_space<vmem_shared>>) dst(%dma_wait3A_160 : memref<80x128xf32, #tpu.memory_space<vmem>>)
      tpu.yield
    }) : () -> ()
    %mul3A_63 = arith.constant 320 : i32
    %mul3A_64 = arith.muli %arg1, %mul3A_63 : i32
    %add3A_65 = arith.addi %mul3A_0, %mul3A_64 : i32
    %add3A_66 = arith.constant 240 : i32
    %add3A_67 = arith.addi %add3A_65, %add3A_66 : i32
    %run_scoped3A_68 = arith.constant 0 : i32
    "tpu.region"() ({
      %run_scoped3A_144 = tpu.sem_alloc : memref<!tpu.dma_semaphore, #tpu.memory_space<semaphore_mem>>
      %dma_start3A = arith.constant 0 : i32
      %dma_start3A_145 = arith.constant 0 : i32
      %dma_start3A_146 = tpu.memref_slice %arg14[%dma_start3A, %dma_start3A_145] : memref<80x128xf32, #tpu.memory_space<vmem>> -> memref<80x128xf32, #tpu.memory_space<vmem>>
      %dma_start3A_147 = arith.constant 0 : i32
      %dma_start3A_148 = tpu.memref_slice %arg9[%run_scoped3A_68, %add3A_67, %dma_start3A_147] : memref<2x10240x128xf32, #tpu.memory_space<hbm>> -> memref<1x80x128xf32, #tpu.memory_space<hbm>>
      %dma_start3A_149 = tpu.memref_squeeze %dma_start3A_148 : memref<1x80x128xf32, #tpu.memory_space<hbm>> -> memref<80x128xf32, #tpu.memory_space<hbm>>
      %dma_start3A_150 = arith.constant 0 : i32
      %dma_start3A_151 = tpu.memref_slice %arg9[%run_scoped3A_68, %add3A_67, %dma_start3A_150] : memref<2x10240x128xf32, #tpu.memory_space<hbm>> -> memref<1x80x128xf32, #tpu.memory_space<hbm>>
      %dma_start3A_152 = tpu.memref_squeeze %dma_start3A_151 : memref<1x80x128xf32, #tpu.memory_space<hbm>> -> memref<80x128xf32, #tpu.memory_space<hbm>>
      %dma_start3A_153 = arith.constant 0 : i32
      %dma_start3A_154 = arith.constant 0 : i32
      %dma_start3A_155 = tpu.memref_slice %arg14[%dma_start3A_153, %dma_start3A_154] : memref<80x128xf32, #tpu.memory_space<vmem>> -> memref<80x128xf32, #tpu.memory_space<vmem>>
      tpu.enqueue_dma source(%dma_start3A_155 : memref<80x128xf32, #tpu.memory_space<vmem>>) target(%dma_start3A_152 : memref<80x128xf32, #tpu.memory_space<hbm>>) target_semaphore(%run_scoped3A_144 : memref<!tpu.dma_semaphore, #tpu.memory_space<semaphore_mem>>)
      %dma_wait3A = arith.constant 0 : i32
      %dma_wait3A_156 = arith.constant 0 : i32
      %dma_wait3A_157 = tpu.memref_slice %arg14[%dma_wait3A, %dma_wait3A_156] : memref<80x128xf32, #tpu.memory_space<vmem>> -> memref<80x128xf32, #tpu.memory_space<vmem>>
      %dma_wait3A_158 = arith.constant 0 : i32
      %dma_wait3A_159 = tpu.memref_slice %arg9[%run_scoped3A_68, %add3A_67, %dma_wait3A_158] : memref<2x10240x128xf32, #tpu.memory_space<hbm>> -> memref<1x80x128xf32, #tpu.memory_space<hbm>>
      %dma_wait3A_160 = tpu.memref_squeeze %dma_wait3A_159 : memref<1x80x128xf32, #tpu.memory_space<hbm>> -> memref<80x128xf32, #tpu.memory_space<hbm>>
      %dma_wait3A_161 = arith.constant 0 : i32
      %dma_wait3A_162 = tpu.memref_slice %arg9[%run_scoped3A_68, %add3A_67, %dma_wait3A_161] : memref<2x10240x128xf32, #tpu.memory_space<hbm>> -> memref<1x80x128xf32, #tpu.memory_space<hbm>>
      %dma_wait3A_163 = tpu.memref_squeeze %dma_wait3A_162 : memref<1x80x128xf32, #tpu.memory_space<hbm>> -> memref<80x128xf32, #tpu.memory_space<hbm>>
      %dma_wait3A_164 = arith.constant 0 : i32
      %dma_wait3A_165 = arith.constant 0 : i32
      %dma_wait3A_166 = tpu.memref_slice %arg14[%dma_wait3A_164, %dma_wait3A_165] : memref<80x128xf32, #tpu.memory_space<vmem>> -> memref<80x128xf32, #tpu.memory_space<vmem>>
      tpu.wait_dma2 semaphore(%run_scoped3A_144 : memref<!tpu.dma_semaphore, #tpu.memory_space<semaphore_mem>>) src(%dma_wait3A_166 : memref<80x128xf32, #tpu.memory_space<vmem>>) dst(%dma_wait3A_163 : memref<80x128xf32, #tpu.memory_space<hbm>>)
      tpu.yield
    }) : () -> ()
    %mul3A_69 = arith.constant 320 : i32
    %mul3A_70 = arith.muli %arg1, %mul3A_69 : i32
    "tpu.region"() ({
      %run_scoped3A_144 = tpu.sem_alloc : memref<!tpu.dma_semaphore, #tpu.memory_space<semaphore_mem>>
      %dma_start3A = arith.constant 0 : i32
      %dma_start3A_145 = tpu.memref_slice %arg15[%dma_start3A] : memref<10240xf32, #tpu.memory_space<vmem>> -> memref<320xf32, #tpu.memory_space<vmem>>
      %dma_start3A_146 = tpu.memref_slice %arg18[%mul3A_70] : memref<5248xf32, #tpu.memory_space<vmem_shared>> -> memref<320xf32, #tpu.memory_space<vmem_shared>>
      %dma_start3A_147 = arith.constant 0 : i32
      %dma_start3A_148 = tpu.memref_slice %arg15[%dma_start3A_147] : memref<10240xf32, #tpu.memory_space<vmem>> -> memref<320xf32, #tpu.memory_space<vmem>>
      %dma_start3A_149 = tpu.memref_slice %arg18[%mul3A_70] : memref<5248xf32, #tpu.memory_space<vmem_shared>> -> memref<320xf32, #tpu.memory_space<vmem_shared>>
      tpu.enqueue_dma source(%dma_start3A_149 : memref<320xf32, #tpu.memory_space<vmem_shared>>) target(%dma_start3A_148 : memref<320xf32, #tpu.memory_space<vmem>>) target_semaphore(%run_scoped3A_144 : memref<!tpu.dma_semaphore, #tpu.memory_space<semaphore_mem>>)
      %dma_wait3A = arith.constant 0 : i32
      %dma_wait3A_150 = tpu.memref_slice %arg15[%dma_wait3A] : memref<10240xf32, #tpu.memory_space<vmem>> -> memref<320xf32, #tpu.memory_space<vmem>>
      %dma_wait3A_151 = tpu.memref_slice %arg18[%mul3A_70] : memref<5248xf32, #tpu.memory_space<vmem_shared>> -> memref<320xf32, #tpu.memory_space<vmem_shared>>
      %dma_wait3A_152 = arith.constant 0 : i32
      %dma_wait3A_153 = tpu.memref_slice %arg15[%dma_wait3A_152] : memref<10240xf32, #tpu.memory_space<vmem>> -> memref<320xf32, #tpu.memory_space<vmem>>
      %dma_wait3A_154 = tpu.memref_slice %arg18[%mul3A_70] : memref<5248xf32, #tpu.memory_space<vmem_shared>> -> memref<320xf32, #tpu.memory_space<vmem_shared>>
      tpu.wait_dma2 semaphore(%run_scoped3A_144 : memref<!tpu.dma_semaphore, #tpu.memory_space<semaphore_mem>>) src(%dma_wait3A_154 : memref<320xf32, #tpu.memory_space<vmem_shared>>) dst(%dma_wait3A_153 : memref<320xf32, #tpu.memory_space<vmem>>)
      tpu.yield
    }) : () -> ()
    %mul3A_71 = arith.constant 320 : i32
    %mul3A_72 = arith.muli %arg1, %mul3A_71 : i32
    %add3A_73 = arith.addi %mul3A_0, %mul3A_72 : i32
    "tpu.region"() ({
      %run_scoped3A_144 = tpu.sem_alloc : memref<!tpu.dma_semaphore, #tpu.memory_space<semaphore_mem>>
      %dma_start3A = arith.constant 0 : i32
      %dma_start3A_145 = tpu.memref_slice %arg15[%dma_start3A] : memref<10240xf32, #tpu.memory_space<vmem>> -> memref<320xf32, #tpu.memory_space<vmem>>
      %dma_start3A_146 = tpu.memref_slice %arg10[%add3A_73] : memref<10240xf32, #tpu.memory_space<hbm>> -> memref<320xf32, #tpu.memory_space<hbm>>
      %dma_start3A_147 = tpu.memref_slice %arg10[%add3A_73] : memref<10240xf32, #tpu.memory_space<hbm>> -> memref<320xf32, #tpu.memory_space<hbm>>
      %dma_start3A_148 = arith.constant 0 : i32
      %dma_start3A_149 = tpu.memref_slice %arg15[%dma_start3A_148] : memref<10240xf32, #tpu.memory_space<vmem>> -> memref<320xf32, #tpu.memory_space<vmem>>
      tpu.enqueue_dma source(%dma_start3A_149 : memref<320xf32, #tpu.memory_space<vmem>>) target(%dma_start3A_147 : memref<320xf32, #tpu.memory_space<hbm>>) target_semaphore(%run_scoped3A_144 : memref<!tpu.dma_semaphore, #tpu.memory_space<semaphore_mem>>)
      %dma_wait3A = arith.constant 0 : i32
      %dma_wait3A_150 = tpu.memref_slice %arg15[%dma_wait3A] : memref<10240xf32, #tpu.memory_space<vmem>> -> memref<320xf32, #tpu.memory_space<vmem>>
      %dma_wait3A_151 = tpu.memref_slice %arg10[%add3A_73] : memref<10240xf32, #tpu.memory_space<hbm>> -> memref<320xf32, #tpu.memory_space<hbm>>
      %dma_wait3A_152 = tpu.memref_slice %arg10[%add3A_73] : memref<10240xf32, #tpu.memory_space<hbm>> -> memref<320xf32, #tpu.memory_space<hbm>>
      %dma_wait3A_153 = arith.constant 0 : i32
      %dma_wait3A_154 = tpu.memref_slice %arg15[%dma_wait3A_153] : memref<10240xf32, #tpu.memory_space<vmem>> -> memref<320xf32, #tpu.memory_space<vmem>>
      tpu.wait_dma2 semaphore(%run_scoped3A_144 : memref<!tpu.dma_semaphore, #tpu.memory_space<semaphore_mem>>) src(%dma_wait3A_154 : memref<320xf32, #tpu.memory_space<vmem>>) dst(%dma_wait3A_152 : memref<320xf32, #tpu.memory_space<hbm>>)
      tpu.yield
    }) : () -> ()
    "tpu.region"() ({
      %run_scoped3A_144 = tpu.sem_alloc : memref<!tpu.dma_semaphore, #tpu.memory_space<semaphore_mem>>
      tpu.enqueue_dma source(%arg7 : memref<80x128xf32, #tpu.memory_space<hbm>>) target(%arg14 : memref<80x128xf32, #tpu.memory_space<vmem>>) target_semaphore(%run_scoped3A_144 : memref<!tpu.dma_semaphore, #tpu.memory_space<semaphore_mem>>)
      tpu.wait_dma2 semaphore(%run_scoped3A_144 : memref<!tpu.dma_semaphore, #tpu.memory_space<semaphore_mem>>) src(%arg7 : memref<80x128xf32, #tpu.memory_space<hbm>>) dst(%arg14 : memref<80x128xf32, #tpu.memory_space<vmem>>)
      tpu.yield
    }) : () -> ()
    %mul3A_74 = arith.constant 328 : i32
    %mul3A_75 = arith.muli %arg1, %mul3A_74 : i32
    %add3A_76 = arith.constant 0 : i32
    %add3A_77 = arith.addi %mul3A_75, %add3A_76 : i32
    "tpu.region"() ({
      %run_scoped3A_144 = tpu.sem_alloc : memref<!tpu.dma_semaphore, #tpu.memory_space<semaphore_mem>>
      %dma_start3A = arith.constant 0 : i32
      %dma_start3A_145 = arith.constant 0 : i32
      %dma_start3A_146 = tpu.memref_slice %arg14[%dma_start3A, %dma_start3A_145] : memref<80x128xf32, #tpu.memory_space<vmem>> -> memref<80x128xf32, #tpu.memory_space<vmem>>
      %dma_start3A_147 = arith.constant 0 : i32
      %dma_start3A_148 = tpu.memref_slice %arg17[%add3A_77, %dma_start3A_147] : memref<5248x128xf32, #tpu.memory_space<vmem_shared>> -> memref<80x128xf32, #tpu.memory_space<vmem_shared>>
      %dma_start3A_149 = arith.constant 0 : i32
      %dma_start3A_150 = tpu.memref_slice %arg17[%add3A_77, %dma_start3A_149] : memref<5248x128xf32, #tpu.memory_space<vmem_shared>> -> memref<80x128xf32, #tpu.memory_space<vmem_shared>>
      %dma_start3A_151 = arith.constant 0 : i32
      %dma_start3A_152 = arith.constant 0 : i32
      %dma_start3A_153 = tpu.memref_slice %arg14[%dma_start3A_151, %dma_start3A_152] : memref<80x128xf32, #tpu.memory_space<vmem>> -> memref<80x128xf32, #tpu.memory_space<vmem>>
      tpu.enqueue_dma source(%dma_start3A_153 : memref<80x128xf32, #tpu.memory_space<vmem>>) target(%dma_start3A_150 : memref<80x128xf32, #tpu.memory_space<vmem_shared>>) target_semaphore(%run_scoped3A_144 : memref<!tpu.dma_semaphore, #tpu.memory_space<semaphore_mem>>)
      %dma_wait3A = arith.constant 0 : i32
      %dma_wait3A_154 = arith.constant 0 : i32
      %dma_wait3A_155 = tpu.memref_slice %arg14[%dma_wait3A, %dma_wait3A_154] : memref<80x128xf32, #tpu.memory_space<vmem>> -> memref<80x128xf32, #tpu.memory_space<vmem>>
      %dma_wait3A_156 = arith.constant 0 : i32
      %dma_wait3A_157 = tpu.memref_slice %arg17[%add3A_77, %dma_wait3A_156] : memref<5248x128xf32, #tpu.memory_space<vmem_shared>> -> memref<80x128xf32, #tpu.memory_space<vmem_shared>>
      %dma_wait3A_158 = arith.constant 0 : i32
      %dma_wait3A_159 = tpu.memref_slice %arg17[%add3A_77, %dma_wait3A_158] : memref<5248x128xf32, #tpu.memory_space<vmem_shared>> -> memref<80x128xf32, #tpu.memory_space<vmem_shared>>
      %dma_wait3A_160 = arith.constant 0 : i32
      %dma_wait3A_161 = arith.constant 0 : i32
      %dma_wait3A_162 = tpu.memref_slice %arg14[%dma_wait3A_160, %dma_wait3A_161] : memref<80x128xf32, #tpu.memory_space<vmem>> -> memref<80x128xf32, #tpu.memory_space<vmem>>
      tpu.wait_dma2 semaphore(%run_scoped3A_144 : memref<!tpu.dma_semaphore, #tpu.memory_space<semaphore_mem>>) src(%dma_wait3A_162 : memref<80x128xf32, #tpu.memory_space<vmem>>) dst(%dma_wait3A_159 : memref<80x128xf32, #tpu.memory_space<vmem_shared>>)
      tpu.yield
    }) : () -> ()
    %mul3A_78 = arith.constant 328 : i32
    %mul3A_79 = arith.muli %arg1, %mul3A_78 : i32
    %add3A_80 = arith.constant 80 : i32
    %add3A_81 = arith.addi %mul3A_79, %add3A_80 : i32
    "tpu.region"() ({
      %run_scoped3A_144 = tpu.sem_alloc : memref<!tpu.dma_semaphore, #tpu.memory_space<semaphore_mem>>
      %dma_start3A = arith.constant 0 : i32
      %dma_start3A_145 = arith.constant 0 : i32
      %dma_start3A_146 = tpu.memref_slice %arg14[%dma_start3A, %dma_start3A_145] : memref<80x128xf32, #tpu.memory_space<vmem>> -> memref<80x128xf32, #tpu.memory_space<vmem>>
      %dma_start3A_147 = arith.constant 0 : i32
      %dma_start3A_148 = tpu.memref_slice %arg17[%add3A_81, %dma_start3A_147] : memref<5248x128xf32, #tpu.memory_space<vmem_shared>> -> memref<80x128xf32, #tpu.memory_space<vmem_shared>>
      %dma_start3A_149 = arith.constant 0 : i32
      %dma_start3A_150 = tpu.memref_slice %arg17[%add3A_81, %dma_start3A_149] : memref<5248x128xf32, #tpu.memory_space<vmem_shared>> -> memref<80x128xf32, #tpu.memory_space<vmem_shared>>
      %dma_start3A_151 = arith.constant 0 : i32
      %dma_start3A_152 = arith.constant 0 : i32
      %dma_start3A_153 = tpu.memref_slice %arg14[%dma_start3A_151, %dma_start3A_152] : memref<80x128xf32, #tpu.memory_space<vmem>> -> memref<80x128xf32, #tpu.memory_space<vmem>>
      tpu.enqueue_dma source(%dma_start3A_153 : memref<80x128xf32, #tpu.memory_space<vmem>>) target(%dma_start3A_150 : memref<80x128xf32, #tpu.memory_space<vmem_shared>>) target_semaphore(%run_scoped3A_144 : memref<!tpu.dma_semaphore, #tpu.memory_space<semaphore_mem>>)
      %dma_wait3A = arith.constant 0 : i32
      %dma_wait3A_154 = arith.constant 0 : i32
      %dma_wait3A_155 = tpu.memref_slice %arg14[%dma_wait3A, %dma_wait3A_154] : memref<80x128xf32, #tpu.memory_space<vmem>> -> memref<80x128xf32, #tpu.memory_space<vmem>>
      %dma_wait3A_156 = arith.constant 0 : i32
      %dma_wait3A_157 = tpu.memref_slice %arg17[%add3A_81, %dma_wait3A_156] : memref<5248x128xf32, #tpu.memory_space<vmem_shared>> -> memref<80x128xf32, #tpu.memory_space<vmem_shared>>
      %dma_wait3A_158 = arith.constant 0 : i32
      %dma_wait3A_159 = tpu.memref_slice %arg17[%add3A_81, %dma_wait3A_158] : memref<5248x128xf32, #tpu.memory_space<vmem_shared>> -> memref<80x128xf32, #tpu.memory_space<vmem_shared>>
      %dma_wait3A_160 = arith.constant 0 : i32
      %dma_wait3A_161 = arith.constant 0 : i32
      %dma_wait3A_162 = tpu.memref_slice %arg14[%dma_wait3A_160, %dma_wait3A_161] : memref<80x128xf32, #tpu.memory_space<vmem>> -> memref<80x128xf32, #tpu.memory_space<vmem>>
      tpu.wait_dma2 semaphore(%run_scoped3A_144 : memref<!tpu.dma_semaphore, #tpu.memory_space<semaphore_mem>>) src(%dma_wait3A_162 : memref<80x128xf32, #tpu.memory_space<vmem>>) dst(%dma_wait3A_159 : memref<80x128xf32, #tpu.memory_space<vmem_shared>>)
      tpu.yield
    }) : () -> ()
    %mul3A_82 = arith.constant 328 : i32
    %mul3A_83 = arith.muli %arg1, %mul3A_82 : i32
    %add3A_84 = arith.constant 160 : i32
    %add3A_85 = arith.addi %mul3A_83, %add3A_84 : i32
    "tpu.region"() ({
      %run_scoped3A_144 = tpu.sem_alloc : memref<!tpu.dma_semaphore, #tpu.memory_space<semaphore_mem>>
      %dma_start3A = arith.constant 0 : i32
      %dma_start3A_145 = arith.constant 0 : i32
      %dma_start3A_146 = tpu.memref_slice %arg14[%dma_start3A, %dma_start3A_145] : memref<80x128xf32, #tpu.memory_space<vmem>> -> memref<80x128xf32, #tpu.memory_space<vmem>>
      %dma_start3A_147 = arith.constant 0 : i32
      %dma_start3A_148 = tpu.memref_slice %arg17[%add3A_85, %dma_start3A_147] : memref<5248x128xf32, #tpu.memory_space<vmem_shared>> -> memref<80x128xf32, #tpu.memory_space<vmem_shared>>
      %dma_start3A_149 = arith.constant 0 : i32
      %dma_start3A_150 = tpu.memref_slice %arg17[%add3A_85, %dma_start3A_149] : memref<5248x128xf32, #tpu.memory_space<vmem_shared>> -> memref<80x128xf32, #tpu.memory_space<vmem_shared>>
      %dma_start3A_151 = arith.constant 0 : i32
      %dma_start3A_152 = arith.constant 0 : i32
      %dma_start3A_153 = tpu.memref_slice %arg14[%dma_start3A_151, %dma_start3A_152] : memref<80x128xf32, #tpu.memory_space<vmem>> -> memref<80x128xf32, #tpu.memory_space<vmem>>
      tpu.enqueue_dma source(%dma_start3A_153 : memref<80x128xf32, #tpu.memory_space<vmem>>) target(%dma_start3A_150 : memref<80x128xf32, #tpu.memory_space<vmem_shared>>) target_semaphore(%run_scoped3A_144 : memref<!tpu.dma_semaphore, #tpu.memory_space<semaphore_mem>>)
      %dma_wait3A = arith.constant 0 : i32
      %dma_wait3A_154 = arith.constant 0 : i32
      %dma_wait3A_155 = tpu.memref_slice %arg14[%dma_wait3A, %dma_wait3A_154] : memref<80x128xf32, #tpu.memory_space<vmem>> -> memref<80x128xf32, #tpu.memory_space<vmem>>
      %dma_wait3A_156 = arith.constant 0 : i32
      %dma_wait3A_157 = tpu.memref_slice %arg17[%add3A_85, %dma_wait3A_156] : memref<5248x128xf32, #tpu.memory_space<vmem_shared>> -> memref<80x128xf32, #tpu.memory_space<vmem_shared>>
      %dma_wait3A_158 = arith.constant 0 : i32
      %dma_wait3A_159 = tpu.memref_slice %arg17[%add3A_85, %dma_wait3A_158] : memref<5248x128xf32, #tpu.memory_space<vmem_shared>> -> memref<80x128xf32, #tpu.memory_space<vmem_shared>>
      %dma_wait3A_160 = arith.constant 0 : i32
      %dma_wait3A_161 = arith.constant 0 : i32
      %dma_wait3A_162 = tpu.memref_slice %arg14[%dma_wait3A_160, %dma_wait3A_161] : memref<80x128xf32, #tpu.memory_space<vmem>> -> memref<80x128xf32, #tpu.memory_space<vmem>>
      tpu.wait_dma2 semaphore(%run_scoped3A_144 : memref<!tpu.dma_semaphore, #tpu.memory_space<semaphore_mem>>) src(%dma_wait3A_162 : memref<80x128xf32, #tpu.memory_space<vmem>>) dst(%dma_wait3A_159 : memref<80x128xf32, #tpu.memory_space<vmem_shared>>)
      tpu.yield
    }) : () -> ()
    %mul3A_86 = arith.constant 328 : i32
    %mul3A_87 = arith.muli %arg1, %mul3A_86 : i32
    %add3A_88 = arith.constant 240 : i32
    %add3A_89 = arith.addi %mul3A_87, %add3A_88 : i32
    "tpu.region"() ({
      %run_scoped3A_144 = tpu.sem_alloc : memref<!tpu.dma_semaphore, #tpu.memory_space<semaphore_mem>>
      %dma_start3A = arith.constant 0 : i32
      %dma_start3A_145 = arith.constant 0 : i32
      %dma_start3A_146 = tpu.memref_slice %arg14[%dma_start3A, %dma_start3A_145] : memref<80x128xf32, #tpu.memory_space<vmem>> -> memref<80x128xf32, #tpu.memory_space<vmem>>
      %dma_start3A_147 = arith.constant 0 : i32
      %dma_start3A_148 = tpu.memref_slice %arg17[%add3A_89, %dma_start3A_147] : memref<5248x128xf32, #tpu.memory_space<vmem_shared>> -> memref<80x128xf32, #tpu.memory_space<vmem_shared>>
      %dma_start3A_149 = arith.constant 0 : i32
      %dma_start3A_150 = tpu.memref_slice %arg17[%add3A_89, %dma_start3A_149] : memref<5248x128xf32, #tpu.memory_space<vmem_shared>> -> memref<80x128xf32, #tpu.memory_space<vmem_shared>>
      %dma_start3A_151 = arith.constant 0 : i32
      %dma_start3A_152 = arith.constant 0 : i32
      %dma_start3A_153 = tpu.memref_slice %arg14[%dma_start3A_151, %dma_start3A_152] : memref<80x128xf32, #tpu.memory_space<vmem>> -> memref<80x128xf32, #tpu.memory_space<vmem>>
      tpu.enqueue_dma source(%dma_start3A_153 : memref<80x128xf32, #tpu.memory_space<vmem>>) target(%dma_start3A_150 : memref<80x128xf32, #tpu.memory_space<vmem_shared>>) target_semaphore(%run_scoped3A_144 : memref<!tpu.dma_semaphore, #tpu.memory_space<semaphore_mem>>)
      %dma_wait3A = arith.constant 0 : i32
      %dma_wait3A_154 = arith.constant 0 : i32
      %dma_wait3A_155 = tpu.memref_slice %arg14[%dma_wait3A, %dma_wait3A_154] : memref<80x128xf32, #tpu.memory_space<vmem>> -> memref<80x128xf32, #tpu.memory_space<vmem>>
      %dma_wait3A_156 = arith.constant 0 : i32
      %dma_wait3A_157 = tpu.memref_slice %arg17[%add3A_89, %dma_wait3A_156] : memref<5248x128xf32, #tpu.memory_space<vmem_shared>> -> memref<80x128xf32, #tpu.memory_space<vmem_shared>>
      %dma_wait3A_158 = arith.constant 0 : i32
      %dma_wait3A_159 = tpu.memref_slice %arg17[%add3A_89, %dma_wait3A_158] : memref<5248x128xf32, #tpu.memory_space<vmem_shared>> -> memref<80x128xf32, #tpu.memory_space<vmem_shared>>
      %dma_wait3A_160 = arith.constant 0 : i32
      %dma_wait3A_161 = arith.constant 0 : i32
      %dma_wait3A_162 = tpu.memref_slice %arg14[%dma_wait3A_160, %dma_wait3A_161] : memref<80x128xf32, #tpu.memory_space<vmem>> -> memref<80x128xf32, #tpu.memory_space<vmem>>
      tpu.wait_dma2 semaphore(%run_scoped3A_144 : memref<!tpu.dma_semaphore, #tpu.memory_space<semaphore_mem>>) src(%dma_wait3A_162 : memref<80x128xf32, #tpu.memory_space<vmem>>) dst(%dma_wait3A_159 : memref<80x128xf32, #tpu.memory_space<vmem_shared>>)
      tpu.yield
    }) : () -> ()
    %mul3A_90 = arith.constant 328 : i32
    %mul3A_91 = arith.muli %arg1, %mul3A_90 : i32
    %add3A_92 = arith.constant 320 : i32
    %add3A_93 = arith.addi %mul3A_91, %add3A_92 : i32
    "tpu.region"() ({
      %run_scoped3A_144 = tpu.sem_alloc : memref<!tpu.dma_semaphore, #tpu.memory_space<semaphore_mem>>
      %dma_start3A = arith.constant 0 : i32
      %dma_start3A_145 = arith.constant 0 : i32
      %dma_start3A_146 = tpu.memref_slice %arg14[%dma_start3A, %dma_start3A_145] : memref<80x128xf32, #tpu.memory_space<vmem>> -> memref<8x128xf32, #tpu.memory_space<vmem>>
      %dma_start3A_147 = arith.constant 0 : i32
      %dma_start3A_148 = tpu.memref_slice %arg17[%add3A_93, %dma_start3A_147] : memref<5248x128xf32, #tpu.memory_space<vmem_shared>> -> memref<8x128xf32, #tpu.memory_space<vmem_shared>>
      %dma_start3A_149 = arith.constant 0 : i32
      %dma_start3A_150 = tpu.memref_slice %arg17[%add3A_93, %dma_start3A_149] : memref<5248x128xf32, #tpu.memory_space<vmem_shared>> -> memref<8x128xf32, #tpu.memory_space<vmem_shared>>
      %dma_start3A_151 = arith.constant 0 : i32
      %dma_start3A_152 = arith.constant 0 : i32
      %dma_start3A_153 = tpu.memref_slice %arg14[%dma_start3A_151, %dma_start3A_152] : memref<80x128xf32, #tpu.memory_space<vmem>> -> memref<8x128xf32, #tpu.memory_space<vmem>>
      tpu.enqueue_dma source(%dma_start3A_153 : memref<8x128xf32, #tpu.memory_space<vmem>>) target(%dma_start3A_150 : memref<8x128xf32, #tpu.memory_space<vmem_shared>>) target_semaphore(%run_scoped3A_144 : memref<!tpu.dma_semaphore, #tpu.memory_space<semaphore_mem>>)
      %dma_wait3A = arith.constant 0 : i32
      %dma_wait3A_154 = arith.constant 0 : i32
      %dma_wait3A_155 = tpu.memref_slice %arg14[%dma_wait3A, %dma_wait3A_154] : memref<80x128xf32, #tpu.memory_space<vmem>> -> memref<8x128xf32, #tpu.memory_space<vmem>>
      %dma_wait3A_156 = arith.constant 0 : i32
      %dma_wait3A_157 = tpu.memref_slice %arg17[%add3A_93, %dma_wait3A_156] : memref<5248x128xf32, #tpu.memory_space<vmem_shared>> -> memref<8x128xf32, #tpu.memory_space<vmem_shared>>
      %dma_wait3A_158 = arith.constant 0 : i32
      %dma_wait3A_159 = tpu.memref_slice %arg17[%add3A_93, %dma_wait3A_158] : memref<5248x128xf32, #tpu.memory_space<vmem_shared>> -> memref<8x128xf32, #tpu.memory_space<vmem_shared>>
      %dma_wait3A_160 = arith.constant 0 : i32
      %dma_wait3A_161 = arith.constant 0 : i32
      %dma_wait3A_162 = tpu.memref_slice %arg14[%dma_wait3A_160, %dma_wait3A_161] : memref<80x128xf32, #tpu.memory_space<vmem>> -> memref<8x128xf32, #tpu.memory_space<vmem>>
      tpu.wait_dma2 semaphore(%run_scoped3A_144 : memref<!tpu.dma_semaphore, #tpu.memory_space<semaphore_mem>>) src(%dma_wait3A_162 : memref<8x128xf32, #tpu.memory_space<vmem>>) dst(%dma_wait3A_159 : memref<8x128xf32, #tpu.memory_space<vmem_shared>>)
      tpu.yield
    }) : () -> ()
    %run_scoped3A_94 = arith.constant 0 : i32
    "tpu.region"() ({
      %run_scoped3A_144 = tpu.sem_alloc : memref<!tpu.dma_semaphore, #tpu.memory_space<semaphore_mem>>
      %dma_start3A = arith.constant 0 : i32
      %dma_start3A_145 = arith.constant 0 : i32
      %dma_start3A_146 = tpu.memref_slice %arg5[%run_scoped3A_94, %arg1, %dma_start3A, %dma_start3A_145] : memref<2x16x250x80xi32, #tpu.memory_space<hbm>> -> memref<1x1x250x80xi32, #tpu.memory_space<hbm>>
      %dma_start3A_147 = tpu.memref_squeeze %dma_start3A_146 : memref<1x1x250x80xi32, #tpu.memory_space<hbm>> -> memref<250x80xi32, #tpu.memory_space<hbm>>
      %dma_start3A_148 = arith.constant 0 : i32
      %dma_start3A_149 = arith.constant 0 : i32
      %dma_start3A_150 = tpu.memref_slice %arg5[%run_scoped3A_94, %arg1, %dma_start3A_148, %dma_start3A_149] : memref<2x16x250x80xi32, #tpu.memory_space<hbm>> -> memref<1x1x250x80xi32, #tpu.memory_space<hbm>>
      %dma_start3A_151 = tpu.memref_squeeze %dma_start3A_150 : memref<1x1x250x80xi32, #tpu.memory_space<hbm>> -> memref<250x80xi32, #tpu.memory_space<hbm>>
      tpu.enqueue_dma source(%dma_start3A_151 : memref<250x80xi32, #tpu.memory_space<hbm>>) target(%arg11 : memref<250x80xi32, #tpu.memory_space<vmem>>) target_semaphore(%run_scoped3A_144 : memref<!tpu.dma_semaphore, #tpu.memory_space<semaphore_mem>>)
      %dma_wait3A = arith.constant 0 : i32
      %dma_wait3A_152 = arith.constant 0 : i32
      %dma_wait3A_153 = tpu.memref_slice %arg5[%run_scoped3A_94, %arg1, %dma_wait3A, %dma_wait3A_152] : memref<2x16x250x80xi32, #tpu.memory_space<hbm>> -> memref<1x1x250x80xi32, #tpu.memory_space<hbm>>
      %dma_wait3A_154 = tpu.memref_squeeze %dma_wait3A_153 : memref<1x1x250x80xi32, #tpu.memory_space<hbm>> -> memref<250x80xi32, #tpu.memory_space<hbm>>
      %dma_wait3A_155 = arith.constant 0 : i32
      %dma_wait3A_156 = arith.constant 0 : i32
      %dma_wait3A_157 = tpu.memref_slice %arg5[%run_scoped3A_94, %arg1, %dma_wait3A_155, %dma_wait3A_156] : memref<2x16x250x80xi32, #tpu.memory_space<hbm>> -> memref<1x1x250x80xi32, #tpu.memory_space<hbm>>
      %dma_wait3A_158 = tpu.memref_squeeze %dma_wait3A_157 : memref<1x1x250x80xi32, #tpu.memory_space<hbm>> -> memref<250x80xi32, #tpu.memory_space<hbm>>
      tpu.wait_dma2 semaphore(%run_scoped3A_144 : memref<!tpu.dma_semaphore, #tpu.memory_space<semaphore_mem>>) src(%dma_wait3A_158 : memref<250x80xi32, #tpu.memory_space<hbm>>) dst(%arg11 : memref<250x80xi32, #tpu.memory_space<vmem>>)
      tpu.yield
    }) : () -> ()
    %run_scoped3A_95 = arith.constant 1 : i32
    "tpu.region"() ({
      %run_scoped3A_144 = tpu.sem_alloc : memref<!tpu.dma_semaphore, #tpu.memory_space<semaphore_mem>>
      %dma_start3A = arith.constant 0 : i32
      %dma_start3A_145 = arith.constant 0 : i32
      %dma_start3A_146 = tpu.memref_slice %arg6[%run_scoped3A_95, %arg1, %dma_start3A, %dma_start3A_145] : memref<2x16x250x80xi32, #tpu.memory_space<hbm>> -> memref<1x1x250x80xi32, #tpu.memory_space<hbm>>
      %dma_start3A_147 = tpu.memref_squeeze %dma_start3A_146 : memref<1x1x250x80xi32, #tpu.memory_space<hbm>> -> memref<250x80xi32, #tpu.memory_space<hbm>>
      %dma_start3A_148 = arith.constant 0 : i32
      %dma_start3A_149 = arith.constant 0 : i32
      %dma_start3A_150 = tpu.memref_slice %arg6[%run_scoped3A_95, %arg1, %dma_start3A_148, %dma_start3A_149] : memref<2x16x250x80xi32, #tpu.memory_space<hbm>> -> memref<1x1x250x80xi32, #tpu.memory_space<hbm>>
      %dma_start3A_151 = tpu.memref_squeeze %dma_start3A_150 : memref<1x1x250x80xi32, #tpu.memory_space<hbm>> -> memref<250x80xi32, #tpu.memory_space<hbm>>
      tpu.enqueue_dma source(%dma_start3A_151 : memref<250x80xi32, #tpu.memory_space<hbm>>) target(%arg12 : memref<250x80xi32, #tpu.memory_space<vmem>>) target_semaphore(%run_scoped3A_144 : memref<!tpu.dma_semaphore, #tpu.memory_space<semaphore_mem>>)
      %dma_wait3A = arith.constant 0 : i32
      %dma_wait3A_152 = arith.constant 0 : i32
      %dma_wait3A_153 = tpu.memref_slice %arg6[%run_scoped3A_95, %arg1, %dma_wait3A, %dma_wait3A_152] : memref<2x16x250x80xi32, #tpu.memory_space<hbm>> -> memref<1x1x250x80xi32, #tpu.memory_space<hbm>>
      %dma_wait3A_154 = tpu.memref_squeeze %dma_wait3A_153 : memref<1x1x250x80xi32, #tpu.memory_space<hbm>> -> memref<250x80xi32, #tpu.memory_space<hbm>>
      %dma_wait3A_155 = arith.constant 0 : i32
      %dma_wait3A_156 = arith.constant 0 : i32
      %dma_wait3A_157 = tpu.memref_slice %arg6[%run_scoped3A_95, %arg1, %dma_wait3A_155, %dma_wait3A_156] : memref<2x16x250x80xi32, #tpu.memory_space<hbm>> -> memref<1x1x250x80xi32, #tpu.memory_space<hbm>>
      %dma_wait3A_158 = tpu.memref_squeeze %dma_wait3A_157 : memref<1x1x250x80xi32, #tpu.memory_space<hbm>> -> memref<250x80xi32, #tpu.memory_space<hbm>>
      tpu.wait_dma2 semaphore(%run_scoped3A_144 : memref<!tpu.dma_semaphore, #tpu.memory_space<semaphore_mem>>) src(%dma_wait3A_158 : memref<250x80xi32, #tpu.memory_space<hbm>>) dst(%arg12 : memref<250x80xi32, #tpu.memory_space<vmem>>)
      tpu.yield
    }) : () -> ()
    %barrier3A_96 = arith.constant 0 : index
    tpu.barrier barrier_id(%barrier3A_96)
    %scan3A_97 = arith.constant 0 : i32
    %scan3A_98 = arith.constant 0 : i32
    %scan3A_99 = arith.constant 250 : i32
    %scan3A_100 = arith.addi %scan3A_98, %scan3A_99 : i32
    %scan3A_101 = arith.constant 1 : i32
    scf.for %scan3A_144 = %scan3A_98 to %scan3A_100 step %scan3A_101  : i32 {
      %dma_start3A = arith.constant 0 : i32
      %dma_start3A_145 = tpu.memref_slice %arg11[%scan3A_144, %dma_start3A] : memref<250x80xi32, #tpu.memory_space<vmem>> -> memref<1x80xi32, #tpu.memory_space<vmem>>
      %dma_start3A_146 = tpu.memref_squeeze %dma_start3A_145 : memref<1x80xi32, #tpu.memory_space<vmem>> -> memref<80xi32, #tpu.memory_space<vmem>>
      %dma_start3A_147 = arith.constant 0 : i32
      %dma_start3A_148 = arith.constant 0 : i32
      %dma_start3A_149 = tpu.memref_slice %arg3[%dma_start3A_147, %dma_start3A_148] : memref<10240x128xf32, #tpu.memory_space<hbm>> -> memref<10240x128xf32, #tpu.memory_space<hbm>>
      tpu.enqueue_indirect_dma source(%dma_start3A_149 : memref<10240x128xf32, #tpu.memory_space<hbm>>) target(%arg14 : memref<80x128xf32, #tpu.memory_space<vmem>>) offsets(%dma_start3A_146 : memref<80xi32, #tpu.memory_space<vmem>>) semaphore(%arg19 : memref<!tpu.dma_semaphore, #tpu.memory_space<semaphore_mem>>)
      %get3A = arith.constant 0 : i32
      %get3A_150 = tpu.memref_slice %arg12[%scan3A_144, %get3A] : memref<250x80xi32, #tpu.memory_space<vmem>> -> memref<1x80xi32, #tpu.memory_space<vmem>>
      %get3A_151 = tpu.memref_squeeze %get3A_150 : memref<1x80xi32, #tpu.memory_space<vmem>> -> memref<80xi32, #tpu.memory_space<vmem>>
      %get3A_152 = arith.constant 0 : index
      %get3A_153 = tpu.vector_load %get3A_151[%get3A_152] {strides = array<i32>} : memref<80xi32, #tpu.memory_space<vmem>>, vector<16xi32>,
      %sub3A = vector.broadcast %mul3A_0 : i32 to vector<16xi32>
      %sub3A_154 = arith.subi %get3A_153, %sub3A : vector<16xi32>
      %ge3A = arith.constant 0 : i32
      %ge3A_155 = vector.broadcast %ge3A : i32 to vector<16xi32>
      %ge3A_156 = arith.cmpi sge, %sub3A_154, %ge3A_155 : vector<16xi32>
      %lt3A = arith.constant 5120 : i32
      %lt3A_157 = vector.broadcast %lt3A : i32 to vector<16xi32>
      %lt3A_158 = arith.cmpi slt, %sub3A_154, %lt3A_157 : vector<16xi32>
      %and3A = arith.andi %ge3A_156, %lt3A_158 : vector<16xi1>
      %add3A_159 = arith.constant 5120 : i32
      %add3A_160 = vector.broadcast %add3A_159 : i32 to vector<16xi32>
      %add3A_161 = arith.addi %add3A_160, %iota3A : vector<16xi32>
      %select_n3A = arith.select %and3A, %sub3A_154, %add3A_161 : vector<16xi1>, vector<16xi32>
      %swap3A = arith.constant 0 : index
      %swap3A_162 = tpu.vector_load %arg13[%swap3A] {strides = array<i32>} : memref<80xi32, #tpu.memory_space<vmem>>, vector<16xi32>,
      tpu.vector_store %arg13[%swap3A], %select_n3A {strides = array<i32>} : memref<80xi32, #tpu.memory_space<vmem>>, vector<16xi32>,
      %get3A_163 = arith.constant 0 : i32
      %get3A_164 = tpu.memref_slice %arg12[%scan3A_144, %get3A_163] : memref<250x80xi32, #tpu.memory_space<vmem>> -> memref<1x80xi32, #tpu.memory_space<vmem>>
      %get3A_165 = tpu.memref_squeeze %get3A_164 : memref<1x80xi32, #tpu.memory_space<vmem>> -> memref<80xi32, #tpu.memory_space<vmem>>
      %get3A_166 = arith.constant 16 : index
      %get3A_167 = tpu.vector_load %get3A_165[%get3A_166] {strides = array<i32>} : memref<80xi32, #tpu.memory_space<vmem>>, vector<16xi32>,
      %sub3A_168 = vector.broadcast %mul3A_0 : i32 to vector<16xi32>
      %sub3A_169 = arith.subi %get3A_167, %sub3A_168 : vector<16xi32>
      %ge3A_170 = arith.constant 0 : i32
      %ge3A_171 = vector.broadcast %ge3A_170 : i32 to vector<16xi32>
      %ge3A_172 = arith.cmpi sge, %sub3A_169, %ge3A_171 : vector<16xi32>
      %lt3A_173 = arith.constant 5120 : i32
      %lt3A_174 = vector.broadcast %lt3A_173 : i32 to vector<16xi32>
      %lt3A_175 = arith.cmpi slt, %sub3A_169, %lt3A_174 : vector<16xi32>
      %and3A_176 = arith.andi %ge3A_172, %lt3A_175 : vector<16xi1>
      %add3A_177 = arith.constant 5136 : i32
      %add3A_178 = vector.broadcast %add3A_177 : i32 to vector<16xi32>
      %add3A_179 = arith.addi %add3A_178, %iota3A : vector<16xi32>
      %select_n3A_180 = arith.select %and3A_176, %sub3A_169, %add3A_179 : vector<16xi1>, vector<16xi32>
      %swap3A_181 = arith.constant 16 : index
      %swap3A_182 = tpu.vector_load %arg13[%swap3A_181] {strides = array<i32>} : memref<80xi32, #tpu.memory_space<vmem>>, vector<16xi32>,
      tpu.vector_store %arg13[%swap3A_181], %select_n3A_180 {strides = array<i32>} : memref<80xi32, #tpu.memory_space<vmem>>, vector<16xi32>,
      %get3A_183 = arith.constant 0 : i32
      %get3A_184 = tpu.memref_slice %arg12[%scan3A_144, %get3A_183] : memref<250x80xi32, #tpu.memory_space<vmem>> -> memref<1x80xi32, #tpu.memory_space<vmem>>
      %get3A_185 = tpu.memref_squeeze %get3A_184 : memref<1x80xi32, #tpu.memory_space<vmem>> -> memref<80xi32, #tpu.memory_space<vmem>>
      %get3A_186 = arith.constant 32 : index
      %get3A_187 = tpu.vector_load %get3A_185[%get3A_186] {strides = array<i32>} : memref<80xi32, #tpu.memory_space<vmem>>, vector<16xi32>,
      %sub3A_188 = vector.broadcast %mul3A_0 : i32 to vector<16xi32>
      %sub3A_189 = arith.subi %get3A_187, %sub3A_188 : vector<16xi32>
      %ge3A_190 = arith.constant 0 : i32
      %ge3A_191 = vector.broadcast %ge3A_190 : i32 to vector<16xi32>
      %ge3A_192 = arith.cmpi sge, %sub3A_189, %ge3A_191 : vector<16xi32>
      %lt3A_193 = arith.constant 5120 : i32
      %lt3A_194 = vector.broadcast %lt3A_193 : i32 to vector<16xi32>
      %lt3A_195 = arith.cmpi slt, %sub3A_189, %lt3A_194 : vector<16xi32>
      %and3A_196 = arith.andi %ge3A_192, %lt3A_195 : vector<16xi1>
      %add3A_197 = arith.constant 5152 : i32
      %add3A_198 = vector.broadcast %add3A_197 : i32 to vector<16xi32>
      %add3A_199 = arith.addi %add3A_198, %iota3A : vector<16xi32>
      %select_n3A_200 = arith.select %and3A_196, %sub3A_189, %add3A_199 : vector<16xi1>, vector<16xi32>
      %swap3A_201 = arith.constant 32 : index
      %swap3A_202 = tpu.vector_load %arg13[%swap3A_201] {strides = array<i32>} : memref<80xi32, #tpu.memory_space<vmem>>, vector<16xi32>,
      tpu.vector_store %arg13[%swap3A_201], %select_n3A_200 {strides = array<i32>} : memref<80xi32, #tpu.memory_space<vmem>>, vector<16xi32>,
      %get3A_203 = arith.constant 0 : i32
      %get3A_204 = tpu.memref_slice %arg12[%scan3A_144, %get3A_203] : memref<250x80xi32, #tpu.memory_space<vmem>> -> memref<1x80xi32, #tpu.memory_space<vmem>>
      %get3A_205 = tpu.memref_squeeze %get3A_204 : memref<1x80xi32, #tpu.memory_space<vmem>> -> memref<80xi32, #tpu.memory_space<vmem>>
      %get3A_206 = arith.constant 48 : index
      %get3A_207 = tpu.vector_load %get3A_205[%get3A_206] {strides = array<i32>} : memref<80xi32, #tpu.memory_space<vmem>>, vector<16xi32>,
      %sub3A_208 = vector.broadcast %mul3A_0 : i32 to vector<16xi32>
      %sub3A_209 = arith.subi %get3A_207, %sub3A_208 : vector<16xi32>
      %ge3A_210 = arith.constant 0 : i32
      %ge3A_211 = vector.broadcast %ge3A_210 : i32 to vector<16xi32>
      %ge3A_212 = arith.cmpi sge, %sub3A_209, %ge3A_211 : vector<16xi32>
      %lt3A_213 = arith.constant 5120 : i32
      %lt3A_214 = vector.broadcast %lt3A_213 : i32 to vector<16xi32>
      %lt3A_215 = arith.cmpi slt, %sub3A_209, %lt3A_214 : vector<16xi32>
      %and3A_216 = arith.andi %ge3A_212, %lt3A_215 : vector<16xi1>
      %add3A_217 = arith.constant 5168 : i32
      %add3A_218 = vector.broadcast %add3A_217 : i32 to vector<16xi32>
      %add3A_219 = arith.addi %add3A_218, %iota3A : vector<16xi32>
      %select_n3A_220 = arith.select %and3A_216, %sub3A_209, %add3A_219 : vector<16xi1>, vector<16xi32>
      %swap3A_221 = arith.constant 48 : index
      %swap3A_222 = tpu.vector_load %arg13[%swap3A_221] {strides = array<i32>} : memref<80xi32, #tpu.memory_space<vmem>>, vector<16xi32>,
      tpu.vector_store %arg13[%swap3A_221], %select_n3A_220 {strides = array<i32>} : memref<80xi32, #tpu.memory_space<vmem>>, vector<16xi32>,
      %get3A_223 = arith.constant 0 : i32
      %get3A_224 = tpu.memref_slice %arg12[%scan3A_144, %get3A_223] : memref<250x80xi32, #tpu.memory_space<vmem>> -> memref<1x80xi32, #tpu.memory_space<vmem>>
      %get3A_225 = tpu.memref_squeeze %get3A_224 : memref<1x80xi32, #tpu.memory_space<vmem>> -> memref<80xi32, #tpu.memory_space<vmem>>
      %get3A_226 = arith.constant 64 : index
      %get3A_227 = tpu.vector_load %get3A_225[%get3A_226] {strides = array<i32>} : memref<80xi32, #tpu.memory_space<vmem>>, vector<16xi32>,
      %sub3A_228 = vector.broadcast %mul3A_0 : i32 to vector<16xi32>
      %sub3A_229 = arith.subi %get3A_227, %sub3A_228 : vector<16xi32>
      %ge3A_230 = arith.constant 0 : i32
      %ge3A_231 = vector.broadcast %ge3A_230 : i32 to vector<16xi32>
      %ge3A_232 = arith.cmpi sge, %sub3A_229, %ge3A_231 : vector<16xi32>
      %lt3A_233 = arith.constant 5120 : i32
      %lt3A_234 = vector.broadcast %lt3A_233 : i32 to vector<16xi32>
      %lt3A_235 = arith.cmpi slt, %sub3A_229, %lt3A_234 : vector<16xi32>
      %and3A_236 = arith.andi %ge3A_232, %lt3A_235 : vector<16xi1>
      %add3A_237 = arith.constant 5184 : i32
      %add3A_238 = vector.broadcast %add3A_237 : i32 to vector<16xi32>
      %add3A_239 = arith.addi %add3A_238, %iota3A : vector<16xi32>
      %select_n3A_240 = arith.select %and3A_236, %sub3A_229, %add3A_239 : vector<16xi1>, vector<16xi32>
      %swap3A_241 = arith.constant 64 : index
      %swap3A_242 = tpu.vector_load %arg13[%swap3A_241] {strides = array<i32>} : memref<80xi32, #tpu.memory_space<vmem>>, vector<16xi32>,
      tpu.vector_store %arg13[%swap3A_241], %select_n3A_240 {strides = array<i32>} : memref<80xi32, #tpu.memory_space<vmem>>, vector<16xi32>,
      %dma_wait3A = arith.constant 0 : i32
      %dma_wait3A_243 = tpu.memref_slice %arg11[%scan3A_144, %dma_wait3A] : memref<250x80xi32, #tpu.memory_space<vmem>> -> memref<1x80xi32, #tpu.memory_space<vmem>>
      %dma_wait3A_244 = tpu.memref_squeeze %dma_wait3A_243 : memref<1x80xi32, #tpu.memory_space<vmem>> -> memref<80xi32, #tpu.memory_space<vmem>>
      %dma_wait3A_245 = arith.constant 0 : i32
      %dma_wait3A_246 = arith.constant 0 : i32
      %dma_wait3A_247 = tpu.memref_slice %arg3[%dma_wait3A_245, %dma_wait3A_246] : memref<10240x128xf32, #tpu.memory_space<hbm>> -> memref<10240x128xf32, #tpu.memory_space<hbm>>
      tpu.wait_indirect_dma semaphore(%arg19 : memref<!tpu.dma_semaphore, #tpu.memory_space<semaphore_mem>>) src(%dma_wait3A_247 : memref<10240x128xf32, #tpu.memory_space<hbm>>) dst(%arg14 : memref<80x128xf32, #tpu.memory_space<vmem>>)
      "tpu.region"() ({
        %run_scoped3A_248 = tpu.sem_alloc : memref<!tpu.dma_semaphore, #tpu.memory_space<semaphore_mem>>
        %dma_start3A_249 = arith.constant 0 : i32
        %dma_start3A_250 = arith.constant 0 : i32
        %dma_start3A_251 = tpu.memref_slice %arg17[%dma_start3A_249, %dma_start3A_250] : memref<5248x128xf32, #tpu.memory_space<vmem_shared>> -> memref<5248x128xf32, #tpu.memory_space<vmem_shared>>
        tpu.enqueue_indirect_dma source(%arg14 : memref<80x128xf32, #tpu.memory_space<vmem>>) target(%dma_start3A_251 : memref<5248x128xf32, #tpu.memory_space<vmem_shared>>) offsets(%arg13 : memref<80xi32, #tpu.memory_space<vmem>>) semaphore(%run_scoped3A_248 : memref<!tpu.dma_semaphore, #tpu.memory_space<semaphore_mem>>) {add = true}
        %dma_wait3A_252 = arith.constant 0 : i32
        %dma_wait3A_253 = arith.constant 0 : i32
        %dma_wait3A_254 = tpu.memref_slice %arg17[%dma_wait3A_252, %dma_wait3A_253] : memref<5248x128xf32, #tpu.memory_space<vmem_shared>> -> memref<5248x128xf32, #tpu.memory_space<vmem_shared>>
        tpu.wait_indirect_dma semaphore(%run_scoped3A_248 : memref<!tpu.dma_semaphore, #tpu.memory_space<semaphore_mem>>) src(%arg14 : memref<80x128xf32, #tpu.memory_space<vmem>>) dst(%dma_wait3A_254 : memref<5248x128xf32, #tpu.memory_space<vmem_shared>>)
        tpu.yield
      }) : () -> ()
    }
    %scan3A_102 = arith.constant 250 : i32
    %barrier3A_103 = arith.constant 0 : index
    tpu.barrier barrier_id(%barrier3A_103)
    %mul3A_104 = arith.constant 320 : i32
    %mul3A_105 = arith.muli %arg1, %mul3A_104 : i32
    %add3A_106 = arith.constant 0 : i32
    %add3A_107 = arith.addi %mul3A_105, %add3A_106 : i32
    "tpu.region"() ({
      %run_scoped3A_144 = tpu.sem_alloc : memref<!tpu.dma_semaphore, #tpu.memory_space<semaphore_mem>>
      %dma_start3A = arith.constant 0 : i32
      %dma_start3A_145 = arith.constant 0 : i32
      %dma_start3A_146 = tpu.memref_slice %arg14[%dma_start3A, %dma_start3A_145] : memref<80x128xf32, #tpu.memory_space<vmem>> -> memref<80x128xf32, #tpu.memory_space<vmem>>
      %dma_start3A_147 = arith.constant 0 : i32
      %dma_start3A_148 = tpu.memref_slice %arg17[%add3A_107, %dma_start3A_147] : memref<5248x128xf32, #tpu.memory_space<vmem_shared>> -> memref<80x128xf32, #tpu.memory_space<vmem_shared>>
      %dma_start3A_149 = arith.constant 0 : i32
      %dma_start3A_150 = arith.constant 0 : i32
      %dma_start3A_151 = tpu.memref_slice %arg14[%dma_start3A_149, %dma_start3A_150] : memref<80x128xf32, #tpu.memory_space<vmem>> -> memref<80x128xf32, #tpu.memory_space<vmem>>
      %dma_start3A_152 = arith.constant 0 : i32
      %dma_start3A_153 = tpu.memref_slice %arg17[%add3A_107, %dma_start3A_152] : memref<5248x128xf32, #tpu.memory_space<vmem_shared>> -> memref<80x128xf32, #tpu.memory_space<vmem_shared>>
      tpu.enqueue_dma source(%dma_start3A_153 : memref<80x128xf32, #tpu.memory_space<vmem_shared>>) target(%dma_start3A_151 : memref<80x128xf32, #tpu.memory_space<vmem>>) target_semaphore(%run_scoped3A_144 : memref<!tpu.dma_semaphore, #tpu.memory_space<semaphore_mem>>)
      %dma_wait3A = arith.constant 0 : i32
      %dma_wait3A_154 = arith.constant 0 : i32
      %dma_wait3A_155 = tpu.memref_slice %arg14[%dma_wait3A, %dma_wait3A_154] : memref<80x128xf32, #tpu.memory_space<vmem>> -> memref<80x128xf32, #tpu.memory_space<vmem>>
      %dma_wait3A_156 = arith.constant 0 : i32
      %dma_wait3A_157 = tpu.memref_slice %arg17[%add3A_107, %dma_wait3A_156] : memref<5248x128xf32, #tpu.memory_space<vmem_shared>> -> memref<80x128xf32, #tpu.memory_space<vmem_shared>>
      %dma_wait3A_158 = arith.constant 0 : i32
      %dma_wait3A_159 = arith.constant 0 : i32
      %dma_wait3A_160 = tpu.memref_slice %arg14[%dma_wait3A_158, %dma_wait3A_159] : memref<80x128xf32, #tpu.memory_space<vmem>> -> memref<80x128xf32, #tpu.memory_space<vmem>>
      %dma_wait3A_161 = arith.constant 0 : i32
      %dma_wait3A_162 = tpu.memref_slice %arg17[%add3A_107, %dma_wait3A_161] : memref<5248x128xf32, #tpu.memory_space<vmem_shared>> -> memref<80x128xf32, #tpu.memory_space<vmem_shared>>
      tpu.wait_dma2 semaphore(%run_scoped3A_144 : memref<!tpu.dma_semaphore, #tpu.memory_space<semaphore_mem>>) src(%dma_wait3A_162 : memref<80x128xf32, #tpu.memory_space<vmem_shared>>) dst(%dma_wait3A_160 : memref<80x128xf32, #tpu.memory_space<vmem>>)
      tpu.yield
    }) : () -> ()
    %mul3A_108 = arith.constant 320 : i32
    %mul3A_109 = arith.muli %arg1, %mul3A_108 : i32
    %add3A_110 = arith.addi %mul3A_0, %mul3A_109 : i32
    %add3A_111 = arith.constant 0 : i32
    %add3A_112 = arith.addi %add3A_110, %add3A_111 : i32
    %run_scoped3A_113 = arith.constant 1 : i32
    "tpu.region"() ({
      %run_scoped3A_144 = tpu.sem_alloc : memref<!tpu.dma_semaphore, #tpu.memory_space<semaphore_mem>>
      %dma_start3A = arith.constant 0 : i32
      %dma_start3A_145 = arith.constant 0 : i32
      %dma_start3A_146 = tpu.memref_slice %arg14[%dma_start3A, %dma_start3A_145] : memref<80x128xf32, #tpu.memory_space<vmem>> -> memref<80x128xf32, #tpu.memory_space<vmem>>
      %dma_start3A_147 = arith.constant 0 : i32
      %dma_start3A_148 = tpu.memref_slice %arg9[%run_scoped3A_113, %add3A_112, %dma_start3A_147] : memref<2x10240x128xf32, #tpu.memory_space<hbm>> -> memref<1x80x128xf32, #tpu.memory_space<hbm>>
      %dma_start3A_149 = tpu.memref_squeeze %dma_start3A_148 : memref<1x80x128xf32, #tpu.memory_space<hbm>> -> memref<80x128xf32, #tpu.memory_space<hbm>>
      %dma_start3A_150 = arith.constant 0 : i32
      %dma_start3A_151 = tpu.memref_slice %arg9[%run_scoped3A_113, %add3A_112, %dma_start3A_150] : memref<2x10240x128xf32, #tpu.memory_space<hbm>> -> memref<1x80x128xf32, #tpu.memory_space<hbm>>
      %dma_start3A_152 = tpu.memref_squeeze %dma_start3A_151 : memref<1x80x128xf32, #tpu.memory_space<hbm>> -> memref<80x128xf32, #tpu.memory_space<hbm>>
      %dma_start3A_153 = arith.constant 0 : i32
      %dma_start3A_154 = arith.constant 0 : i32
      %dma_start3A_155 = tpu.memref_slice %arg14[%dma_start3A_153, %dma_start3A_154] : memref<80x128xf32, #tpu.memory_space<vmem>> -> memref<80x128xf32, #tpu.memory_space<vmem>>
      tpu.enqueue_dma source(%dma_start3A_155 : memref<80x128xf32, #tpu.memory_space<vmem>>) target(%dma_start3A_152 : memref<80x128xf32, #tpu.memory_space<hbm>>) target_semaphore(%run_scoped3A_144 : memref<!tpu.dma_semaphore, #tpu.memory_space<semaphore_mem>>)
      %dma_wait3A = arith.constant 0 : i32
      %dma_wait3A_156 = arith.constant 0 : i32
      %dma_wait3A_157 = tpu.memref_slice %arg14[%dma_wait3A, %dma_wait3A_156] : memref<80x128xf32, #tpu.memory_space<vmem>> -> memref<80x128xf32, #tpu.memory_space<vmem>>
      %dma_wait3A_158 = arith.constant 0 : i32
      %dma_wait3A_159 = tpu.memref_slice %arg9[%run_scoped3A_113, %add3A_112, %dma_wait3A_158] : memref<2x10240x128xf32, #tpu.memory_space<hbm>> -> memref<1x80x128xf32, #tpu.memory_space<hbm>>
      %dma_wait3A_160 = tpu.memref_squeeze %dma_wait3A_159 : memref<1x80x128xf32, #tpu.memory_space<hbm>> -> memref<80x128xf32, #tpu.memory_space<hbm>>
      %dma_wait3A_161 = arith.constant 0 : i32
      %dma_wait3A_162 = tpu.memref_slice %arg9[%run_scoped3A_113, %add3A_112, %dma_wait3A_161] : memref<2x10240x128xf32, #tpu.memory_space<hbm>> -> memref<1x80x128xf32, #tpu.memory_space<hbm>>
      %dma_wait3A_163 = tpu.memref_squeeze %dma_wait3A_162 : memref<1x80x128xf32, #tpu.memory_space<hbm>> -> memref<80x128xf32, #tpu.memory_space<hbm>>
      %dma_wait3A_164 = arith.constant 0 : i32
      %dma_wait3A_165 = arith.constant 0 : i32
      %dma_wait3A_166 = tpu.memref_slice %arg14[%dma_wait3A_164, %dma_wait3A_165] : memref<80x128xf32, #tpu.memory_space<vmem>> -> memref<80x128xf32, #tpu.memory_space<vmem>>
      tpu.wait_dma2 semaphore(%run_scoped3A_144 : memref<!tpu.dma_semaphore, #tpu.memory_space<semaphore_mem>>) src(%dma_wait3A_166 : memref<80x128xf32, #tpu.memory_space<vmem>>) dst(%dma_wait3A_163 : memref<80x128xf32, #tpu.memory_space<hbm>>)
      tpu.yield
    }) : () -> ()
    %mul3A_114 = arith.constant 320 : i32
    %mul3A_115 = arith.muli %arg1, %mul3A_114 : i32
    %add3A_116 = arith.constant 80 : i32
    %add3A_117 = arith.addi %mul3A_115, %add3A_116 : i32
    "tpu.region"() ({
      %run_scoped3A_144 = tpu.sem_alloc : memref<!tpu.dma_semaphore, #tpu.memory_space<semaphore_mem>>
      %dma_start3A = arith.constant 0 : i32
      %dma_start3A_145 = arith.constant 0 : i32
      %dma_start3A_146 = tpu.memref_slice %arg14[%dma_start3A, %dma_start3A_145] : memref<80x128xf32, #tpu.memory_space<vmem>> -> memref<80x128xf32, #tpu.memory_space<vmem>>
      %dma_start3A_147 = arith.constant 0 : i32
      %dma_start3A_148 = tpu.memref_slice %arg17[%add3A_117, %dma_start3A_147] : memref<5248x128xf32, #tpu.memory_space<vmem_shared>> -> memref<80x128xf32, #tpu.memory_space<vmem_shared>>
      %dma_start3A_149 = arith.constant 0 : i32
      %dma_start3A_150 = arith.constant 0 : i32
      %dma_start3A_151 = tpu.memref_slice %arg14[%dma_start3A_149, %dma_start3A_150] : memref<80x128xf32, #tpu.memory_space<vmem>> -> memref<80x128xf32, #tpu.memory_space<vmem>>
      %dma_start3A_152 = arith.constant 0 : i32
      %dma_start3A_153 = tpu.memref_slice %arg17[%add3A_117, %dma_start3A_152] : memref<5248x128xf32, #tpu.memory_space<vmem_shared>> -> memref<80x128xf32, #tpu.memory_space<vmem_shared>>
      tpu.enqueue_dma source(%dma_start3A_153 : memref<80x128xf32, #tpu.memory_space<vmem_shared>>) target(%dma_start3A_151 : memref<80x128xf32, #tpu.memory_space<vmem>>) target_semaphore(%run_scoped3A_144 : memref<!tpu.dma_semaphore, #tpu.memory_space<semaphore_mem>>)
      %dma_wait3A = arith.constant 0 : i32
      %dma_wait3A_154 = arith.constant 0 : i32
      %dma_wait3A_155 = tpu.memref_slice %arg14[%dma_wait3A, %dma_wait3A_154] : memref<80x128xf32, #tpu.memory_space<vmem>> -> memref<80x128xf32, #tpu.memory_space<vmem>>
      %dma_wait3A_156 = arith.constant 0 : i32
      %dma_wait3A_157 = tpu.memref_slice %arg17[%add3A_117, %dma_wait3A_156] : memref<5248x128xf32, #tpu.memory_space<vmem_shared>> -> memref<80x128xf32, #tpu.memory_space<vmem_shared>>
      %dma_wait3A_158 = arith.constant 0 : i32
      %dma_wait3A_159 = arith.constant 0 : i32
      %dma_wait3A_160 = tpu.memref_slice %arg14[%dma_wait3A_158, %dma_wait3A_159] : memref<80x128xf32, #tpu.memory_space<vmem>> -> memref<80x128xf32, #tpu.memory_space<vmem>>
      %dma_wait3A_161 = arith.constant 0 : i32
      %dma_wait3A_162 = tpu.memref_slice %arg17[%add3A_117, %dma_wait3A_161] : memref<5248x128xf32, #tpu.memory_space<vmem_shared>> -> memref<80x128xf32, #tpu.memory_space<vmem_shared>>
      tpu.wait_dma2 semaphore(%run_scoped3A_144 : memref<!tpu.dma_semaphore, #tpu.memory_space<semaphore_mem>>) src(%dma_wait3A_162 : memref<80x128xf32, #tpu.memory_space<vmem_shared>>) dst(%dma_wait3A_160 : memref<80x128xf32, #tpu.memory_space<vmem>>)
      tpu.yield
    }) : () -> ()
    %mul3A_118 = arith.constant 320 : i32
    %mul3A_119 = arith.muli %arg1, %mul3A_118 : i32
    %add3A_120 = arith.addi %mul3A_0, %mul3A_119 : i32
    %add3A_121 = arith.constant 80 : i32
    %add3A_122 = arith.addi %add3A_120, %add3A_121 : i32
    %run_scoped3A_123 = arith.constant 1 : i32
    "tpu.region"() ({
      %run_scoped3A_144 = tpu.sem_alloc : memref<!tpu.dma_semaphore, #tpu.memory_space<semaphore_mem>>
      %dma_start3A = arith.constant 0 : i32
      %dma_start3A_145 = arith.constant 0 : i32
      %dma_start3A_146 = tpu.memref_slice %arg14[%dma_start3A, %dma_start3A_145] : memref<80x128xf32, #tpu.memory_space<vmem>> -> memref<80x128xf32, #tpu.memory_space<vmem>>
      %dma_start3A_147 = arith.constant 0 : i32
      %dma_start3A_148 = tpu.memref_slice %arg9[%run_scoped3A_123, %add3A_122, %dma_start3A_147] : memref<2x10240x128xf32, #tpu.memory_space<hbm>> -> memref<1x80x128xf32, #tpu.memory_space<hbm>>
      %dma_start3A_149 = tpu.memref_squeeze %dma_start3A_148 : memref<1x80x128xf32, #tpu.memory_space<hbm>> -> memref<80x128xf32, #tpu.memory_space<hbm>>
      %dma_start3A_150 = arith.constant 0 : i32
      %dma_start3A_151 = tpu.memref_slice %arg9[%run_scoped3A_123, %add3A_122, %dma_start3A_150] : memref<2x10240x128xf32, #tpu.memory_space<hbm>> -> memref<1x80x128xf32, #tpu.memory_space<hbm>>
      %dma_start3A_152 = tpu.memref_squeeze %dma_start3A_151 : memref<1x80x128xf32, #tpu.memory_space<hbm>> -> memref<80x128xf32, #tpu.memory_space<hbm>>
      %dma_start3A_153 = arith.constant 0 : i32
      %dma_start3A_154 = arith.constant 0 : i32
      %dma_start3A_155 = tpu.memref_slice %arg14[%dma_start3A_153, %dma_start3A_154] : memref<80x128xf32, #tpu.memory_space<vmem>> -> memref<80x128xf32, #tpu.memory_space<vmem>>
      tpu.enqueue_dma source(%dma_start3A_155 : memref<80x128xf32, #tpu.memory_space<vmem>>) target(%dma_start3A_152 : memref<80x128xf32, #tpu.memory_space<hbm>>) target_semaphore(%run_scoped3A_144 : memref<!tpu.dma_semaphore, #tpu.memory_space<semaphore_mem>>)
      %dma_wait3A = arith.constant 0 : i32
      %dma_wait3A_156 = arith.constant 0 : i32
      %dma_wait3A_157 = tpu.memref_slice %arg14[%dma_wait3A, %dma_wait3A_156] : memref<80x128xf32, #tpu.memory_space<vmem>> -> memref<80x128xf32, #tpu.memory_space<vmem>>
      %dma_wait3A_158 = arith.constant 0 : i32
      %dma_wait3A_159 = tpu.memref_slice %arg9[%run_scoped3A_123, %add3A_122, %dma_wait3A_158] : memref<2x10240x128xf32, #tpu.memory_space<hbm>> -> memref<1x80x128xf32, #tpu.memory_space<hbm>>
      %dma_wait3A_160 = tpu.memref_squeeze %dma_wait3A_159 : memref<1x80x128xf32, #tpu.memory_space<hbm>> -> memref<80x128xf32, #tpu.memory_space<hbm>>
      %dma_wait3A_161 = arith.constant 0 : i32
      %dma_wait3A_162 = tpu.memref_slice %arg9[%run_scoped3A_123, %add3A_122, %dma_wait3A_161] : memref<2x10240x128xf32, #tpu.memory_space<hbm>> -> memref<1x80x128xf32, #tpu.memory_space<hbm>>
      %dma_wait3A_163 = tpu.memref_squeeze %dma_wait3A_162 : memref<1x80x128xf32, #tpu.memory_space<hbm>> -> memref<80x128xf32, #tpu.memory_space<hbm>>
      %dma_wait3A_164 = arith.constant 0 : i32
      %dma_wait3A_165 = arith.constant 0 : i32
      %dma_wait3A_166 = tpu.memref_slice %arg14[%dma_wait3A_164, %dma_wait3A_165] : memref<80x128xf32, #tpu.memory_space<vmem>> -> memref<80x128xf32, #tpu.memory_space<vmem>>
      tpu.wait_dma2 semaphore(%run_scoped3A_144 : memref<!tpu.dma_semaphore, #tpu.memory_space<semaphore_mem>>) src(%dma_wait3A_166 : memref<80x128xf32, #tpu.memory_space<vmem>>) dst(%dma_wait3A_163 : memref<80x128xf32, #tpu.memory_space<hbm>>)
      tpu.yield
    }) : () -> ()
    %mul3A_124 = arith.constant 320 : i32
    %mul3A_125 = arith.muli %arg1, %mul3A_124 : i32
    %add3A_126 = arith.constant 160 : i32
    %add3A_127 = arith.addi %mul3A_125, %add3A_126 : i32
    "tpu.region"() ({
      %run_scoped3A_144 = tpu.sem_alloc : memref<!tpu.dma_semaphore, #tpu.memory_space<semaphore_mem>>
      %dma_start3A = arith.constant 0 : i32
      %dma_start3A_145 = arith.constant 0 : i32
      %dma_start3A_146 = tpu.memref_slice %arg14[%dma_start3A, %dma_start3A_145] : memref<80x128xf32, #tpu.memory_space<vmem>> -> memref<80x128xf32, #tpu.memory_space<vmem>>
      %dma_start3A_147 = arith.constant 0 : i32
      %dma_start3A_148 = tpu.memref_slice %arg17[%add3A_127, %dma_start3A_147] : memref<5248x128xf32, #tpu.memory_space<vmem_shared>> -> memref<80x128xf32, #tpu.memory_space<vmem_shared>>
      %dma_start3A_149 = arith.constant 0 : i32
      %dma_start3A_150 = arith.constant 0 : i32
      %dma_start3A_151 = tpu.memref_slice %arg14[%dma_start3A_149, %dma_start3A_150] : memref<80x128xf32, #tpu.memory_space<vmem>> -> memref<80x128xf32, #tpu.memory_space<vmem>>
      %dma_start3A_152 = arith.constant 0 : i32
      %dma_start3A_153 = tpu.memref_slice %arg17[%add3A_127, %dma_start3A_152] : memref<5248x128xf32, #tpu.memory_space<vmem_shared>> -> memref<80x128xf32, #tpu.memory_space<vmem_shared>>
      tpu.enqueue_dma source(%dma_start3A_153 : memref<80x128xf32, #tpu.memory_space<vmem_shared>>) target(%dma_start3A_151 : memref<80x128xf32, #tpu.memory_space<vmem>>) target_semaphore(%run_scoped3A_144 : memref<!tpu.dma_semaphore, #tpu.memory_space<semaphore_mem>>)
      %dma_wait3A = arith.constant 0 : i32
      %dma_wait3A_154 = arith.constant 0 : i32
      %dma_wait3A_155 = tpu.memref_slice %arg14[%dma_wait3A, %dma_wait3A_154] : memref<80x128xf32, #tpu.memory_space<vmem>> -> memref<80x128xf32, #tpu.memory_space<vmem>>
      %dma_wait3A_156 = arith.constant 0 : i32
      %dma_wait3A_157 = tpu.memref_slice %arg17[%add3A_127, %dma_wait3A_156] : memref<5248x128xf32, #tpu.memory_space<vmem_shared>> -> memref<80x128xf32, #tpu.memory_space<vmem_shared>>
      %dma_wait3A_158 = arith.constant 0 : i32
      %dma_wait3A_159 = arith.constant 0 : i32
      %dma_wait3A_160 = tpu.memref_slice %arg14[%dma_wait3A_158, %dma_wait3A_159] : memref<80x128xf32, #tpu.memory_space<vmem>> -> memref<80x128xf32, #tpu.memory_space<vmem>>
      %dma_wait3A_161 = arith.constant 0 : i32
      %dma_wait3A_162 = tpu.memref_slice %arg17[%add3A_127, %dma_wait3A_161] : memref<5248x128xf32, #tpu.memory_space<vmem_shared>> -> memref<80x128xf32, #tpu.memory_space<vmem_shared>>
      tpu.wait_dma2 semaphore(%run_scoped3A_144 : memref<!tpu.dma_semaphore, #tpu.memory_space<semaphore_mem>>) src(%dma_wait3A_162 : memref<80x128xf32, #tpu.memory_space<vmem_shared>>) dst(%dma_wait3A_160 : memref<80x128xf32, #tpu.memory_space<vmem>>)
      tpu.yield
    }) : () -> ()
    %mul3A_128 = arith.constant 320 : i32
    %mul3A_129 = arith.muli %arg1, %mul3A_128 : i32
    %add3A_130 = arith.addi %mul3A_0, %mul3A_129 : i32
    %add3A_131 = arith.constant 160 : i32
    %add3A_132 = arith.addi %add3A_130, %add3A_131 : i32
    %run_scoped3A_133 = arith.constant 1 : i32
    "tpu.region"() ({
      %run_scoped3A_144 = tpu.sem_alloc : memref<!tpu.dma_semaphore, #tpu.memory_space<semaphore_mem>>
      %dma_start3A = arith.constant 0 : i32
      %dma_start3A_145 = arith.constant 0 : i32
      %dma_start3A_146 = tpu.memref_slice %arg14[%dma_start3A, %dma_start3A_145] : memref<80x128xf32, #tpu.memory_space<vmem>> -> memref<80x128xf32, #tpu.memory_space<vmem>>
      %dma_start3A_147 = arith.constant 0 : i32
      %dma_start3A_148 = tpu.memref_slice %arg9[%run_scoped3A_133, %add3A_132, %dma_start3A_147] : memref<2x10240x128xf32, #tpu.memory_space<hbm>> -> memref<1x80x128xf32, #tpu.memory_space<hbm>>
      %dma_start3A_149 = tpu.memref_squeeze %dma_start3A_148 : memref<1x80x128xf32, #tpu.memory_space<hbm>> -> memref<80x128xf32, #tpu.memory_space<hbm>>
      %dma_start3A_150 = arith.constant 0 : i32
      %dma_start3A_151 = tpu.memref_slice %arg9[%run_scoped3A_133, %add3A_132, %dma_start3A_150] : memref<2x10240x128xf32, #tpu.memory_space<hbm>> -> memref<1x80x128xf32, #tpu.memory_space<hbm>>
      %dma_start3A_152 = tpu.memref_squeeze %dma_start3A_151 : memref<1x80x128xf32, #tpu.memory_space<hbm>> -> memref<80x128xf32, #tpu.memory_space<hbm>>
      %dma_start3A_153 = arith.constant 0 : i32
      %dma_start3A_154 = arith.constant 0 : i32
      %dma_start3A_155 = tpu.memref_slice %arg14[%dma_start3A_153, %dma_start3A_154] : memref<80x128xf32, #tpu.memory_space<vmem>> -> memref<80x128xf32, #tpu.memory_space<vmem>>
      tpu.enqueue_dma source(%dma_start3A_155 : memref<80x128xf32, #tpu.memory_space<vmem>>) target(%dma_start3A_152 : memref<80x128xf32, #tpu.memory_space<hbm>>) target_semaphore(%run_scoped3A_144 : memref<!tpu.dma_semaphore, #tpu.memory_space<semaphore_mem>>)
      %dma_wait3A = arith.constant 0 : i32
      %dma_wait3A_156 = arith.constant 0 : i32
      %dma_wait3A_157 = tpu.memref_slice %arg14[%dma_wait3A, %dma_wait3A_156] : memref<80x128xf32, #tpu.memory_space<vmem>> -> memref<80x128xf32, #tpu.memory_space<vmem>>
      %dma_wait3A_158 = arith.constant 0 : i32
      %dma_wait3A_159 = tpu.memref_slice %arg9[%run_scoped3A_133, %add3A_132, %dma_wait3A_158] : memref<2x10240x128xf32, #tpu.memory_space<hbm>> -> memref<1x80x128xf32, #tpu.memory_space<hbm>>
      %dma_wait3A_160 = tpu.memref_squeeze %dma_wait3A_159 : memref<1x80x128xf32, #tpu.memory_space<hbm>> -> memref<80x128xf32, #tpu.memory_space<hbm>>
      %dma_wait3A_161 = arith.constant 0 : i32
      %dma_wait3A_162 = tpu.memref_slice %arg9[%run_scoped3A_133, %add3A_132, %dma_wait3A_161] : memref<2x10240x128xf32, #tpu.memory_space<hbm>> -> memref<1x80x128xf32, #tpu.memory_space<hbm>>
      %dma_wait3A_163 = tpu.memref_squeeze %dma_wait3A_162 : memref<1x80x128xf32, #tpu.memory_space<hbm>> -> memref<80x128xf32, #tpu.memory_space<hbm>>
      %dma_wait3A_164 = arith.constant 0 : i32
      %dma_wait3A_165 = arith.constant 0 : i32
      %dma_wait3A_166 = tpu.memref_slice %arg14[%dma_wait3A_164, %dma_wait3A_165] : memref<80x128xf32, #tpu.memory_space<vmem>> -> memref<80x128xf32, #tpu.memory_space<vmem>>
      tpu.wait_dma2 semaphore(%run_scoped3A_144 : memref<!tpu.dma_semaphore, #tpu.memory_space<semaphore_mem>>) src(%dma_wait3A_166 : memref<80x128xf32, #tpu.memory_space<vmem>>) dst(%dma_wait3A_163 : memref<80x128xf32, #tpu.memory_space<hbm>>)
      tpu.yield
    }) : () -> ()
    %mul3A_134 = arith.constant 320 : i32
    %mul3A_135 = arith.muli %arg1, %mul3A_134 : i32
    %add3A_136 = arith.constant 240 : i32
    %add3A_137 = arith.addi %mul3A_135, %add3A_136 : i32
    "tpu.region"() ({
      %run_scoped3A_144 = tpu.sem_alloc : memref<!tpu.dma_semaphore, #tpu.memory_space<semaphore_mem>>
      %dma_start3A = arith.constant 0 : i32
      %dma_start3A_145 = arith.constant 0 : i32
      %dma_start3A_146 = tpu.memref_slice %arg14[%dma_start3A, %dma_start3A_145] : memref<80x128xf32, #tpu.memory_space<vmem>> -> memref<80x128xf32, #tpu.memory_space<vmem>>
      %dma_start3A_147 = arith.constant 0 : i32
      %dma_start3A_148 = tpu.memref_slice %arg17[%add3A_137, %dma_start3A_147] : memref<5248x128xf32, #tpu.memory_space<vmem_shared>> -> memref<80x128xf32, #tpu.memory_space<vmem_shared>>
      %dma_start3A_149 = arith.constant 0 : i32
      %dma_start3A_150 = arith.constant 0 : i32
      %dma_start3A_151 = tpu.memref_slice %arg14[%dma_start3A_149, %dma_start3A_150] : memref<80x128xf32, #tpu.memory_space<vmem>> -> memref<80x128xf32, #tpu.memory_space<vmem>>
      %dma_start3A_152 = arith.constant 0 : i32
      %dma_start3A_153 = tpu.memref_slice %arg17[%add3A_137, %dma_start3A_152] : memref<5248x128xf32, #tpu.memory_space<vmem_shared>> -> memref<80x128xf32, #tpu.memory_space<vmem_shared>>
      tpu.enqueue_dma source(%dma_start3A_153 : memref<80x128xf32, #tpu.memory_space<vmem_shared>>) target(%dma_start3A_151 : memref<80x128xf32, #tpu.memory_space<vmem>>) target_semaphore(%run_scoped3A_144 : memref<!tpu.dma_semaphore, #tpu.memory_space<semaphore_mem>>)
      %dma_wait3A = arith.constant 0 : i32
      %dma_wait3A_154 = arith.constant 0 : i32
      %dma_wait3A_155 = tpu.memref_slice %arg14[%dma_wait3A, %dma_wait3A_154] : memref<80x128xf32, #tpu.memory_space<vmem>> -> memref<80x128xf32, #tpu.memory_space<vmem>>
      %dma_wait3A_156 = arith.constant 0 : i32
      %dma_wait3A_157 = tpu.memref_slice %arg17[%add3A_137, %dma_wait3A_156] : memref<5248x128xf32, #tpu.memory_space<vmem_shared>> -> memref<80x128xf32, #tpu.memory_space<vmem_shared>>
      %dma_wait3A_158 = arith.constant 0 : i32
      %dma_wait3A_159 = arith.constant 0 : i32
      %dma_wait3A_160 = tpu.memref_slice %arg14[%dma_wait3A_158, %dma_wait3A_159] : memref<80x128xf32, #tpu.memory_space<vmem>> -> memref<80x128xf32, #tpu.memory_space<vmem>>
      %dma_wait3A_161 = arith.constant 0 : i32
      %dma_wait3A_162 = tpu.memref_slice %arg17[%add3A_137, %dma_wait3A_161] : memref<5248x128xf32, #tpu.memory_space<vmem_shared>> -> memref<80x128xf32, #tpu.memory_space<vmem_shared>>
      tpu.wait_dma2 semaphore(%run_scoped3A_144 : memref<!tpu.dma_semaphore, #tpu.memory_space<semaphore_mem>>) src(%dma_wait3A_162 : memref<80x128xf32, #tpu.memory_space<vmem_shared>>) dst(%dma_wait3A_160 : memref<80x128xf32, #tpu.memory_space<vmem>>)
      tpu.yield
    }) : () -> ()
    %mul3A_138 = arith.constant 320 : i32
    %mul3A_139 = arith.muli %arg1, %mul3A_138 : i32
    %add3A_140 = arith.addi %mul3A_0, %mul3A_139 : i32
    %add3A_141 = arith.constant 240 : i32
    %add3A_142 = arith.addi %add3A_140, %add3A_141 : i32
    %run_scoped3A_143 = arith.constant 1 : i32
    "tpu.region"() ({
      %run_scoped3A_144 = tpu.sem_alloc : memref<!tpu.dma_semaphore, #tpu.memory_space<semaphore_mem>>
      %dma_start3A = arith.constant 0 : i32
      %dma_start3A_145 = arith.constant 0 : i32
      %dma_start3A_146 = tpu.memref_slice %arg14[%dma_start3A, %dma_start3A_145] : memref<80x128xf32, #tpu.memory_space<vmem>> -> memref<80x128xf32, #tpu.memory_space<vmem>>
      %dma_start3A_147 = arith.constant 0 : i32
      %dma_start3A_148 = tpu.memref_slice %arg9[%run_scoped3A_143, %add3A_142, %dma_start3A_147] : memref<2x10240x128xf32, #tpu.memory_space<hbm>> -> memref<1x80x128xf32, #tpu.memory_space<hbm>>
      %dma_start3A_149 = tpu.memref_squeeze %dma_start3A_148 : memref<1x80x128xf32, #tpu.memory_space<hbm>> -> memref<80x128xf32, #tpu.memory_space<hbm>>
      %dma_start3A_150 = arith.constant 0 : i32
      %dma_start3A_151 = tpu.memref_slice %arg9[%run_scoped3A_143, %add3A_142, %dma_start3A_150] : memref<2x10240x128xf32, #tpu.memory_space<hbm>> -> memref<1x80x128xf32, #tpu.memory_space<hbm>>
      %dma_start3A_152 = tpu.memref_squeeze %dma_start3A_151 : memref<1x80x128xf32, #tpu.memory_space<hbm>> -> memref<80x128xf32, #tpu.memory_space<hbm>>
      %dma_start3A_153 = arith.constant 0 : i32
      %dma_start3A_154 = arith.constant 0 : i32
      %dma_start3A_155 = tpu.memref_slice %arg14[%dma_start3A_153, %dma_start3A_154] : memref<80x128xf32, #tpu.memory_space<vmem>> -> memref<80x128xf32, #tpu.memory_space<vmem>>
      tpu.enqueue_dma source(%dma_start3A_155 : memref<80x128xf32, #tpu.memory_space<vmem>>) target(%dma_start3A_152 : memref<80x128xf32, #tpu.memory_space<hbm>>) target_semaphore(%run_scoped3A_144 : memref<!tpu.dma_semaphore, #tpu.memory_space<semaphore_mem>>)
      %dma_wait3A = arith.constant 0 : i32
      %dma_wait3A_156 = arith.constant 0 : i32
      %dma_wait3A_157 = tpu.memref_slice %arg14[%dma_wait3A, %dma_wait3A_156] : memref<80x128xf32, #tpu.memory_space<vmem>> -> memref<80x128xf32, #tpu.memory_space<vmem>>
      %dma_wait3A_158 = arith.constant 0 : i32
      %dma_wait3A_159 = tpu.memref_slice %arg9[%run_scoped3A_143, %add3A_142, %dma_wait3A_158] : memref<2x10240x128xf32, #tpu.memory_space<hbm>> -> memref<1x80x128xf32, #tpu.memory_space<hbm>>
      %dma_wait3A_160 = tpu.memref_squeeze %dma_wait3A_159 : memref<1x80x128xf32, #tpu.memory_space<hbm>> -> memref<80x128xf32, #tpu.memory_space<hbm>>
      %dma_wait3A_161 = arith.constant 0 : i32
      %dma_wait3A_162 = tpu.memref_slice %arg9[%run_scoped3A_143, %add3A_142, %dma_wait3A_161] : memref<2x10240x128xf32, #tpu.memory_space<hbm>> -> memref<1x80x128xf32, #tpu.memory_space<hbm>>
      %dma_wait3A_163 = tpu.memref_squeeze %dma_wait3A_162 : memref<1x80x128xf32, #tpu.memory_space<hbm>> -> memref<80x128xf32, #tpu.memory_space<hbm>>
      %dma_wait3A_164 = arith.constant 0 : i32
      %dma_wait3A_165 = arith.constant 0 : i32
      %dma_wait3A_166 = tpu.memref_slice %arg14[%dma_wait3A_164, %dma_wait3A_165] : memref<80x128xf32, #tpu.memory_space<vmem>> -> memref<80x128xf32, #tpu.memory_space<vmem>>
      tpu.wait_dma2 semaphore(%run_scoped3A_144 : memref<!tpu.dma_semaphore, #tpu.memory_space<semaphore_mem>>) src(%dma_wait3A_166 : memref<80x128xf32, #tpu.memory_space<vmem>>) dst(%dma_wait3A_163 : memref<80x128xf32, #tpu.memory_space<hbm>>)
      tpu.yield
    }) : () -> ()
    return
  }
}

module attributes {stable_mosaic.version = 14 : i64} {
  func.func @_pre_body(%arg0: i32, %arg1: memref<640x128xf32, #tpu.memory_space<vmem>>, %arg2: memref<128x128xf32, #tpu.memory_space<vmem>>, %arg3: memref<1x128xf32, #tpu.memory_space<vmem>>, %arg4: memref<128x128xf32, #tpu.memory_space<vmem>>, %arg5: memref<128x128xf32, #tpu.memory_space<vmem>>, %arg6: memref<640x1xf32, #tpu.memory_space<vmem>>, %arg7: memref<640x128xf32, #tpu.memory_space<vmem>>, %arg8: memref<640x128xf32, #tpu.memory_space<vmem>>, %arg9: memref<640x128xf32, #tpu.memory_space<vmem>>, %arg10: memref<640x1xf32, #tpu.memory_space<vmem>>, %arg11: memref<1x128xf32, #tpu.memory_space<vmem>>) attributes {dimension_semantics = [#tpu.dimension_semantics<arbitrary>], iteration_bounds = array<i64: 16>, scalar_prefetch = 0 : i64, scratch_operands = 0 : i64, tpu.core_type = #tpu.core_type<tc>, window_params = [{transform_indices = @transform_0, window_bounds = array<i64: 640, 128>}, {pipeline_mode = #tpu.pipeline_mode<synchronous>, transform_indices = @transform_1, window_bounds = array<i64: 128, 128>}, {pipeline_mode = #tpu.pipeline_mode<synchronous>, transform_indices = @transform_2, window_bounds = array<i64: 1, 128>}, {pipeline_mode = #tpu.pipeline_mode<synchronous>, transform_indices = @transform_3, window_bounds = array<i64: 128, 128>}, {pipeline_mode = #tpu.pipeline_mode<synchronous>, transform_indices = @transform_4, window_bounds = array<i64: 128, 128>}, {transform_indices = @transform_5, window_bounds = array<i64: 640, 1>}, {transform_indices = @transform_6, window_bounds = array<i64: 640, 128>}, {transform_indices = @transform_7, window_bounds = array<i64: 640, 128>}, {transform_indices = @transform_8, window_bounds = array<i64: 640, 128>}, {transform_indices = @transform_9, window_bounds = array<i64: 640, 1>}, {pipeline_mode = #tpu.pipeline_mode<synchronous>, transform_indices = @transform_10, window_bounds = array<i64: 1, 128>}]} {
    %get3A = arith.constant 0 : index
    %get3A_0 = arith.constant 0 : index
    %get3A_1 = vector.load %arg1[%get3A, %get3A_0] : memref<640x128xf32, #tpu.memory_space<vmem>>, vector<640x128xf32>
    %get3A_2 = arith.constant 0 : index
    %get3A_3 = arith.constant 0 : index
    %get3A_4 = vector.load %arg2[%get3A_2, %get3A_3] : memref<128x128xf32, #tpu.memory_space<vmem>>, vector<128x128xf32>
    %dot_general3A = arith.constant dense<0.000000e+00> : vector<640x128xf32>
    %dot_general3A_5 = tpu.matmul %get3A_1, %get3A_4, %dot_general3A {dimension_numbers = #tpu.dot_dimension_numbers<[1], [0], [0], [1], [0, 0, 1, 1], [], []>, transpose_lhs_hint = false} : vector<640x128xf32>, vector<128x128xf32>, vector<640x128xf32> -> vector<640x128xf32>
    %get3A_6 = arith.constant 0 : index
    %get3A_7 = arith.constant 0 : index
    %get3A_8 = vector.load %arg3[%get3A_6, %get3A_7] : memref<1x128xf32, #tpu.memory_space<vmem>>, vector<1x128xf32>
    %add3A = vector.broadcast %get3A_8 : vector<1x128xf32> to vector<640x128xf32>
    %add3A_9 = arith.addf %dot_general3A_5, %add3A : vector<640x128xf32>
    %max3A = arith.constant 0.000000e+00 : f32
    %max3A_10 = vector.broadcast %max3A : f32 to vector<640x128xf32>
    %max3A_11 = arith.maximumf %add3A_9, %max3A_10 : vector<640x128xf32>
    %swap3A = arith.constant 0 : index
    %swap3A_12 = arith.constant 0 : index
    %swap3A_13 = vector.load %arg7[%swap3A, %swap3A_12] : memref<640x128xf32, #tpu.memory_space<vmem>>, vector<640x128xf32>
    tpu.vector_store %arg7[%swap3A, %swap3A_12], %max3A_11 {strides = array<i32>} : memref<640x128xf32, #tpu.memory_space<vmem>>, vector<640x128xf32>,
    %get3A_14 = arith.constant 0 : index
    %get3A_15 = arith.constant 0 : index
    %get3A_16 = vector.load %arg4[%get3A_14, %get3A_15] : memref<128x128xf32, #tpu.memory_space<vmem>>, vector<128x128xf32>
    %dot_general3A_17 = arith.constant dense<0.000000e+00> : vector<640x128xf32>
    %dot_general3A_18 = tpu.matmul %get3A_1, %get3A_16, %dot_general3A_17 {dimension_numbers = #tpu.dot_dimension_numbers<[1], [0], [0], [1], [0, 0, 1, 1], [], []>, transpose_lhs_hint = false} : vector<640x128xf32>, vector<128x128xf32>, vector<640x128xf32> -> vector<640x128xf32>
    %swap3A_19 = arith.constant 0 : index
    %swap3A_20 = arith.constant 0 : index
    %swap3A_21 = vector.load %arg8[%swap3A_19, %swap3A_20] : memref<640x128xf32, #tpu.memory_space<vmem>>, vector<640x128xf32>
    tpu.vector_store %arg8[%swap3A_19, %swap3A_20], %dot_general3A_18 {strides = array<i32>} : memref<640x128xf32, #tpu.memory_space<vmem>>, vector<640x128xf32>,
    %get3A_22 = arith.constant 0 : index
    %get3A_23 = arith.constant 0 : index
    %get3A_24 = vector.load %arg6[%get3A_22, %get3A_23] : memref<640x1xf32, #tpu.memory_space<vmem>>, vector<640x1xf32>
    %add3A_25 = arith.constant 1.000000e+00 : f32
    %add3A_26 = vector.broadcast %add3A_25 : f32 to vector<640x1xf32>
    %add3A_27 = arith.addf %get3A_24, %add3A_26 : vector<640x1xf32>
    %rsqrt3A = math.rsqrt %add3A_27 : vector<640x1xf32>
    %get3A_28 = arith.constant 0 : index
    %get3A_29 = arith.constant 0 : index
    %get3A_30 = vector.load %arg5[%get3A_28, %get3A_29] : memref<128x128xf32, #tpu.memory_space<vmem>>, vector<128x128xf32>
    %dot_general3A_31 = arith.constant dense<0.000000e+00> : vector<640x128xf32>
    %dot_general3A_32 = tpu.matmul %max3A_11, %get3A_30, %dot_general3A_31 {dimension_numbers = #tpu.dot_dimension_numbers<[1], [0], [0], [1], [0, 0, 1, 1], [], []>, transpose_lhs_hint = false} : vector<640x128xf32>, vector<128x128xf32>, vector<640x128xf32> -> vector<640x128xf32>
    %mul3A = vector.broadcast %rsqrt3A : vector<640x1xf32> to vector<640x128xf32>
    %mul3A_33 = arith.mulf %dot_general3A_32, %mul3A : vector<640x128xf32>
    %swap3A_34 = arith.constant 0 : index
    %swap3A_35 = arith.constant 0 : index
    %swap3A_36 = vector.load %arg9[%swap3A_34, %swap3A_35] : memref<640x128xf32, #tpu.memory_space<vmem>>, vector<640x128xf32>
    tpu.vector_store %arg9[%swap3A_34, %swap3A_35], %mul3A_33 {strides = array<i32>} : memref<640x128xf32, #tpu.memory_space<vmem>>, vector<640x128xf32>,
    %mul3A_37 = arith.mulf %max3A_11, %max3A_11 : vector<640x128xf32>
    %reduce_sum3A = arith.constant dense<0.000000e+00> : vector<640xf32>
    %reduce_sum3A_38 = vector.multi_reduction <add>, %mul3A_37, %reduce_sum3A [1] : vector<640x128xf32> to vector<640xf32>
    %broadcast_in_dim3A = vector.shape_cast %reduce_sum3A_38 : vector<640xf32> to vector<640x1xf32>
    %swap3A_39 = arith.constant 0 : index
    %swap3A_40 = arith.constant 0 : index
    %swap3A_41 = vector.load %arg10[%swap3A_39, %swap3A_40] : memref<640x1xf32, #tpu.memory_space<vmem>>, vector<640x1xf32>
    tpu.vector_store %arg10[%swap3A_39, %swap3A_40], %broadcast_in_dim3A {strides = array<i32>} : memref<640x1xf32, #tpu.memory_space<vmem>>, vector<640x1xf32>,
    %eq3A = arith.constant 0 : i32
    %eq3A_42 = arith.cmpi eq, %arg0, %eq3A : i32
    %convert_element_type3A = arith.extui %eq3A_42 : i1 to i32
    %cond3A = arith.constant 0 : i32
    %cond3A_43 = arith.cmpi ne, %convert_element_type3A, %cond3A : i32
    scf.if %cond3A_43 {
      %broadcast_in_dim3A_65 = arith.constant 0.000000e+00 : f32
      %broadcast_in_dim3A_66 = vector.broadcast %broadcast_in_dim3A_65 : f32 to vector<1x128xf32>
      %swap3A_67 = arith.constant 0 : index
      %swap3A_68 = arith.constant 0 : index
      %swap3A_69 = vector.load %arg11[%swap3A_67, %swap3A_68] : memref<1x128xf32, #tpu.memory_space<vmem>>, vector<1x128xf32>
      tpu.vector_store %arg11[%swap3A_67, %swap3A_68], %broadcast_in_dim3A_66 {strides = array<i32>} : memref<1x128xf32, #tpu.memory_space<vmem>>, vector<1x128xf32>,
    } else {
    }
    %mul3A_44 = arith.constant 640 : i32
    %mul3A_45 = arith.muli %arg0, %mul3A_44 : i32
    %iota3A = tpu.iota {dimensions = array<i32: 0>} : vector<640x1xi32>
    %add3A_46 = vector.broadcast %mul3A_45 : i32 to vector<640x1xi32>
    %add3A_47 = arith.addi %add3A_46, %iota3A : vector<640x1xi32>
    %lt3A = arith.constant 10000 : i32
    %lt3A_48 = vector.broadcast %lt3A : i32 to vector<640x1xi32>
    %lt3A_49 = arith.cmpi slt, %add3A_47, %lt3A_48 : vector<640x1xi32>
    %jit3A = arith.constant 9.99999974E-5 : f32
    %jit3A_50 = arith.constant 0.000000e+00 : f32
    %broadcast_in_dim3A_51 = vector.broadcast %jit3A : f32 to vector<640x1xf32>
    %broadcast_in_dim3A_52 = vector.broadcast %jit3A_50 : f32 to vector<640x1xf32>
    %select_n3A = arith.select %lt3A_49, %broadcast_in_dim3A_51, %broadcast_in_dim3A_52 : vector<640x1xi1>, vector<640x1xf32>
    %get3A_53 = arith.constant 0 : index
    %get3A_54 = arith.constant 0 : index
    %get3A_55 = vector.load %arg11[%get3A_53, %get3A_54] : memref<1x128xf32, #tpu.memory_space<vmem>>, vector<1x128xf32>
    %mul3A_56 = vector.broadcast %select_n3A : vector<640x1xf32> to vector<640x128xf32>
    %mul3A_57 = arith.mulf %max3A_11, %mul3A_56 : vector<640x128xf32>
    %reduce_sum3A_58 = arith.constant dense<0.000000e+00> : vector<128xf32>
    %reduce_sum3A_59 = vector.multi_reduction <add>, %mul3A_57, %reduce_sum3A_58 [0] : vector<640x128xf32> to vector<128xf32>
    %broadcast_in_dim3A_60 = vector.shape_cast %reduce_sum3A_59 : vector<128xf32> to vector<1x128xf32>
    %add3A_61 = arith.addf %get3A_55, %broadcast_in_dim3A_60 : vector<1x128xf32>
    %swap3A_62 = arith.constant 0 : index
    %swap3A_63 = arith.constant 0 : index
    %swap3A_64 = vector.load %arg11[%swap3A_62, %swap3A_63] : memref<1x128xf32, #tpu.memory_space<vmem>>, vector<1x128xf32>
    tpu.vector_store %arg11[%swap3A_62, %swap3A_63], %add3A_61 {strides = array<i32>} : memref<1x128xf32, #tpu.memory_space<vmem>>, vector<1x128xf32>,
    return
  }
  func.func @transform_0(%arg0: i32) -> (i32, i32) {
    %c0_i32 = arith.constant 0 : i32
    %c0_i32_0 = arith.constant 0 : i32
    return %arg0, %c0_i32 : i32, i32
  }
  func.func @transform_1(%arg0: i32) -> (i32, i32) {
    %c0_i32 = arith.constant 0 : i32
    %c0_i32_0 = arith.constant 0 : i32
    %c0_i32_1 = arith.constant 0 : i32
    return %c0_i32, %c0_i32_0 : i32, i32
  }
  func.func @transform_2(%arg0: i32) -> (i32, i32) {
    %c0_i32 = arith.constant 0 : i32
    %c0_i32_0 = arith.constant 0 : i32
    %c0_i32_1 = arith.constant 0 : i32
    return %c0_i32, %c0_i32_0 : i32, i32
  }
  func.func @transform_3(%arg0: i32) -> (i32, i32) {
    %c0_i32 = arith.constant 0 : i32
    %c0_i32_0 = arith.constant 0 : i32
    %c0_i32_1 = arith.constant 0 : i32
    return %c0_i32, %c0_i32_0 : i32, i32
  }
  func.func @transform_4(%arg0: i32) -> (i32, i32) {
    %c0_i32 = arith.constant 0 : i32
    %c0_i32_0 = arith.constant 0 : i32
    %c0_i32_1 = arith.constant 0 : i32
    return %c0_i32, %c0_i32_0 : i32, i32
  }
  func.func @transform_5(%arg0: i32) -> (i32, i32) {
    %c0_i32 = arith.constant 0 : i32
    %c0_i32_0 = arith.constant 0 : i32
    return %arg0, %c0_i32 : i32, i32
  }
  func.func @transform_6(%arg0: i32) -> (i32, i32) {
    %c0_i32 = arith.constant 0 : i32
    %c0_i32_0 = arith.constant 0 : i32
    return %arg0, %c0_i32 : i32, i32
  }
  func.func @transform_7(%arg0: i32) -> (i32, i32) {
    %c0_i32 = arith.constant 0 : i32
    %c0_i32_0 = arith.constant 0 : i32
    return %arg0, %c0_i32 : i32, i32
  }
  func.func @transform_8(%arg0: i32) -> (i32, i32) {
    %c0_i32 = arith.constant 0 : i32
    %c0_i32_0 = arith.constant 0 : i32
    return %arg0, %c0_i32 : i32, i32
  }
  func.func @transform_9(%arg0: i32) -> (i32, i32) {
    %c0_i32 = arith.constant 0 : i32
    %c0_i32_0 = arith.constant 0 : i32
    return %arg0, %c0_i32 : i32, i32
  }
  func.func @transform_10(%arg0: i32) -> (i32, i32) {
    %c0_i32 = arith.constant 0 : i32
    %c0_i32_0 = arith.constant 0 : i32
    %c0_i32_1 = arith.constant 0 : i32
    return %c0_i32, %c0_i32_0 : i32, i32
  }
}

module attributes {stable_mosaic.version = 14 : i64} {
  func.func @_layer_body(%arg0: i32, %arg1: memref<640x128xf32, #tpu.memory_space<vmem>>, %arg2: memref<640x128xf32, #tpu.memory_space<vmem>>, %arg3: memref<640x128xf32, #tpu.memory_space<vmem>>, %arg4: memref<2x640x128xf32, #tpu.memory_space<vmem>>, %arg5: memref<640x1xf32, #tpu.memory_space<vmem>>, %arg6: memref<640x1xf32, #tpu.memory_space<vmem>>, %arg7: memref<640x1xf32, #tpu.memory_space<vmem>>, %arg8: memref<1x128xf32, #tpu.memory_space<vmem>>, %arg9: memref<128x128xf32, #tpu.memory_space<vmem>>, %arg10: memref<1x128xf32, #tpu.memory_space<vmem>>, %arg11: memref<640x128xf32, #tpu.memory_space<vmem>>, %arg12: memref<640x128xf32, #tpu.memory_space<vmem>>, %arg13: memref<640x1xf32, #tpu.memory_space<vmem>>, %arg14: memref<1x128xf32, #tpu.memory_space<vmem>>) attributes {dimension_semantics = [#tpu.dimension_semantics<arbitrary>], iteration_bounds = array<i64: 16>, scalar_prefetch = 0 : i64, scratch_operands = 0 : i64, tpu.core_type = #tpu.core_type<tc>, window_params = [{transform_indices = @transform_0, window_bounds = array<i64: 640, 128>}, {transform_indices = @transform_1, window_bounds = array<i64: 640, 128>}, {transform_indices = @transform_2, window_bounds = array<i64: 640, 128>}, {transform_indices = @transform_3, window_bounds = array<i64: 2, 640, 128>}, {transform_indices = @transform_4, window_bounds = array<i64: 640, 1>}, {transform_indices = @transform_5, window_bounds = array<i64: 640, 1>}, {transform_indices = @transform_6, window_bounds = array<i64: 640, 1>}, {pipeline_mode = #tpu.pipeline_mode<synchronous>, transform_indices = @transform_7, window_bounds = array<i64: 1, 128>}, {pipeline_mode = #tpu.pipeline_mode<synchronous>, transform_indices = @transform_8, window_bounds = array<i64: 128, 128>}, {pipeline_mode = #tpu.pipeline_mode<synchronous>, transform_indices = @transform_9, window_bounds = array<i64: 1, 128>}, {transform_indices = @transform_10, window_bounds = array<i64: 640, 128>}, {transform_indices = @transform_11, window_bounds = array<i64: 640, 128>}, {transform_indices = @transform_12, window_bounds = array<i64: 640, 1>}, {pipeline_mode = #tpu.pipeline_mode<synchronous>, transform_indices = @transform_13, window_bounds = array<i64: 1, 128>}]} {
    %get3A = arith.constant 0 : index
    %get3A_0 = arith.constant 0 : index
    %get3A_1 = vector.load %arg1[%get3A, %get3A_0] : memref<640x128xf32, #tpu.memory_space<vmem>>, vector<640x128xf32>
    %get3A_2 = arith.constant 0 : index
    %get3A_3 = arith.constant 0 : index
    %get3A_4 = arith.constant 0 : index
    %get3A_5 = vector.load %arg4[%get3A_2, %get3A_3, %get3A_4] : memref<2x640x128xf32, #tpu.memory_space<vmem>>, vector<1x640x128xf32>
    %get3A_6 = vector.shape_cast %get3A_5 : vector<1x640x128xf32> to vector<640x128xf32>
    %get3A_7 = arith.constant 1 : index
    %get3A_8 = arith.constant 0 : index
    %get3A_9 = arith.constant 0 : index
    %get3A_10 = vector.load %arg4[%get3A_7, %get3A_8, %get3A_9] : memref<2x640x128xf32, #tpu.memory_space<vmem>>, vector<1x640x128xf32>
    %get3A_11 = vector.shape_cast %get3A_10 : vector<1x640x128xf32> to vector<640x128xf32>
    %get3A_12 = arith.constant 0 : index
    %get3A_13 = arith.constant 0 : index
    %get3A_14 = vector.load %arg5[%get3A_12, %get3A_13] : memref<640x1xf32, #tpu.memory_space<vmem>>, vector<640x1xf32>
    %get3A_15 = arith.constant 0 : index
    %get3A_16 = arith.constant 0 : index
    %get3A_17 = vector.load %arg6[%get3A_15, %get3A_16] : memref<640x1xf32, #tpu.memory_space<vmem>>, vector<640x1xf32>
    %get3A_18 = arith.constant 0 : index
    %get3A_19 = arith.constant 0 : index
    %get3A_20 = vector.load %arg7[%get3A_18, %get3A_19] : memref<640x1xf32, #tpu.memory_space<vmem>>, vector<640x1xf32>
    %add3A = arith.constant 1.000000e+00 : f32
    %add3A_21 = vector.broadcast %add3A : f32 to vector<640x1xf32>
    %add3A_22 = arith.addf %get3A_20, %add3A_21 : vector<640x1xf32>
    %rsqrt3A = math.rsqrt %add3A_22 : vector<640x1xf32>
    %get3A_23 = arith.constant 0 : index
    %get3A_24 = arith.constant 0 : index
    %get3A_25 = vector.load %arg3[%get3A_23, %get3A_24] : memref<640x128xf32, #tpu.memory_space<vmem>>, vector<640x128xf32>
    %add3A_26 = arith.addf %get3A_11, %get3A_25 : vector<640x128xf32>
    %mul3A = vector.broadcast %rsqrt3A : vector<640x1xf32> to vector<640x128xf32>
    %mul3A_27 = arith.mulf %mul3A, %add3A_26 : vector<640x128xf32>
    %get3A_28 = arith.constant 0 : index
    %get3A_29 = arith.constant 0 : index
    %get3A_30 = vector.load %arg10[%get3A_28, %get3A_29] : memref<1x128xf32, #tpu.memory_space<vmem>>, vector<1x128xf32>
    %add3A_31 = vector.broadcast %get3A_30 : vector<1x128xf32> to vector<640x128xf32>
    %add3A_32 = arith.addf %mul3A_27, %add3A_31 : vector<640x128xf32>
    %max3A = arith.constant 0.000000e+00 : f32
    %max3A_33 = vector.broadcast %max3A : f32 to vector<640x128xf32>
    %max3A_34 = arith.maximumf %add3A_32, %max3A_33 : vector<640x128xf32>
    %mul3A_35 = arith.mulf %get3A_1, %get3A_1 : vector<640x128xf32>
    %reduce_sum3A = arith.constant dense<0.000000e+00> : vector<640xf32>
    %reduce_sum3A_36 = vector.multi_reduction <add>, %mul3A_35, %reduce_sum3A [1] : vector<640x128xf32> to vector<640xf32>
    %broadcast_in_dim3A = vector.shape_cast %reduce_sum3A_36 : vector<640xf32> to vector<640x1xf32>
    %mul3A_37 = arith.mulf %get3A_1, %get3A_6 : vector<640x128xf32>
    %reduce_sum3A_38 = arith.constant dense<0.000000e+00> : vector<640xf32>
    %reduce_sum3A_39 = vector.multi_reduction <add>, %mul3A_37, %reduce_sum3A_38 [1] : vector<640x128xf32> to vector<640xf32>
    %broadcast_in_dim3A_40 = vector.shape_cast %reduce_sum3A_39 : vector<640xf32> to vector<640x1xf32>
    %mul3A_41 = arith.mulf %get3A_17, %broadcast_in_dim3A : vector<640x1xf32>
    %mul3A_42 = arith.constant 2.000000e+00 : f32
    %mul3A_43 = vector.broadcast %mul3A_42 : f32 to vector<640x1xf32>
    %mul3A_44 = arith.mulf %mul3A_43, %broadcast_in_dim3A_40 : vector<640x1xf32>
    %sub3A = arith.subf %mul3A_41, %mul3A_44 : vector<640x1xf32>
    %add3A_45 = arith.addf %sub3A, %get3A_14 : vector<640x1xf32>
    %add3A_46 = arith.constant 1.000000e-10 : f32
    %add3A_47 = vector.broadcast %add3A_46 : f32 to vector<640x1xf32>
    %add3A_48 = arith.addf %get3A_17, %add3A_47 : vector<640x1xf32>
    %div3A = arith.divf %add3A_45, %add3A_48 : vector<640x1xf32>
    %tanh3A = math.tanh %div3A : vector<640x1xf32>
    %get3A_49 = arith.constant 0 : index
    %get3A_50 = arith.constant 0 : index
    %get3A_51 = vector.load %arg8[%get3A_49, %get3A_50] : memref<1x128xf32, #tpu.memory_space<vmem>>, vector<1x128xf32>
    %sub3A_52 = vector.broadcast %get3A_51 : vector<1x128xf32> to vector<640x128xf32>
    %sub3A_53 = arith.subf %get3A_1, %sub3A_52 : vector<640x128xf32>
    %mul3A_54 = arith.mulf %sub3A_53, %sub3A_53 : vector<640x128xf32>
    %sqrt3A = math.sqrt %mul3A_54 : vector<640x128xf32>
    %sqrt3A_55 = math.sqrt %sqrt3A : vector<640x128xf32>
    %mul3A_56 = arith.mulf %mul3A_54, %sqrt3A_55 : vector<640x128xf32>
    %reduce_sum3A_57 = arith.constant dense<0.000000e+00> : vector<640xf32>
    %reduce_sum3A_58 = vector.multi_reduction <add>, %mul3A_56, %reduce_sum3A_57 [1] : vector<640x128xf32> to vector<640xf32>
    %broadcast_in_dim3A_59 = vector.shape_cast %reduce_sum3A_58 : vector<640xf32> to vector<640x1xf32>
    %tanh3A_60 = math.tanh %broadcast_in_dim3A_59 : vector<640x1xf32>
    %sub3A_61 = arith.constant 1.000000e+00 : f32
    %sub3A_62 = vector.broadcast %sub3A_61 : f32 to vector<640x1xf32>
    %sub3A_63 = arith.subf %sub3A_62, %tanh3A_60 : vector<640x1xf32>
    %mul3A_64 = vector.broadcast %tanh3A : vector<640x1xf32> to vector<640x128xf32>
    %mul3A_65 = arith.mulf %mul3A_64, %max3A_34 : vector<640x128xf32>
    %add3A_66 = arith.addf %get3A_1, %mul3A_65 : vector<640x128xf32>
    %get3A_67 = arith.constant 0 : index
    %get3A_68 = arith.constant 0 : index
    %get3A_69 = vector.load %arg2[%get3A_67, %get3A_68] : memref<640x128xf32, #tpu.memory_space<vmem>>, vector<640x128xf32>
    %mul3A_70 = vector.broadcast %sub3A_63 : vector<640x1xf32> to vector<640x128xf32>
    %mul3A_71 = arith.mulf %mul3A_70, %get3A_69 : vector<640x128xf32>
    %add3A_72 = arith.addf %add3A_66, %mul3A_71 : vector<640x128xf32>
    %add3A_73 = arith.constant 1.000000e+00 : f32
    %add3A_74 = vector.broadcast %add3A_73 : f32 to vector<640x1xf32>
    %add3A_75 = arith.addf %add3A_74, %tanh3A : vector<640x1xf32>
    %add3A_76 = arith.addf %add3A_75, %sub3A_63 : vector<640x1xf32>
    %div3A_77 = vector.broadcast %add3A_76 : vector<640x1xf32> to vector<640x128xf32>
    %div3A_78 = arith.divf %add3A_72, %div3A_77 : vector<640x128xf32>
    %swap3A = arith.constant 0 : index
    %swap3A_79 = arith.constant 0 : index
    %swap3A_80 = vector.load %arg11[%swap3A, %swap3A_79] : memref<640x128xf32, #tpu.memory_space<vmem>>, vector<640x128xf32>
    tpu.vector_store %arg11[%swap3A, %swap3A_79], %div3A_78 {strides = array<i32>} : memref<640x128xf32, #tpu.memory_space<vmem>>, vector<640x128xf32>,
    %get3A_81 = arith.constant 0 : index
    %get3A_82 = arith.constant 0 : index
    %get3A_83 = vector.load %arg9[%get3A_81, %get3A_82] : memref<128x128xf32, #tpu.memory_space<vmem>>, vector<128x128xf32>
    %dot_general3A = arith.constant dense<0.000000e+00> : vector<640x128xf32>
    %dot_general3A_84 = tpu.matmul %div3A_78, %get3A_83, %dot_general3A {dimension_numbers = #tpu.dot_dimension_numbers<[1], [0], [0], [1], [0, 0, 1, 1], [], []>, transpose_lhs_hint = false} : vector<640x128xf32>, vector<128x128xf32>, vector<640x128xf32> -> vector<640x128xf32>
    %mul3A_85 = vector.broadcast %rsqrt3A : vector<640x1xf32> to vector<640x128xf32>
    %mul3A_86 = arith.mulf %dot_general3A_84, %mul3A_85 : vector<640x128xf32>
    %swap3A_87 = arith.constant 0 : index
    %swap3A_88 = arith.constant 0 : index
    %swap3A_89 = vector.load %arg12[%swap3A_87, %swap3A_88] : memref<640x128xf32, #tpu.memory_space<vmem>>, vector<640x128xf32>
    tpu.vector_store %arg12[%swap3A_87, %swap3A_88], %mul3A_86 {strides = array<i32>} : memref<640x128xf32, #tpu.memory_space<vmem>>, vector<640x128xf32>,
    %mul3A_90 = arith.mulf %div3A_78, %div3A_78 : vector<640x128xf32>
    %reduce_sum3A_91 = arith.constant dense<0.000000e+00> : vector<640xf32>
    %reduce_sum3A_92 = vector.multi_reduction <add>, %mul3A_90, %reduce_sum3A_91 [1] : vector<640x128xf32> to vector<640xf32>
    %broadcast_in_dim3A_93 = vector.shape_cast %reduce_sum3A_92 : vector<640xf32> to vector<640x1xf32>
    %swap3A_94 = arith.constant 0 : index
    %swap3A_95 = arith.constant 0 : index
    %swap3A_96 = vector.load %arg13[%swap3A_94, %swap3A_95] : memref<640x1xf32, #tpu.memory_space<vmem>>, vector<640x1xf32>
    tpu.vector_store %arg13[%swap3A_94, %swap3A_95], %broadcast_in_dim3A_93 {strides = array<i32>} : memref<640x1xf32, #tpu.memory_space<vmem>>, vector<640x1xf32>,
    %eq3A = arith.constant 0 : i32
    %eq3A_97 = arith.cmpi eq, %arg0, %eq3A : i32
    %convert_element_type3A = arith.extui %eq3A_97 : i1 to i32
    %cond3A = arith.constant 0 : i32
    %cond3A_98 = arith.cmpi ne, %convert_element_type3A, %cond3A : i32
    scf.if %cond3A_98 {
      %broadcast_in_dim3A_120 = arith.constant 0.000000e+00 : f32
      %broadcast_in_dim3A_121 = vector.broadcast %broadcast_in_dim3A_120 : f32 to vector<1x128xf32>
      %swap3A_122 = arith.constant 0 : index
      %swap3A_123 = arith.constant 0 : index
      %swap3A_124 = vector.load %arg14[%swap3A_122, %swap3A_123] : memref<1x128xf32, #tpu.memory_space<vmem>>, vector<1x128xf32>
      tpu.vector_store %arg14[%swap3A_122, %swap3A_123], %broadcast_in_dim3A_121 {strides = array<i32>} : memref<1x128xf32, #tpu.memory_space<vmem>>, vector<1x128xf32>,
    } else {
    }
    %mul3A_99 = arith.constant 640 : i32
    %mul3A_100 = arith.muli %arg0, %mul3A_99 : i32
    %iota3A = tpu.iota {dimensions = array<i32: 0>} : vector<640x1xi32>
    %add3A_101 = vector.broadcast %mul3A_100 : i32 to vector<640x1xi32>
    %add3A_102 = arith.addi %add3A_101, %iota3A : vector<640x1xi32>
    %lt3A = arith.constant 10000 : i32
    %lt3A_103 = vector.broadcast %lt3A : i32 to vector<640x1xi32>
    %lt3A_104 = arith.cmpi slt, %add3A_102, %lt3A_103 : vector<640x1xi32>
    %jit3A = arith.constant 9.99999974E-5 : f32
    %jit3A_105 = arith.constant 0.000000e+00 : f32
    %broadcast_in_dim3A_106 = vector.broadcast %jit3A : f32 to vector<640x1xf32>
    %broadcast_in_dim3A_107 = vector.broadcast %jit3A_105 : f32 to vector<640x1xf32>
    %select_n3A = arith.select %lt3A_104, %broadcast_in_dim3A_106, %broadcast_in_dim3A_107 : vector<640x1xi1>, vector<640x1xf32>
    %get3A_108 = arith.constant 0 : index
    %get3A_109 = arith.constant 0 : index
    %get3A_110 = vector.load %arg14[%get3A_108, %get3A_109] : memref<1x128xf32, #tpu.memory_space<vmem>>, vector<1x128xf32>
    %mul3A_111 = vector.broadcast %select_n3A : vector<640x1xf32> to vector<640x128xf32>
    %mul3A_112 = arith.mulf %div3A_78, %mul3A_111 : vector<640x128xf32>
    %reduce_sum3A_113 = arith.constant dense<0.000000e+00> : vector<128xf32>
    %reduce_sum3A_114 = vector.multi_reduction <add>, %mul3A_112, %reduce_sum3A_113 [0] : vector<640x128xf32> to vector<128xf32>
    %broadcast_in_dim3A_115 = vector.shape_cast %reduce_sum3A_114 : vector<128xf32> to vector<1x128xf32>
    %add3A_116 = arith.addf %get3A_110, %broadcast_in_dim3A_115 : vector<1x128xf32>
    %swap3A_117 = arith.constant 0 : index
    %swap3A_118 = arith.constant 0 : index
    %swap3A_119 = vector.load %arg14[%swap3A_117, %swap3A_118] : memref<1x128xf32, #tpu.memory_space<vmem>>, vector<1x128xf32>
    tpu.vector_store %arg14[%swap3A_117, %swap3A_118], %add3A_116 {strides = array<i32>} : memref<1x128xf32, #tpu.memory_space<vmem>>, vector<1x128xf32>,
    return
  }
  func.func @transform_0(%arg0: i32) -> (i32, i32) {
    %c0_i32 = arith.constant 0 : i32
    %c0_i32_0 = arith.constant 0 : i32
    return %arg0, %c0_i32 : i32, i32
  }
  func.func @transform_1(%arg0: i32) -> (i32, i32) {
    %c0_i32 = arith.constant 0 : i32
    %c0_i32_0 = arith.constant 0 : i32
    return %arg0, %c0_i32 : i32, i32
  }
  func.func @transform_2(%arg0: i32) -> (i32, i32) {
    %c0_i32 = arith.constant 0 : i32
    %c0_i32_0 = arith.constant 0 : i32
    return %arg0, %c0_i32 : i32, i32
  }
  func.func @transform_3(%arg0: i32) -> (i32, i32, i32) {
    %c0_i32 = arith.constant 0 : i32
    %c0_i32_0 = arith.constant 0 : i32
    %c0_i32_1 = arith.constant 0 : i32
    return %c0_i32, %arg0, %c0_i32_0 : i32, i32, i32
  }
  func.func @transform_4(%arg0: i32) -> (i32, i32) {
    %c0_i32 = arith.constant 0 : i32
    %c0_i32_0 = arith.constant 0 : i32
    return %arg0, %c0_i32 : i32, i32
  }
  func.func @transform_5(%arg0: i32) -> (i32, i32) {
    %c0_i32 = arith.constant 0 : i32
    %c0_i32_0 = arith.constant 0 : i32
    return %arg0, %c0_i32 : i32, i32
  }
  func.func @transform_6(%arg0: i32) -> (i32, i32) {
    %c0_i32 = arith.constant 0 : i32
    %c0_i32_0 = arith.constant 0 : i32
    return %arg0, %c0_i32 : i32, i32
  }
  func.func @transform_7(%arg0: i32) -> (i32, i32) {
    %c0_i32 = arith.constant 0 : i32
    %c0_i32_0 = arith.constant 0 : i32
    %c0_i32_1 = arith.constant 0 : i32
    return %c0_i32, %c0_i32_0 : i32, i32
  }
  func.func @transform_8(%arg0: i32) -> (i32, i32) {
    %c0_i32 = arith.constant 0 : i32
    %c0_i32_0 = arith.constant 0 : i32
    %c0_i32_1 = arith.constant 0 : i32
    return %c0_i32, %c0_i32_0 : i32, i32
  }
  func.func @transform_9(%arg0: i32) -> (i32, i32) {
    %c0_i32 = arith.constant 0 : i32
    %c0_i32_0 = arith.constant 0 : i32
    %c0_i32_1 = arith.constant 0 : i32
    return %c0_i32, %c0_i32_0 : i32, i32
  }
  func.func @transform_10(%arg0: i32) -> (i32, i32) {
    %c0_i32 = arith.constant 0 : i32
    %c0_i32_0 = arith.constant 0 : i32
    return %arg0, %c0_i32 : i32, i32
  }
  func.func @transform_11(%arg0: i32) -> (i32, i32) {
    %c0_i32 = arith.constant 0 : i32
    %c0_i32_0 = arith.constant 0 : i32
    return %arg0, %c0_i32 : i32, i32
  }
  func.func @transform_12(%arg0: i32) -> (i32, i32) {
    %c0_i32 = arith.constant 0 : i32
    %c0_i32_0 = arith.constant 0 : i32
    return %arg0, %c0_i32 : i32, i32
  }
  func.func @transform_13(%arg0: i32) -> (i32, i32) {
    %c0_i32 = arith.constant 0 : i32
    %c0_i32_0 = arith.constant 0 : i32
    %c0_i32_1 = arith.constant 0 : i32
    return %c0_i32, %c0_i32_0 : i32, i32
  }
}

module attributes {stable_mosaic.version = 14 : i64} {
  func.func @_post_body(%arg0: i32, %arg1: memref<640x128xf32, #tpu.memory_space<vmem>>, %arg2: memref<128x40xf32, #tpu.memory_space<vmem>>, %arg3: memref<1x40xf32, #tpu.memory_space<vmem>>, %arg4: memref<640x40xf32, #tpu.memory_space<vmem>>) attributes {dimension_semantics = [#tpu.dimension_semantics<arbitrary>], iteration_bounds = array<i64: 16>, scalar_prefetch = 0 : i64, scratch_operands = 0 : i64, tpu.core_type = #tpu.core_type<tc>, window_params = [{transform_indices = @transform_0, window_bounds = array<i64: 640, 128>}, {pipeline_mode = #tpu.pipeline_mode<synchronous>, transform_indices = @transform_1, window_bounds = array<i64: 128, 40>}, {pipeline_mode = #tpu.pipeline_mode<synchronous>, transform_indices = @transform_2, window_bounds = array<i64: 1, 40>}, {transform_indices = @transform_3, window_bounds = array<i64: 640, 40>}]} {
    %get3A = arith.constant 0 : index
    %get3A_0 = arith.constant 0 : index
    %get3A_1 = vector.load %arg1[%get3A, %get3A_0] : memref<640x128xf32, #tpu.memory_space<vmem>>, vector<640x128xf32>
    %get3A_2 = arith.constant 0 : index
    %get3A_3 = arith.constant 0 : index
    %get3A_4 = vector.load %arg2[%get3A_2, %get3A_3] : memref<128x40xf32, #tpu.memory_space<vmem>>, vector<128x40xf32>
    %dot_general3A = arith.constant dense<0.000000e+00> : vector<640x40xf32>
    %dot_general3A_5 = tpu.matmul %get3A_1, %get3A_4, %dot_general3A {dimension_numbers = #tpu.dot_dimension_numbers<[1], [0], [0], [1], [0, 0, 1, 1], [], []>, transpose_lhs_hint = false} : vector<640x128xf32>, vector<128x40xf32>, vector<640x40xf32> -> vector<640x40xf32>
    %get3A_6 = arith.constant 0 : index
    %get3A_7 = arith.constant 0 : index
    %get3A_8 = vector.load %arg3[%get3A_6, %get3A_7] : memref<1x40xf32, #tpu.memory_space<vmem>>, vector<1x40xf32>
    %add3A = vector.broadcast %get3A_8 : vector<1x40xf32> to vector<640x40xf32>
    %add3A_9 = arith.addf %dot_general3A_5, %add3A : vector<640x40xf32>
    %swap3A = arith.constant 0 : index
    %swap3A_10 = arith.constant 0 : index
    %swap3A_11 = vector.load %arg4[%swap3A, %swap3A_10] : memref<640x40xf32, #tpu.memory_space<vmem>>, vector<640x40xf32>
    tpu.vector_store %arg4[%swap3A, %swap3A_10], %add3A_9 {strides = array<i32>} : memref<640x40xf32, #tpu.memory_space<vmem>>, vector<640x40xf32>,
    return
  }
  func.func @transform_0(%arg0: i32) -> (i32, i32) {
    %c0_i32 = arith.constant 0 : i32
    %c0_i32_0 = arith.constant 0 : i32
    return %arg0, %c0_i32 : i32, i32
  }
  func.func @transform_1(%arg0: i32) -> (i32, i32) {
    %c0_i32 = arith.constant 0 : i32
    %c0_i32_0 = arith.constant 0 : i32
    %c0_i32_1 = arith.constant 0 : i32
    return %c0_i32, %c0_i32_0 : i32, i32
  }
  func.func @transform_2(%arg0: i32) -> (i32, i32) {
    %c0_i32 = arith.constant 0 : i32
    %c0_i32_0 = arith.constant 0 : i32
    %c0_i32_1 = arith.constant 0 : i32
    return %c0_i32, %c0_i32_0 : i32, i32
  }
  func.func @transform_3(%arg0: i32) -> (i32, i32) {
    %c0_i32 = arith.constant 0 : i32
    %c0_i32_0 = arith.constant 0 : i32
    return %arg0, %c0_i32 : i32, i32
  }
}

</mosaic_0001>

<sc_bundles>
// kernel: closed_call.23.cloned.1.call-start
scs
__scs_entry_jumppad:
0x0: {  	(pc) =	sbr.rel $0x88, $3  }
0x1: {  	(tag) =	ssettag $0x0;
	lr =	simm.s32 $0x1  }
0x2: {  	[smem:$0x3F98] =	sst lr;
	_ =	strace $0xD0000000  }
0x3: {  	_ = 	snop  }
0x4: {  	_ = 	snop  }
0x5: {  	_ = 	snop  }
0x6: {  	_ = 	snop  }
0x7: {  	_ = 	snop  }
__scs_overlays_trampoline_lowered:
0x8: {  	[smem:$0x3FA7] =	sst s0  }
0x9: {  	[smem:$0x3FA8] =	sst s1  }
0xa: {  	[smem:$0x3FA9] =	sst s2  }
0xb: {  	[smem:$0x3FAA] =	sst s3  }
0xc: {  	[smem:$0x3FAB] =	sst s4  }
0xd: {  	[smem:$0x3FAC] =	sst s5  }
0xe: {  	[smem:$0x3FAD] =	sst s6  }
0xf: {  	[smem:$0x3FAE] =	sst s7  }
0x10: {  	[smem:$0x3FAF] =	sst s8  }
0x11: {  	[smem:$0x3FB0] =	sst s9;
	s0 =	simm.s32 @!p0 $0x0  }
0x12: {  	s1 =	sld [smem:$0x3F96];
	s0 =	simm.s32 @p0 $0x1  }
0x13: {  	[smem:$0x3FB1] =	sst s0;
	s0 =	simm.s32 @!p1 $0x0  }
0x14: {  	s2 =	sld [smem:$0x3F95];
	s0 =	simm.s32 @p1 $0x1  }
0x15: {  	[smem:$0x3FB2] =	sst s0;
	s0 =	simm.s32 @!p2 $0x0  }
0x16: {  	s3 =	sld [smem:$0x3FDB];
	s0 =	simm.s32 @p2 $0x1  }
0x17: {  	s4 =	simm.s32 $0x1BF5;
	[smem:$0x3FB4] =	sst s0  }
0x18: {  	s0 =	sld [smem:$0x3F97];
	_ =	swait.ge [sflag:s4], $0x0  }
0x19: {  	s7 =	sld [smem:$0x3F98]  }
0x1a: {  	s8 =	sadd.s32 $0xFFFFE003, lr  }
0x1b: {  	s9 =	sadd.s32 $0xFFFFFEF7, lr;
	s5 =	simm.s32 $0xFFFFFFFF;
	p2 =	slt.u32 s8, $0xFFFFF086  }
0x1c: {  	p1 =	slt.u32 s9, $0xF7A;
	s5 =	simm.s32 @!p2 $0x0  }
0x1d: {  	s5 =	simm.s32 @p1 $0x1;
	p0 =	seq.s32 s7, s2  }
0x1e: {  	s7 =	smul.u32 @!p0 $0xF7A, s2;
	p2 =	seq.s32 @!p0 s5, $0x0  }
0x1f: {  	s9 =	smul.u32 $0xF7A, s1;
	s8 =	simm.s32 @!p0 $0x1BF5;
	p2 =	por !p2, p0  }
0x20: {  	[sflag:s8] =	ssyncset.s32 @!p0 $0xFFFFF086;
	s6 =	sadd.s32 @!p0 s3, s7;
	s7 =	simm.s32 @!p0 $0x108  }
0x21: {  	s3 =	sadd.s32 s3, s9;
	s6 =	sadd.s32 @!p0 $0x88, s6;
	s7 =	simm.s32 @p2 $0x1082  }
0x22: {  	[simem:s7], [sflag:s8] =	dma.local @!p0 [hbm:s6], $0xF7A  }
0x23: {  	s9 =	sor.u32 $0xD0000000, s2;
	s6 =	simm.s32 $0x108;
	_ =	swait.ge @!p0 [sflag:s8], $0x0  }
0x24: {  	s3 =	sadd.s32 $0x88, s3;
	s6 =	simm.s32 @!p1 $0x1082;
	[sflag:s4] =	ssyncset.s32 $0xFFFFF086  }
0x25: {  	[simem:s6], [sflag:s4] =	dma.local [hbm:s3], $0xF7A  }
0x26: {  	[smem:$0x3F98] =	sst s1;
	(tag) =	ssettag s2;
	_ =	strace s9  }
0x27: {  	s1 =	sld [smem:$0x3FA8]  }
0x28: {  	s2 =	sld [smem:$0x3FA9]  }
0x29: {  	s4 =	sld [smem:$0x3FAB]  }
0x2a: {  	p0 =	seq.s32 s5, $0x0;
	s5 =	sld [smem:$0x3FAC]  }
0x2b: {  	s6 =	sld [smem:$0x3FAD]  }
0x2c: {  	s7 =	sld [smem:$0x3FAE]  }
0x2d: {  	s3 =	simm.s32 $0x108;
	s8 =	sld [smem:$0x3FAF]  }
0x2e: {  	s3 =	simm.s32 @!p0 $0x1082;
	s9 =	sld [smem:$0x3FB0]  }
0x2f: {  	lr =	sadd.s32 s0, s3;
	s0 =	sld [smem:$0x3FA7]  }
0x30: {  	s3 =	sld [smem:$0x3FAA]  }
0x31: {  	[smem:$0x3FB3] =	sst s10  }
0x32: {  	s10 =	sld [smem:$0x3FB1];
	_ =	sdelay $0x3  }
0x33: {  	p0 =	seq.s32 s10, $0x1;
	s10 =	sld [smem:$0x3FB3];
	_ =	sdelay $0x3  }
0x34: {  	[smem:$0x3FB3] =	sst s10  }
0x35: {  	s10 =	sld [smem:$0x3FB2];
	_ =	sdelay $0x3  }
0x36: {  	p1 =	seq.s32 s10, $0x1;
	s10 =	sld [smem:$0x3FB3];
	_ =	sdelay $0x3  }
0x37: {  	[smem:$0x3FB3] =	sst s10  }
0x38: {  	s10 =	sld [smem:$0x3FB4]  }
0x39: {  	_ = 	snop;
	(pc) =	sbr.ind lr, $3  }
0x3a: {  	_ = 	snop  }
0x3b: {  	_ = 	snop  }
0x3c: {  	p2 =	seq.s32 s10, $0x1;
	s10 =	sld [smem:$0x3FB3]  }
0x3d: {  	_ =	shalt  }
0x3e: {  	_ =	shalt  }
0x3f: {  	_ =	shalt  }
0x40: {  	_ =	shalt  }
0x41: {  	_ =	shalt  }
0x42: {  	_ =	shalt  }
0x43: {  	_ =	shalt  }
0x44: {  	_ =	shalt  }
0x45: {  	_ =	shalt  }
0x46: {  	_ =	shalt  }
0x47: {  	_ =	shalt  }
0x48: {  	_ =	shalt  }
0x49: {  	_ =	shalt  }
0x4a: {  	_ =	shalt  }
0x4b: {  	_ =	shalt  }
0x4c: {  	_ =	shalt  }
0x4d: {  	_ =	shalt  }
0x4e: {  	_ =	shalt  }
0x4f: {  	_ =	shalt  }
0x50: {  	_ =	shalt  }
0x51: {  	_ =	shalt  }
0x52: {  	_ =	shalt  }
0x53: {  	_ =	shalt  }
0x54: {  	_ =	shalt  }
0x55: {  	_ =	shalt  }
0x56: {  	_ =	shalt  }
0x57: {  	_ =	shalt  }
0x58: {  	_ =	shalt  }
0x59: {  	_ =	shalt  }
0x5a: {  	_ =	shalt  }
0x5b: {  	_ =	shalt  }
0x5c: {  	_ =	shalt  }
0x5d: {  	_ =	shalt  }
0x5e: {  	_ =	shalt  }
0x5f: {  	_ =	shalt  }
0x60: {  	_ =	shalt  }
0x61: {  	_ =	shalt  }
0x62: {  	_ =	shalt  }
0x63: {  	_ =	shalt  }
0x64: {  	_ =	shalt  }
0x65: {  	_ =	shalt  }
0x66: {  	_ =	shalt  }
0x67: {  	_ =	shalt  }
0x68: {  	_ =	shalt  }
0x69: {  	_ =	shalt  }
0x6a: {  	_ =	shalt  }
0x6b: {  	_ =	shalt  }
0x6c: {  	_ =	shalt  }
0x6d: {  	_ =	shalt  }
0x6e: {  	_ =	shalt  }
0x6f: {  	_ =	shalt  }
0x70: {  	_ =	shalt  }
0x71: {  	_ =	shalt  }
0x72: {  	_ =	shalt  }
0x73: {  	_ =	shalt  }
0x74: {  	_ =	shalt  }
0x75: {  	_ =	shalt  }
0x76: {  	_ =	shalt  }
0x77: {  	_ =	shalt  }
0x78: {  	_ =	shalt  }
0x79: {  	_ =	shalt  }
0x7a: {  	_ =	shalt  }
0x7b: {  	_ =	shalt  }
0x7c: {  	_ =	shalt  }
0x7d: {  	_ =	shalt  }
0x7e: {  	_ =	shalt  }
0x7f: {  	_ =	shalt  }
0x80: {  	_ =	shalt  }
0x81: {  	_ =	shalt  }
0x82: {  	_ =	shalt  }
0x83: {  	_ =	shalt  }
0x84: {  	_ =	shalt  }
0x85: {  	_ =	shalt  }
0x86: {  	_ =	shalt  }
0x87: {  	_ =	shalt  }
.Lfunc_end0:
.L_simem_size_0:
called_computation_lowered:
.L_overlay_start_0:
0x88: {  	s2 =	sld [smem:$0x3FD9]  }
0x89: {  	s3 =	sld [smem:$0x3FFE];
	_ =	sdelay $0x1  }
0x8a: {  	s1 =	srdreg.scid  }
0x8b: {  	s0 =	sand.u32 $0x1, s1  }
0x8c: {  	s16 =	sshll.u32 s0, $0xA;
	s2 =	sadd.s32 s3, s2  }
0x8d: {  	s2 =	sadd.s32 s2, s16  }
0x8e: {  	[smem:$0x3FBF] =	sst s2  }
0x8f: {  	_ = 	snop  }
0x90: {  	(tm) =	ssettm $0x1  }
0x91: {  	s17 =	sld [smem:$0x3FFB];
	_ =	sdelay $0x3  }
0x92: {  	_ =	strace s17  }
0x93: {  	s2 =	sld [smem:$0x3FFC];
	_ =	sdelay $0x3  }
0x94: {  	_ =	strace s2  }
0x95: {  	s2 =	sld [smem:$0x3FFD];
	_ =	sdelay $0x3  }
0x96: {  	_ =	strace s2  }
0x97: {  	_ =	strace $0x8FFFFFFF  }
0x98: {  	s18 =	sld [smem:$0x3FDB];
	_ =	sdelay $0x1  }
0x99: {  	s19 =	simm.s32 $_scs_section_size  }
0x9a: {  	s4 =	simm.s32 $_size__tile_overlayer_lowered;
	s5 =	simm.s32 $_tile_overlayer_lowered  }
0x9b: {  	s22 =	simm.s32 $0x1BFF;
	s21 =	sshll.u32 s5, $0x1;
	s2 =	sadd.s32 s19, s18  }
0x9c: {  	s6 =	simm.s32 $0x0;
	s20 =	sshll.u32 s4, $0x1;
	s4 =	sadd.s32 s21, s2  }
0x9d: {  	[timem:s6], [sflag:s22] =	dma.local [hbm:s4], s20  }
0x9e: {  	_ =	swait.ge [sflag:s22], s20  }
0x9f: {  	s3 =	ssub.s32 $0x0, s20;
	[sflag:s22] =	ssyncset.done $0x0  }
0xa0: {  	[sflag:s22] =	ssyncadd.s32 s3;
	_ =	sdelay $0x1  }
0xa1: {  	s23 =	simm.s32 $0x1B8B  }
0xa2: {  	_ =	swait.ge [sflag:s23], $0x1  }
0xa3: {  	[sflag:s23] =	ssyncset.done $0x0  }
0xa4: {  	s25 =	simm.s32 $0x1B8E;
	s24 =	sld [smem:$0x3FFE];
	[sflag:s23] =	ssyncadd.s32 $0xFFFFFFFF  }
0xa5: {  	s26 =	simm.s32 $execute0_lowered;
	[smem:$0x3FD2] =	sst s25  }
0xa6: {  	s4 =	sshll.u32 s26, $0x1;
	_ =	strace $0x80000049;
	[dreg:$0x1] =	wrdreg $0xFFFFFFFF  }
0xa7: {  	s28 =	simm.s32 $_size_execute0_lowered;
	s2 =	sadd.s32 s2, s4;
	[dreg:$0x0] =	wrdreg $0x0  }
0xa8: {  	s4 =	sshll.u32 s28, $0x1;
	[dreg:$0x2] =	wrdreg s2  }
0xa9: {  	[dreg:$0x3] =	wrdreg s4  }
0xaa: {  	[dreg:$0x4] =	wrdreg $0xC0  }
0xab: {  	_ =	task [dreg:s6], $0x5FFFF  }
0xac: {  	[dreg:$0x1] =	wrdreg $0xFFFFFFFF  }
0xad: {  	[dreg:$0x0] =	wrdreg $0x60  }
0xae: {  	[dreg:$0x2] =	wrdreg s24  }
0xaf: {  	[dreg:$0x3] =	wrdreg $0x151000  }
0xb0: {  	[dreg:$0x4] =	wrdreg $0x1F5000  }
0xb1: {  	[dreg:$0x5] =	wrdreg $0x9  }
0xb2: {  	_ =	task.clear_ibuf [dreg:s6], $0x6FFFF;
	_ =	strace $0x90000049  }
0xb3: {  	s29 =	simm.s32 $0x9;
	_ =	strace $0x8000004B  }
0xb4: {  	_ =	swait.ge [sflag:s29], $0x1  }
0xb5: {  	[sflag:s29] =	ssyncadd.s32 $0xFFFFFFFF  }
0xb6: {  	_ =	strace $0x9000004B  }
0xb7: {  	_ =	sfence  }
0xb8: {  	s30 =	sld [smem:$0x0];
	_ =	sdelay $0x2  }
0xb9: {  	s31 =	sshll.u32 s1, $0xD;
	s1 =	sshrl.u32 s1, $0x2  }
0xba: {  	s3 =	sand.u32 $0x4000, s31;
	s1 =	sadd.s32 s1, s30  }
0xbb: {  	s0 =	sor.u32 s3, s0;
	s1 =	sshll.u32 s1, $0x11  }
0xbc: {  	s0 =	sor.u32 s1, s0  }
0xbd: {  	s0 =	sadd.s32 $0x8F2B, s0  }
0xbe: {  	[sflag:s0] =	ssyncadd.remote.s32 $0x1  }
0xbf: {  	_ =	sfence.sel $0xFFFF  }
0xc0: {  	[dreg:$0x0] =	wrdreg $0xFFFFFFFF;
	(pc) =	sbr.abs _section_cstart, $3  }
0xc1: {  	[dreg:$0x1] =	wrdreg $0xFFFFFFFF  }
0xc2: {  	_ =	task.clear_ibuf [dreg:s6], $0x2FFFF;
	_ =	strace $0x9FFFFFFF  }
0xc3: {  	(tm) =	ssettm $0x7FFFFFFF  }
tec
execute0_lowered:
.L_overlay_start_1:
0x0: {  	(tag) =	ssettag $0x1  }
0x1: {  	s0 =	rddreg [dreg:$0x0]  }
0x2: {  	s1 =	rddreg [dreg:$0x1]  }
0x3: {  	s2 =	rddreg [dreg:$0x2];
	s3 =	simm.s32 $0x0;
	s4 =	srdreg.scid  }
0x4: {  	s8 =	stileid.u32;
	[smem:$0x7FF] =	sst s3;
	s6 =	sand.u32 $0x1, s4  }
0x5: {  	s15 =	smul.u32 $0x140, s8;
	s4 =	sadd.s32 $0x9D000, s0;
	s5 =	sadd.s32 $0xC5000, s0  }
0x6: {  	s7 =	sshll.u32 s8, $0xC;
	s9 =	sadd.s32 $0x23C00, s0;
	s11 =	smul.u32 $0x29000, s8  }
0x7: {  	s13 =	sadd.s32 $0x24800, s0;
	s17 =	smul.u32 $0x28000, s8;
	p0 =	sne.s32 s8, $0x0  }
0x8: {  	s8 =	simm.s32 $0x12880;
	s14 =	smul.u32 $0x1400, s6;
	_ =	strace $0x8000004A  }
0x9: {  	[dreg:$0x4] =	wrdreg s9;
	s12 =	sadd.s32 s7, s0;
	s7 =	sadd.s32 $0x24200, s0  }
0xa: {  	[dreg:$0x5] =	wrdreg s13;
	s6 =	ssub.s32 $0x2, s6;
	s13 =	sshrl.u32 s11, $0x2  }
0xb: {  	s18 =	sshrl.u32 s6, $0x1;
	s19 =	sshrl.u32 s17, $0x2;
	s11 =	sadd.s32 $0x13C00, s12  }
0xc: {  	s12 =	sadd.s32 $0x3C00, s12;
	s26 =	sadd.s32 s15, s14;
	s6 =	ssub.s32 s6, s18  }
0xd: {  	s15 =	sadd.s32 s15, s2;
	v0 =	vmov s14;
	s14 =	simm.s32 $0x8000;
	s10 =	sshll.u32 s26, $0x4  }
0xe: {  	s18 =	simm.s32 $0x15080;
	s9 =	sshrl.u32 s26, $0x3;
	s16 =	sadd.s32 s10, s0  }
0xf: {  	[dreg:$0xa] =	wrdreg s15;
	s15 =	simm.s32 $0x50;
	s17 =	sadd.s32 $0xED600, s16  }
0x10: {  	s0 =	sadd.s32 s9, s0;
	s20 =	sadd.s32 $0xEDB00, s16;
	[dreg:$0x6] =	wrdreg s17  }
0x11: {  	s9 =	sadd.s32 s13, s1;
	s21 =	sadd.s32 $0xEE000, s16;
	[dreg:$0x7] =	wrdreg s20  }
0x12: {  	s13 =	sadd.s32 s19, s1;
	s22 =	sadd.s32 $0xEE500, s16;
	[dreg:$0x8] =	wrdreg s21  }
0x13: {  	s19 =	simm.s32 $0x0;
	s0 =	sadd.s32 $0xED000, s0;
	[dreg:$0x9] =	wrdreg s22  }
0x14: {  	s10 =	sadd.s32 $0x2800, s9;
	s23 =	sadd.s32 $0x115600, s16;
	[dreg:$0xb] =	wrdreg s0  }
0x15: {  	s24 =	sadd.s32 $0x115B00, s16;
	s25 =	sadd.s32 $0x116000, s16;
	[dreg:$0xc] =	wrdreg s23  }
0x16: {  	s26 =	sadd.s32 $0x116500, s16;
	s28 =	sadd.s32 $0xA000, s9;
	[dreg:$0xd] =	wrdreg s24  }
0x17: {  	s29 =	sadd.s32 $0x2800, s13;
	s30 =	sadd.s32 $0x5000, s13;
	[dreg:$0xe] =	wrdreg s25  }
0x18: {  	v5 =	vlaneseq.u32;
	s31 =	sadd.s32 $0x7800, s13;
	s16 =	simm.s32 $0x1;
	[dreg:$0xf] =	wrdreg s26  }
0x19: {  	v1 =	vor.u32 $0x1400, v5;
	v2 =	vor.u32 $0x1410, v5;
	s24 =	smax.u32 s6, $0x1;
	s25 =	sadd.s32 $0x5000, s9;
	s26 =	sadd.s32 $0x7800, s9  }
0x1a: {  	v3 =	vor.u32 $0x1420, v5;
	v4 =	vor.u32 $0x1430, v5;
	v5 =	vor.u32 $0x1440, v5;
	s0 =	simm.s32 $0x10080;
	s6 =	simm.s32 $0x2;
	s17 =	simm.s32 $0x10000  }
.LBB2_1:
0x1b: {  	[tilespmem:s0], [sflag:$0x2] =	stream.linear.gather [hbm4b:s7+s3], $0x2800, $0x38;
	[tilespmem:$0x1F648] =	vst v63  }
0x1c: {  	_ =	swait.ge [sflag:s6], $0x2800  }
0x1d: {  	[sflag:s6] =	ssyncset.done $0x0  }
0x1e: {  	[sflag:s6] =	ssyncadd.s32 $0xFFFFD800  }
0x1f: {  	[spmem:s9] =	stream.linear.scatter [tilespmem:s0], [sflag:$0x2], $0x2800, $0x38;
	[tilespmem:$0x1F648] =	vst v63  }
0x20: {  	_ =	swait.ge [sflag:s6], $0x2800  }
0x21: {  	[sflag:s6] =	ssyncset.done $0x0  }
0x22: {  	[sflag:s6] =	ssyncadd.s32 $0xFFFFD800  }
0x23: {  	[spmem:s10] =	stream.linear.scatter [tilespmem:s0], [sflag:$0x2], $0x2800, $0x38;
	[tilespmem:$0x1F648] =	vst v63  }
0x24: {  	_ =	swait.ge [sflag:s6], $0x2800  }
0x25: {  	[sflag:s6] =	ssyncset.done $0x0  }
0x26: {  	[sflag:s6] =	ssyncadd.s32 $0xFFFFD800  }
0x27: {  	[spmem:s25] =	stream.linear.scatter [tilespmem:s0], [sflag:$0x2], $0x2800, $0x38;
	[tilespmem:$0x1F648] =	vst v63  }
0x28: {  	_ =	swait.ge [sflag:s6], $0x2800  }
0x29: {  	[sflag:s6] =	ssyncset.done $0x0  }
0x2a: {  	[sflag:s6] =	ssyncadd.s32 $0xFFFFD800  }
0x2b: {  	[spmem:s26] =	stream.linear.scatter [tilespmem:s0], [sflag:$0x2], $0x2800, $0x38;
	[tilespmem:$0x1F648] =	vst v63  }
0x2c: {  	_ =	swait.ge [sflag:s6], $0x2800  }
0x2d: {  	[sflag:s6] =	ssyncset.done $0x0  }
0x2e: {  	[sflag:s6] =	ssyncadd.s32 $0xFFFFD800  }
0x2f: {  	[spmem:s28] =	stream.linear.scatter [tilespmem:s0], [sflag:$0x2], $0x400, $0x38;
	[tilespmem:$0x1F648] =	vst v63  }
0x30: {  	_ =	swait.ge [sflag:s6], $0x400  }
0x31: {  	[sflag:s6] =	ssyncset.done $0x0  }
0x32: {  	s20 =	rddreg [dreg:$0x4];
	[sflag:s6] =	ssyncadd.s32 $0xFFFFFC00  }
0x33: {  	[tilespmem:s8], [sflag:$0x2] =	stream.linear.gather [hbm4b:s20+s3], $0x2800, $0x38;
	[tilespmem:$0x1F648] =	vst v63  }
0x34: {  	_ =	swait.ge [sflag:s6], $0x2800  }
0x35: {  	s21 =	simm.s32 @!p0 $0x1C02;
	[sflag:s6] =	ssyncset.done $0x0  }
0x36: {  	s20 =	sshrl.u32 @!p0 s2, $0x3;
	s22 =	rddreg [dreg:$0x5];
	[sflag:s6] =	ssyncadd.s32 $0xFFFFD800  }
0x37: {  	[spmem:s20], [sflag:s21] =	dma.local @!p0 [hbm:s22], $0x290  }
0x38: {  	s20 =	simm.s32 @!p0 $0x2  }
0x39: {  	_ =	swait.ge @!p0 [sflag:s20], $0x290  }
0x3a: {  	[sflag:s20] =	ssyncset.done @!p0 $0x0  }
0x3b: {  	[sflag:s20] =	ssyncadd.s32 @!p0 $0xFFFFFD70  }
0x3c: {  	[tilespmem:s3], [sflag:$0x2] =	stream.linear.gather [hbm4b:s11+s3], $0x7D00, $0x38;
	[tilespmem:$0x1F648] =	vst v63  }
0x3d: {  	_ =	swait.ge [sflag:s6], $0x7D00  }
0x3e: {  	[sflag:s6] =	ssyncset.done $0x0  }
0x3f: {  	[sflag:s6] =	ssyncadd.s32 $0xFFFF8300  }
0x40: {  	[tilespmem:s14], [sflag:$0x2] =	stream.linear.gather [hbm4b:s12+s3], $0x7D00, $0x38;
	[tilespmem:$0x1F648] =	vst v63  }
0x41: {  	_ =	swait.ge [sflag:s6], $0x7D00  }
0x42: {  	[sflag:s6] =	ssyncset.done $0x0  }
0x43: {  	[sflag:s6] =	ssyncadd.s32 $0xFFFF8300  }
0x44: {  	s20 =	simm.s32 $0x0;
	[bflag:$0x0] =	sbarrier.arrive $0xFFFF  }
.LBB2_2:
0x45: {  	s21 =	sshra.s32 s20, $0x2  }
0x46: {  	[tilespmem:s0], [sflag:$0x1] =	stream.indirect.gather [hbm4b:s4+s15], $0x80, s21, s15, $0xb8;
	[tilespmem:$0x1F648] =	vst v63  }
0x47: {  	v6 =	vld [tilespmem:s21+$0x8000];
	_ =	sdelay $0x4  }
0x48: {  	v6 =	vsub.s32 v6, v0  }
0x49: {  	vm0 =	vlt.u32 v6, $0x1400  }
0x4a: {  	v6 =	vsel vm0, v6, v1  }
0x4b: {  	[tilespmem:$0x10000] =	vst v6  }
0x4c: {  	v6 =	vld [tilespmem:s21+$0x8010];
	_ =	sdelay $0x4  }
0x4d: {  	v6 =	vsub.s32 v6, v0  }
0x4e: {  	vm12 =	vlt.u32 v6, $0x1400  }
0x4f: {  	v6 =	vsel vm12, v6, v2  }
0x50: {  	[tilespmem:$0x10010] =	vst v6  }
0x51: {  	v6 =	vld [tilespmem:s21+$0x8020];
	_ =	sdelay $0x4  }
0x52: {  	v6 =	vsub.s32 v6, v0  }
0x53: {  	vm13 =	vlt.u32 v6, $0x1400  }
0x54: {  	v6 =	vsel vm13, v6, v3  }
0x55: {  	[tilespmem:$0x10020] =	vst v6  }
0x56: {  	v6 =	vld [tilespmem:s21+$0x8030];
	_ =	sdelay $0x4  }
0x57: {  	v6 =	vsub.s32 v6, v0  }
0x58: {  	vm14 =	vlt.u32 v6, $0x1400  }
0x59: {  	v6 =	vsel vm14, v6, v4  }
0x5a: {  	[tilespmem:$0x10030] =	vst v6  }
0x5b: {  	v6 =	vld [tilespmem:s21+$0x8040];
	_ =	sdelay $0x4  }
0x5c: {  	v6 =	vsub.s32 v6, v0  }
0x5d: {  	vm15 =	vlt.u32 v6, $0x1400  }
0x5e: {  	v6 =	vsel vm15, v6, v5  }
0x5f: {  	[tilespmem:$0x10040] =	vst v6  }
0x60: {  	v6 =	vld [tilespmem:s21+$0x0];
	_ =	sdelay $0x7  }
0x61: {  	v6 =	vld.idx.msk [tilespmem:v6+s8+$0x0], $0xffff;
	_ =	sdelay $0x4  }
0x62: {  	[tilespmem:$0x15080] =	vst v6  }
0x63: {  	v6 =	vld [tilespmem:s21+$0x10];
	_ =	sdelay $0x7  }
0x64: {  	v6 =	vld.idx.msk [tilespmem:v6+s8+$0x0], $0xffff;
	_ =	sdelay $0x4  }
0x65: {  	[tilespmem:$0x15090] =	vst v6  }
0x66: {  	v6 =	vld [tilespmem:s21+$0x20];
	_ =	sdelay $0x7  }
0x67: {  	v6 =	vld.idx.msk [tilespmem:v6+s8+$0x0], $0xffff;
	_ =	sdelay $0x4  }
0x68: {  	[tilespmem:$0x150A0] =	vst v6  }
0x69: {  	v6 =	vld [tilespmem:s21+$0x30];
	_ =	sdelay $0x7  }
0x6a: {  	v6 =	vld.idx.msk [tilespmem:v6+s8+$0x0], $0xffff;
	_ =	sdelay $0x4  }
0x6b: {  	[tilespmem:$0x150B0] =	vst v6  }
0x6c: {  	v6 =	vld [tilespmem:s21+$0x40];
	_ =	sdelay $0x7  }
0x6d: {  	v6 =	vld.idx.msk [tilespmem:v6+s8+$0x0], $0xffff;
	_ =	sdelay $0x4  }
0x6e: {  	[tilespmem:$0x150C0] =	vst v6  }
0x6f: {  	_ =	swait.ge [sflag:s16], $0x2800  }
0x70: {  	[sflag:s16] =	ssyncset.done $0x0  }
0x71: {  	[sflag:s16] =	ssyncadd.s32 $0xFFFFD800  }
0x72: {  	[spmem:s1] =	stream.indirect.scatter.add.f32 [tilespmem:s0], [sflag:$0x2], $0x80, s17, s15, $0xb8;
	[tilespmem:$0x1F648] =	vst v63  }
0x73: {  	_ =	swait.ge [sflag:s6], $0x2800  }
0x74: {  	p1 =	sne.s32 s20, $0x1F200;
	[sflag:s6] =	ssyncset.done $0x0  }
.Ltmp0:
0x75: {  	[sflag:s6] =	ssyncadd.s32 $0xFFFFD800;
	(pc) =	sbr.rel @p1 .LBB2_2-.Ltmp0, $4  }
0x76: {  	[spmem:s2] =	stream.indirect.scatter.add.f32 [tilespmem:s18], [sflag:$0x2], $0x1, s17, s15, $0xb8;
	[tilespmem:$0x1F648] =	vst v63  }
0x77: {  	_ =	swait.ge [sflag:s6], $0x50  }
0x78: {  	[sflag:s6] =	ssyncset.done $0x0  }
0x79: {  	s20 =	sadd.s32 $0x200, s20;
	[sflag:s6] =	ssyncadd.s32 $0xFFFFFFB0  }
0x7a: {  	[bflag:$0x0] =	sbarrier.arrive $0xFFFF  }
0x7b: {  	[tilespmem:s0], [sflag:$0x2] =	stream.linear.gather [spmem:s13], $0x2800, $0x38;
	[tilespmem:$0x1F648] =	vst v63  }
0x7c: {  	_ =	swait.ge [sflag:s6], $0x2800  }
0x7d: {  	[sflag:s6] =	ssyncset.done $0x0  }
0x7e: {  	s20 =	simm.s32 $0x0;
	s21 =	rddreg [dreg:$0x6];
	[sflag:s6] =	ssyncadd.s32 $0xFFFFD800  }
0x7f: {  	[hbm4b:s21+s20] =	stream.linear.scatter [tilespmem:s0], [sflag:$0x2], $0x2800, $0x38;
	[tilespmem:$0x1F648] =	vst v63  }
0x80: {  	_ =	swait.ge [sflag:s6], $0x2800  }
0x81: {  	[sflag:s6] =	ssyncset.done $0x0  }
0x82: {  	[sflag:s6] =	ssyncadd.s32 $0xFFFFD800  }
0x83: {  	[tilespmem:s0], [sflag:$0x2] =	stream.linear.gather [spmem:s29], $0x2800, $0x38;
	[tilespmem:$0x1F648] =	vst v63  }
0x84: {  	_ =	swait.ge [sflag:s6], $0x2800  }
0x85: {  	[sflag:s6] =	ssyncset.done $0x0  }
0x86: {  	s22 =	rddreg [dreg:$0x7];
	[sflag:s6] =	ssyncadd.s32 $0xFFFFD800  }
0x87: {  	[hbm4b:s22+s20] =	stream.linear.scatter [tilespmem:s0], [sflag:$0x2], $0x2800, $0x38;
	[tilespmem:$0x1F648] =	vst v63  }
0x88: {  	_ =	swait.ge [sflag:s6], $0x2800  }
0x89: {  	[sflag:s6] =	ssyncset.done $0x0  }
0x8a: {  	[sflag:s6] =	ssyncadd.s32 $0xFFFFD800  }
0x8b: {  	[tilespmem:s0], [sflag:$0x2] =	stream.linear.gather [spmem:s30], $0x2800, $0x38;
	[tilespmem:$0x1F648] =	vst v63  }
0x8c: {  	_ =	swait.ge [sflag:s6], $0x2800  }
0x8d: {  	[sflag:s6] =	ssyncset.done $0x0  }
0x8e: {  	s23 =	rddreg [dreg:$0x8];
	[sflag:s6] =	ssyncadd.s32 $0xFFFFD800  }
0x8f: {  	[hbm4b:s23+s20] =	stream.linear.scatter [tilespmem:s0], [sflag:$0x2], $0x2800, $0x38;
	[tilespmem:$0x1F648] =	vst v63  }
0x90: {  	_ =	swait.ge [sflag:s6], $0x2800  }
0x91: {  	[sflag:s6] =	ssyncset.done $0x0  }
0x92: {  	[sflag:s6] =	ssyncadd.s32 $0xFFFFD800  }
0x93: {  	[tilespmem:s0], [sflag:$0x2] =	stream.linear.gather [spmem:s31], $0x2800, $0x38;
	[tilespmem:$0x1F648] =	vst v63  }
0x94: {  	_ =	swait.ge [sflag:s6], $0x2800  }
0x95: {  	[sflag:s6] =	ssyncset.done $0x0  }
0x96: {  	s22 =	rddreg [dreg:$0x9];
	[sflag:s6] =	ssyncadd.s32 $0xFFFFD800  }
0x97: {  	[hbm4b:s22+s20] =	stream.linear.scatter [tilespmem:s0], [sflag:$0x2], $0x2800, $0x38;
	[tilespmem:$0x1F648] =	vst v63  }
0x98: {  	_ =	swait.ge [sflag:s6], $0x2800  }
0x99: {  	[sflag:s6] =	ssyncset.done $0x0  }
0x9a: {  	s23 =	rddreg [dreg:$0xa];
	[sflag:s6] =	ssyncadd.s32 $0xFFFFD800  }
0x9b: {  	[tilespmem:s8], [sflag:$0x2] =	stream.linear.gather [spmem:s23], $0x140, $0x38;
	[tilespmem:$0x1F648] =	vst v63  }
0x9c: {  	_ =	swait.ge [sflag:s6], $0x140  }
0x9d: {  	[sflag:s6] =	ssyncset.done $0x0  }
0x9e: {  	s22 =	rddreg [dreg:$0xb];
	[sflag:s6] =	ssyncadd.s32 $0xFFFFFEC0  }
0x9f: {  	[hbm4b:s22+s20] =	stream.linear.scatter [tilespmem:s8], [sflag:$0x2], $0x140, $0x38;
	[tilespmem:$0x1F648] =	vst v63  }
0xa0: {  	_ =	swait.ge [sflag:s6], $0x140  }
0xa1: {  	[sflag:s6] =	ssyncset.done $0x0  }
0xa2: {  	[sflag:s6] =	ssyncadd.s32 $0xFFFFFEC0  }
0xa3: {  	[tilespmem:s0], [sflag:$0x2] =	stream.linear.gather [hbm4b:s7+s20], $0x2800, $0x38;
	[tilespmem:$0x1F648] =	vst v63  }
0xa4: {  	_ =	swait.ge [sflag:s6], $0x2800  }
0xa5: {  	[sflag:s6] =	ssyncset.done $0x0  }
0xa6: {  	[sflag:s6] =	ssyncadd.s32 $0xFFFFD800  }
0xa7: {  	[spmem:s9] =	stream.linear.scatter [tilespmem:s0], [sflag:$0x2], $0x2800, $0x38;
	[tilespmem:$0x1F648] =	vst v63  }
0xa8: {  	_ =	swait.ge [sflag:s6], $0x2800  }
0xa9: {  	[sflag:s6] =	ssyncset.done $0x0  }
0xaa: {  	[sflag:s6] =	ssyncadd.s32 $0xFFFFD800  }
0xab: {  	[spmem:s10] =	stream.linear.scatter [tilespmem:s0], [sflag:$0x2], $0x2800, $0x38;
	[tilespmem:$0x1F648] =	vst v63  }
0xac: {  	_ =	swait.ge [sflag:s6], $0x2800  }
0xad: {  	[sflag:s6] =	ssyncset.done $0x0  }
0xae: {  	[sflag:s6] =	ssyncadd.s32 $0xFFFFD800  }
0xaf: {  	[spmem:s25] =	stream.linear.scatter [tilespmem:s0], [sflag:$0x2], $0x2800, $0x38;
	[tilespmem:$0x1F648] =	vst v63  }
0xb0: {  	_ =	swait.ge [sflag:s6], $0x2800  }
0xb1: {  	[sflag:s6] =	ssyncset.done $0x0  }
0xb2: {  	[sflag:s6] =	ssyncadd.s32 $0xFFFFD800  }
0xb3: {  	[spmem:s26] =	stream.linear.scatter [tilespmem:s0], [sflag:$0x2], $0x2800, $0x38;
	[tilespmem:$0x1F648] =	vst v63  }
0xb4: {  	_ =	swait.ge [sflag:s6], $0x2800  }
0xb5: {  	[sflag:s6] =	ssyncset.done $0x0  }
0xb6: {  	[sflag:s6] =	ssyncadd.s32 $0xFFFFD800  }
0xb7: {  	[spmem:s28] =	stream.linear.scatter [tilespmem:s0], [sflag:$0x2], $0x400, $0x38;
	[tilespmem:$0x1F648] =	vst v63  }
0xb8: {  	_ =	swait.ge [sflag:s6], $0x400  }
0xb9: {  	[sflag:s6] =	ssyncset.done $0x0  }
0xba: {  	[sflag:s6] =	ssyncadd.s32 $0xFFFFFC00  }
0xbb: {  	[tilespmem:s20], [sflag:$0x2] =	stream.linear.gather [hbm4b:s12+s20], $0x7D00, $0x38;
	[tilespmem:$0x1F648] =	vst v63  }
0xbc: {  	_ =	swait.ge [sflag:s6], $0x7D00  }
0xbd: {  	[sflag:s6] =	ssyncset.done $0x0  }
0xbe: {  	[sflag:s6] =	ssyncadd.s32 $0xFFFF8300  }
0xbf: {  	[tilespmem:s14], [sflag:$0x2] =	stream.linear.gather [hbm4b:s11+s20], $0x7D00, $0x38;
	[tilespmem:$0x1F648] =	vst v63  }
0xc0: {  	_ =	swait.ge [sflag:s6], $0x7D00  }
0xc1: {  	[sflag:s6] =	ssyncset.done $0x0  }
0xc2: {  	[sflag:s6] =	ssyncadd.s32 $0xFFFF8300  }
0xc3: {  	s23 =	simm.s32 $0x0;
	[bflag:$0x0] =	sbarrier.arrive $0xFFFF  }
0xc4: {  	[tilespmem:s0], [sflag:$0x1] =	stream.indirect.gather [hbm4b:s5+s15], $0x80, s23, s15, $0xb8;
	[tilespmem:$0x1F648] =	vst v63  }
0xc5: {  	v6 =	vld [tilespmem:s23+$0x8000];
	_ =	sdelay $0x4  }
0xc6: {  	v6 =	vsub.s32 v6, v0  }
0xc7: {  	vm0 =	vlt.u32 v6, $0x1400  }
0xc8: {  	v6 =	vsel vm0, v6, v1  }
0xc9: {  	[tilespmem:$0x10000] =	vst v6  }
0xca: {  	v6 =	vld [tilespmem:s23+$0x8010];
	_ =	sdelay $0x4  }
0xcb: {  	v6 =	vsub.s32 v6, v0  }
0xcc: {  	vm12 =	vlt.u32 v6, $0x1400  }
0xcd: {  	v6 =	vsel vm12, v6, v2  }
0xce: {  	[tilespmem:$0x10010] =	vst v6  }
0xcf: {  	v6 =	vld [tilespmem:s23+$0x8020];
	_ =	sdelay $0x4  }
0xd0: {  	v6 =	vsub.s32 v6, v0  }
0xd1: {  	vm13 =	vlt.u32 v6, $0x1400  }
0xd2: {  	v6 =	vsel vm13, v6, v3  }
0xd3: {  	[tilespmem:$0x10020] =	vst v6  }
0xd4: {  	v6 =	vld [tilespmem:s23+$0x8030];
	_ =	sdelay $0x4  }
0xd5: {  	v6 =	vsub.s32 v6, v0  }
0xd6: {  	vm14 =	vlt.u32 v6, $0x1400  }
0xd7: {  	v6 =	vsel vm14, v6, v4  }
0xd8: {  	[tilespmem:$0x10030] =	vst v6  }
0xd9: {  	v6 =	vld [tilespmem:s23+$0x8040];
	_ =	sdelay $0x4  }
0xda: {  	v6 =	vsub.s32 v6, v0  }
0xdb: {  	vm15 =	vlt.u32 v6, $0x1400  }
0xdc: {  	v6 =	vsel vm15, v6, v5  }
0xdd: {  	[tilespmem:$0x10040] =	vst v6  }
0xde: {  	_ =	swait.ge [sflag:s16], $0x2800  }
0xdf: {  	[sflag:s16] =	ssyncset.done $0x0  }
0xe0: {  	[sflag:s16] =	ssyncadd.s32 $0xFFFFD800  }
0xe1: {  	[spmem:s1] =	stream.indirect.scatter.add.f32 [tilespmem:s0], [sflag:$0x2], $0x80, s17, s15, $0xb8;
	[tilespmem:$0x1F648] =	vst v63  }
0xe2: {  	_ =	swait.ge [sflag:s6], $0x2800  }
0xe3: {  	s21 =	simm.s32 $0x400;
	s20 =	simm.s32 $0x200;
	[sflag:s6] =	ssyncset.done $0x0  }
.LBB2_4:
0xe4: {  	s22 =	sshra.s32 s20, $0x2  }
0xe5: {  	[sflag:s6] =	ssyncadd.s32 $0xFFFFD800;
	s20 =	smov.u32 s21;
	s23 =	sadd.s32 $0x200, s21  }
0xe6: {  	[tilespmem:s0], [sflag:$0x1] =	stream.indirect.gather [hbm4b:s5+s15], $0x80, s22, s15, $0xb8;
	[tilespmem:$0x1F648] =	vst v63  }
0xe7: {  	p1 =	sne.s32 s21, $0x1F200;
	v6 =	vld [tilespmem:s22+$0x8000];
	_ =	sdelay $0x4  }
0xe8: {  	v6 =	vsub.s32 v6, v0  }
0xe9: {  	vm0 =	vlt.u32 v6, $0x1400  }
0xea: {  	v6 =	vsel vm0, v6, v1  }
0xeb: {  	[tilespmem:$0x10000] =	vst v6  }
0xec: {  	v6 =	vld [tilespmem:s22+$0x8010];
	_ =	sdelay $0x4  }
0xed: {  	v6 =	vsub.s32 v6, v0  }
0xee: {  	vm0 =	vlt.u32 v6, $0x1400  }
0xef: {  	v6 =	vsel vm0, v6, v2  }
0xf0: {  	[tilespmem:$0x10010] =	vst v6  }
0xf1: {  	v6 =	vld [tilespmem:s22+$0x8020];
	_ =	sdelay $0x4  }
0xf2: {  	v6 =	vsub.s32 v6, v0  }
0xf3: {  	vm0 =	vlt.u32 v6, $0x1400  }
0xf4: {  	v6 =	vsel vm0, v6, v3  }
0xf5: {  	[tilespmem:$0x10020] =	vst v6  }
0xf6: {  	v6 =	vld [tilespmem:s22+$0x8030];
	_ =	sdelay $0x4  }
0xf7: {  	v6 =	vsub.s32 v6, v0  }
0xf8: {  	vm0 =	vlt.u32 v6, $0x1400  }
0xf9: {  	v6 =	vsel vm0, v6, v4  }
0xfa: {  	[tilespmem:$0x10030] =	vst v6  }
0xfb: {  	v6 =	vld [tilespmem:s22+$0x8040];
	_ =	sdelay $0x4  }
0xfc: {  	v6 =	vsub.s32 v6, v0  }
0xfd: {  	vm0 =	vlt.u32 v6, $0x1400  }
0xfe: {  	v6 =	vsel vm0, v6, v5  }
0xff: {  	[tilespmem:$0x10040] =	vst v6  }
0x100: {  	_ =	swait.ge [sflag:s16], $0x2800  }
.Ltmp1:
0x101: {  	[sflag:s16] =	ssyncset.done $0x0;
	(pc) =	sbr.rel @p1 .LBB2_4-.Ltmp1, $4  }
0x102: {  	[sflag:s16] =	ssyncadd.s32 $0xFFFFD800  }
0x103: {  	[spmem:s1] =	stream.indirect.scatter.add.f32 [tilespmem:s0], [sflag:$0x2], $0x80, s17, s15, $0xb8;
	[tilespmem:$0x1F648] =	vst v63  }
0x104: {  	_ =	swait.ge [sflag:s6], $0x2800  }
0x105: {  	s21 =	smov.u32 s23;
	[sflag:s6] =	ssyncset.done $0x0  }
0x106: {  	s20 =	sshra.s32 s20, $0x2;
	[sflag:s6] =	ssyncadd.s32 $0xFFFFD800  }
0x107: {  	[tilespmem:s0], [sflag:$0x1] =	stream.indirect.gather [hbm4b:s5+s15], $0x80, s20, s15, $0xb8;
	[tilespmem:$0x1F648] =	vst v63  }
0x108: {  	v6 =	vld [tilespmem:s20+$0x8000];
	_ =	sdelay $0x4  }
0x109: {  	v6 =	vsub.s32 v6, v0  }
0x10a: {  	vm0 =	vlt.u32 v6, $0x1400  }
0x10b: {  	v6 =	vsel vm0, v6, v1  }
0x10c: {  	[tilespmem:$0x10000] =	vst v6  }
0x10d: {  	v6 =	vld [tilespmem:s20+$0x8010];
	_ =	sdelay $0x4  }
0x10e: {  	v6 =	vsub.s32 v6, v0  }
0x10f: {  	vm12 =	vlt.u32 v6, $0x1400  }
0x110: {  	v6 =	vsel vm12, v6, v2  }
0x111: {  	[tilespmem:$0x10010] =	vst v6  }
0x112: {  	v6 =	vld [tilespmem:s20+$0x8020];
	_ =	sdelay $0x4  }
0x113: {  	v6 =	vsub.s32 v6, v0  }
0x114: {  	vm13 =	vlt.u32 v6, $0x1400  }
0x115: {  	v6 =	vsel vm13, v6, v3  }
0x116: {  	[tilespmem:$0x10020] =	vst v6  }
0x117: {  	v6 =	vld [tilespmem:s20+$0x8030];
	_ =	sdelay $0x4  }
0x118: {  	v6 =	vsub.s32 v6, v0  }
0x119: {  	vm14 =	vlt.u32 v6, $0x1400  }
0x11a: {  	v6 =	vsel vm14, v6, v4  }
0x11b: {  	[tilespmem:$0x10030] =	vst v6  }
0x11c: {  	v6 =	vld [tilespmem:s20+$0x8040];
	_ =	sdelay $0x4  }
0x11d: {  	v6 =	vsub.s32 v6, v0  }
0x11e: {  	vm15 =	vlt.u32 v6, $0x1400  }
0x11f: {  	v6 =	vsel vm15, v6, v5  }
0x120: {  	[tilespmem:$0x10040] =	vst v6  }
0x121: {  	_ =	swait.ge [sflag:s16], $0x2800  }
0x122: {  	[sflag:s16] =	ssyncset.done $0x0  }
0x123: {  	[sflag:s16] =	ssyncadd.s32 $0xFFFFD800  }
0x124: {  	[spmem:s1] =	stream.indirect.scatter.add.f32 [tilespmem:s0], [sflag:$0x2], $0x80, s17, s15, $0xb8;
	[tilespmem:$0x1F648] =	vst v63  }
0x125: {  	_ =	swait.ge [sflag:s6], $0x2800  }
0x126: {  	[sflag:s6] =	ssyncset.done $0x0  }
0x127: {  	[sflag:s6] =	ssyncadd.s32 $0xFFFFD800  }
0x128: {  	[bflag:$0x0] =	sbarrier.arrive $0xFFFF  }
0x129: {  	[tilespmem:s0], [sflag:$0x2] =	stream.linear.gather [spmem:s13], $0x2800, $0x38;
	[tilespmem:$0x1F648] =	vst v63  }
0x12a: {  	_ =	swait.ge [sflag:s6], $0x2800  }
0x12b: {  	[sflag:s6] =	ssyncset.done $0x0  }
0x12c: {  	s23 =	rddreg [dreg:$0xc];
	[sflag:s6] =	ssyncadd.s32 $0xFFFFD800  }
0x12d: {  	[hbm4b:s23+s3] =	stream.linear.scatter [tilespmem:s0], [sflag:$0x2], $0x2800, $0x38;
	[tilespmem:$0x1F648] =	vst v63  }
0x12e: {  	_ =	swait.ge [sflag:s6], $0x2800  }
0x12f: {  	[sflag:s6] =	ssyncset.done $0x0  }
0x130: {  	[sflag:s6] =	ssyncadd.s32 $0xFFFFD800  }
0x131: {  	[tilespmem:s0], [sflag:$0x2] =	stream.linear.gather [spmem:s29], $0x2800, $0x38;
	[tilespmem:$0x1F648] =	vst v63  }
0x132: {  	_ =	swait.ge [sflag:s6], $0x2800  }
0x133: {  	[sflag:s6] =	ssyncset.done $0x0  }
0x134: {  	s21 =	rddreg [dreg:$0xd];
	[sflag:s6] =	ssyncadd.s32 $0xFFFFD800  }
0x135: {  	[hbm4b:s21+s3] =	stream.linear.scatter [tilespmem:s0], [sflag:$0x2], $0x2800, $0x38;
	[tilespmem:$0x1F648] =	vst v63  }
0x136: {  	_ =	swait.ge [sflag:s6], $0x2800  }
0x137: {  	[sflag:s6] =	ssyncset.done $0x0  }
0x138: {  	[sflag:s6] =	ssyncadd.s32 $0xFFFFD800  }
0x139: {  	[tilespmem:s0], [sflag:$0x2] =	stream.linear.gather [spmem:s30], $0x2800, $0x38;
	[tilespmem:$0x1F648] =	vst v63  }
0x13a: {  	_ =	swait.ge [sflag:s6], $0x2800  }
0x13b: {  	[sflag:s6] =	ssyncset.done $0x0  }
0x13c: {  	s22 =	rddreg [dreg:$0xe];
	[sflag:s6] =	ssyncadd.s32 $0xFFFFD800  }
0x13d: {  	[hbm4b:s22+s3] =	stream.linear.scatter [tilespmem:s0], [sflag:$0x2], $0x2800, $0x38;
	[tilespmem:$0x1F648] =	vst v63  }
0x13e: {  	_ =	swait.ge [sflag:s6], $0x2800  }
0x13f: {  	[sflag:s6] =	ssyncset.done $0x0  }
0x140: {  	[sflag:s6] =	ssyncadd.s32 $0xFFFFD800  }
0x141: {  	[tilespmem:s0], [sflag:$0x2] =	stream.linear.gather [spmem:s31], $0x2800, $0x38;
	[tilespmem:$0x1F648] =	vst v63  }
0x142: {  	s19 =	sadd.s32 $0x1, s19;
	_ =	swait.ge [sflag:s6], $0x2800  }
0x143: {  	p1 =	sne.s32 s19, s24;
	[sflag:s6] =	ssyncset.done $0x0  }
.Ltmp2:
0x144: {  	s23 =	rddreg [dreg:$0xf];
	[sflag:s6] =	ssyncadd.s32 $0xFFFFD800;
	(pc) =	sbr.rel @p1 .LBB2_1-.Ltmp2, $4  }
0x145: {  	[hbm4b:s23+s3] =	stream.linear.scatter [tilespmem:s0], [sflag:$0x2], $0x2800, $0x38;
	[tilespmem:$0x1F648] =	vst v63  }
0x146: {  	_ =	swait.ge [sflag:s6], $0x2800  }
0x147: {  	[sflag:s6] =	ssyncset.done $0x0  }
0x148: {  	[sflag:s6] =	ssyncadd.s32 $0xFFFFD800  }
0x149: {  	_ =	sfence.sel $0x180000  }
0x14a: {  	[bflag:$0x0] =	sbarrier.arrive $0xFFFF  }
0x14b: {  	_ =	strace $0x9000004A  }
0x14c: {  	[bflag:$0x2] =	sbarrier.arrive $0xFFFF  }
0x14d: {  	s0 =	rddreg [dreg:$0x3]  }
0x14e: {  	s0 =	sadd.s32 @!p0 $0x100000, s0  }
0x14f: {  	[sflag:s0] =	ssyncadd.tile.s32 @!p0 $0x1;
	_ =	shalt  }
.Lfunc_end2:
_tile_overlayer_lowered:
.L_overlay_start_2:
0x150: {  	(tag) =	ssettag $0x2  }
0x151: {  	s0 =	rddreg [dreg:$0x0];
	s2 =	stileid.u32  }
0x152: {  	s1 =	rddreg [dreg:$0x1];
	p0 =	sne.s32 s2, $0x0  }
0x153: {  	s3 =	rddreg [dreg:$0x2];
	[bflag:$0x3] =	sbarrier.arrive $0xFFFF;
	s2 =	simm.s32 @!p0 $0x1C02  }
0x154: {  	[timem:s3], [sflag:s2] =	dma.local @!p0 [hbm:s0], s1  }
0x155: {  	s0 =	simm.s32 @!p0 $0x2  }
0x156: {  	_ =	swait.ge @!p0 [sflag:s0], s1  }
0x157: {  	s1 =	ssub.s32 @!p0 $0x0, s1;
	[sflag:s0] =	ssyncset.done @!p0 $0x0  }
0x158: {  	[sflag:s0] =	ssyncadd.s32 @!p0 s1  }
0x159: {  	[bflag:$0x3] =	sbarrier.arrive $0xFFFF  }
0x15a: {  	_ =	shalt  }

// kernel: kernel.5.cloned.1.call-start
scs
__scs_entry_jumppad:
0x0: {  	(pc) =	sbr.rel $0x88, $3  }
0x1: {  	(tag) =	ssettag $0x0;
	lr =	simm.s32 $0x1  }
0x2: {  	[smem:$0x3F98] =	sst lr;
	_ =	strace $0xD0000000  }
0x3: {  	_ = 	snop  }
0x4: {  	_ = 	snop  }
0x5: {  	_ = 	snop  }
0x6: {  	_ = 	snop  }
0x7: {  	_ = 	snop  }
__scs_overlays_trampoline_lowered:
0x8: {  	[smem:$0x3FA7] =	sst s0  }
0x9: {  	[smem:$0x3FA8] =	sst s1  }
0xa: {  	[smem:$0x3FA9] =	sst s2  }
0xb: {  	[smem:$0x3FAA] =	sst s3  }
0xc: {  	[smem:$0x3FAB] =	sst s4  }
0xd: {  	[smem:$0x3FAC] =	sst s5  }
0xe: {  	[smem:$0x3FAD] =	sst s6  }
0xf: {  	[smem:$0x3FAE] =	sst s7  }
0x10: {  	[smem:$0x3FAF] =	sst s8  }
0x11: {  	[smem:$0x3FB0] =	sst s9;
	s0 =	simm.s32 @!p0 $0x0  }
0x12: {  	s1 =	sld [smem:$0x3F96];
	s0 =	simm.s32 @p0 $0x1  }
0x13: {  	[smem:$0x3FB1] =	sst s0;
	s0 =	simm.s32 @!p1 $0x0  }
0x14: {  	s2 =	sld [smem:$0x3F95];
	s0 =	simm.s32 @p1 $0x1  }
0x15: {  	[smem:$0x3FB2] =	sst s0;
	s0 =	simm.s32 @!p2 $0x0  }
0x16: {  	s3 =	sld [smem:$0x3FDB];
	s0 =	simm.s32 @p2 $0x1  }
0x17: {  	s4 =	simm.s32 $0x1BF5;
	[smem:$0x3FB4] =	sst s0  }
0x18: {  	s0 =	sld [smem:$0x3F97];
	_ =	swait.ge [sflag:s4], $0x0  }
0x19: {  	s7 =	sld [smem:$0x3F98]  }
0x1a: {  	s8 =	sadd.s32 $0xFFFFE003, lr  }
0x1b: {  	s9 =	sadd.s32 $0xFFFFFEF7, lr;
	s5 =	simm.s32 $0xFFFFFFFF;
	p2 =	slt.u32 s8, $0xFFFFF086  }
0x1c: {  	p1 =	slt.u32 s9, $0xF7A;
	s5 =	simm.s32 @!p2 $0x0  }
0x1d: {  	s5 =	simm.s32 @p1 $0x1;
	p0 =	seq.s32 s7, s2  }
0x1e: {  	s7 =	smul.u32 @!p0 $0xF7A, s2;
	p2 =	seq.s32 @!p0 s5, $0x0  }
0x1f: {  	s9 =	smul.u32 $0xF7A, s1;
	s8 =	simm.s32 @!p0 $0x1BF5;
	p2 =	por !p2, p0  }
0x20: {  	[sflag:s8] =	ssyncset.s32 @!p0 $0xFFFFF086;
	s6 =	sadd.s32 @!p0 s3, s7;
	s7 =	simm.s32 @!p0 $0x108  }
0x21: {  	s3 =	sadd.s32 s3, s9;
	s6 =	sadd.s32 @!p0 $0x88, s6;
	s7 =	simm.s32 @p2 $0x1082  }
0x22: {  	[simem:s7], [sflag:s8] =	dma.local @!p0 [hbm:s6], $0xF7A  }
0x23: {  	s9 =	sor.u32 $0xD0000000, s2;
	s6 =	simm.s32 $0x108;
	_ =	swait.ge @!p0 [sflag:s8], $0x0  }
0x24: {  	s3 =	sadd.s32 $0x88, s3;
	s6 =	simm.s32 @!p1 $0x1082;
	[sflag:s4] =	ssyncset.s32 $0xFFFFF086  }
0x25: {  	[simem:s6], [sflag:s4] =	dma.local [hbm:s3], $0xF7A  }
0x26: {  	[smem:$0x3F98] =	sst s1;
	(tag) =	ssettag s2;
	_ =	strace s9  }
0x27: {  	s1 =	sld [smem:$0x3FA8]  }
0x28: {  	s2 =	sld [smem:$0x3FA9]  }
0x29: {  	s4 =	sld [smem:$0x3FAB]  }
0x2a: {  	p0 =	seq.s32 s5, $0x0;
	s5 =	sld [smem:$0x3FAC]  }
0x2b: {  	s6 =	sld [smem:$0x3FAD]  }
0x2c: {  	s7 =	sld [smem:$0x3FAE]  }
0x2d: {  	s3 =	simm.s32 $0x108;
	s8 =	sld [smem:$0x3FAF]  }
0x2e: {  	s3 =	simm.s32 @!p0 $0x1082;
	s9 =	sld [smem:$0x3FB0]  }
0x2f: {  	lr =	sadd.s32 s0, s3;
	s0 =	sld [smem:$0x3FA7]  }
0x30: {  	s3 =	sld [smem:$0x3FAA]  }
0x31: {  	[smem:$0x3FB3] =	sst s10  }
0x32: {  	s10 =	sld [smem:$0x3FB1];
	_ =	sdelay $0x3  }
0x33: {  	p0 =	seq.s32 s10, $0x1;
	s10 =	sld [smem:$0x3FB3];
	_ =	sdelay $0x3  }
0x34: {  	[smem:$0x3FB3] =	sst s10  }
0x35: {  	s10 =	sld [smem:$0x3FB2];
	_ =	sdelay $0x3  }
0x36: {  	p1 =	seq.s32 s10, $0x1;
	s10 =	sld [smem:$0x3FB3];
	_ =	sdelay $0x3  }
0x37: {  	[smem:$0x3FB3] =	sst s10  }
0x38: {  	s10 =	sld [smem:$0x3FB4]  }
0x39: {  	_ = 	snop;
	(pc) =	sbr.ind lr, $3  }
0x3a: {  	_ = 	snop  }
0x3b: {  	_ = 	snop  }
0x3c: {  	p2 =	seq.s32 s10, $0x1;
	s10 =	sld [smem:$0x3FB3]  }
0x3d: {  	_ =	shalt  }
0x3e: {  	_ =	shalt  }
0x3f: {  	_ =	shalt  }
0x40: {  	_ =	shalt  }
0x41: {  	_ =	shalt  }
0x42: {  	_ =	shalt  }
0x43: {  	_ =	shalt  }
0x44: {  	_ =	shalt  }
0x45: {  	_ =	shalt  }
0x46: {  	_ =	shalt  }
0x47: {  	_ =	shalt  }
0x48: {  	_ =	shalt  }
0x49: {  	_ =	shalt  }
0x4a: {  	_ =	shalt  }
0x4b: {  	_ =	shalt  }
0x4c: {  	_ =	shalt  }
0x4d: {  	_ =	shalt  }
0x4e: {  	_ =	shalt  }
0x4f: {  	_ =	shalt  }
0x50: {  	_ =	shalt  }
0x51: {  	_ =	shalt  }
0x52: {  	_ =	shalt  }
0x53: {  	_ =	shalt  }
0x54: {  	_ =	shalt  }
0x55: {  	_ =	shalt  }
0x56: {  	_ =	shalt  }
0x57: {  	_ =	shalt  }
0x58: {  	_ =	shalt  }
0x59: {  	_ =	shalt  }
0x5a: {  	_ =	shalt  }
0x5b: {  	_ =	shalt  }
0x5c: {  	_ =	shalt  }
0x5d: {  	_ =	shalt  }
0x5e: {  	_ =	shalt  }
0x5f: {  	_ =	shalt  }
0x60: {  	_ =	shalt  }
0x61: {  	_ =	shalt  }
0x62: {  	_ =	shalt  }
0x63: {  	_ =	shalt  }
0x64: {  	_ =	shalt  }
0x65: {  	_ =	shalt  }
0x66: {  	_ =	shalt  }
0x67: {  	_ =	shalt  }
0x68: {  	_ =	shalt  }
0x69: {  	_ =	shalt  }
0x6a: {  	_ =	shalt  }
0x6b: {  	_ =	shalt  }
0x6c: {  	_ =	shalt  }
0x6d: {  	_ =	shalt  }
0x6e: {  	_ =	shalt  }
0x6f: {  	_ =	shalt  }
0x70: {  	_ =	shalt  }
0x71: {  	_ =	shalt  }
0x72: {  	_ =	shalt  }
0x73: {  	_ =	shalt  }
0x74: {  	_ =	shalt  }
0x75: {  	_ =	shalt  }
0x76: {  	_ =	shalt  }
0x77: {  	_ =	shalt  }
0x78: {  	_ =	shalt  }
0x79: {  	_ =	shalt  }
0x7a: {  	_ =	shalt  }
0x7b: {  	_ =	shalt  }
0x7c: {  	_ =	shalt  }
0x7d: {  	_ =	shalt  }
0x7e: {  	_ =	shalt  }
0x7f: {  	_ =	shalt  }
0x80: {  	_ =	shalt  }
0x81: {  	_ =	shalt  }
0x82: {  	_ =	shalt  }
0x83: {  	_ =	shalt  }
0x84: {  	_ =	shalt  }
0x85: {  	_ =	shalt  }
0x86: {  	_ =	shalt  }
0x87: {  	_ =	shalt  }
.Lfunc_end0:
.L_simem_size_0:
called_computation.1_lowered:
.L_overlay_start_0:
0x88: {  	s2 =	sld [smem:$0x3FD9]  }
0x89: {  	s3 =	sld [smem:$0x3FFE];
	_ =	sdelay $0x1  }
0x8a: {  	s1 =	srdreg.scid  }
0x8b: {  	s0 =	sand.u32 $0x1, s1  }
0x8c: {  	s16 =	sshll.u32 s0, $0xA;
	s2 =	sadd.s32 s3, s2  }
0x8d: {  	s2 =	sadd.s32 s2, s16  }
0x8e: {  	[smem:$0x3FBF] =	sst s2  }
0x8f: {  	_ = 	snop  }
0x90: {  	(tm) =	ssettm $0x1  }
0x91: {  	s17 =	sld [smem:$0x3FFB];
	_ =	sdelay $0x3  }
0x92: {  	_ =	strace s17  }
0x93: {  	s2 =	sld [smem:$0x3FFC];
	_ =	sdelay $0x3  }
0x94: {  	_ =	strace s2  }
0x95: {  	s2 =	sld [smem:$0x3FFD];
	_ =	sdelay $0x3  }
0x96: {  	_ =	strace s2  }
0x97: {  	_ =	strace $0x8FFFFFFF  }
0x98: {  	s18 =	sld [smem:$0x3FDB];
	_ =	sdelay $0x1  }
0x99: {  	s19 =	simm.s32 $_scs_section_size  }
0x9a: {  	s4 =	simm.s32 $_size__tile_overlayer_lowered;
	s5 =	simm.s32 $_tile_overlayer_lowered  }
0x9b: {  	s22 =	simm.s32 $0x1BFF;
	s21 =	sshll.u32 s5, $0x1;
	s2 =	sadd.s32 s19, s18  }
0x9c: {  	s6 =	simm.s32 $0x0;
	s20 =	sshll.u32 s4, $0x1;
	s4 =	sadd.s32 s21, s2  }
0x9d: {  	[timem:s6], [sflag:s22] =	dma.local [hbm:s4], s20  }
0x9e: {  	_ =	swait.ge [sflag:s22], s20  }
0x9f: {  	s3 =	ssub.s32 $0x0, s20;
	[sflag:s22] =	ssyncset.done $0x0  }
0xa0: {  	[sflag:s22] =	ssyncadd.s32 s3;
	_ =	sdelay $0x1  }
0xa1: {  	s23 =	simm.s32 $0x1B8B  }
0xa2: {  	_ =	swait.ge [sflag:s23], $0x1  }
0xa3: {  	[sflag:s23] =	ssyncset.done $0x0  }
0xa4: {  	s25 =	simm.s32 $0x1B8E;
	s24 =	sld [smem:$0x3FFE];
	[sflag:s23] =	ssyncadd.s32 $0xFFFFFFFF  }
0xa5: {  	s26 =	simm.s32 $execute0_lowered;
	[smem:$0x3FD2] =	sst s25  }
0xa6: {  	s4 =	sshll.u32 s26, $0x1;
	_ =	strace $0x80000046;
	[dreg:$0x1] =	wrdreg $0xFFFFFFFF  }
0xa7: {  	s28 =	simm.s32 $_size_execute0_lowered;
	s2 =	sadd.s32 s2, s4;
	[dreg:$0x0] =	wrdreg $0x0  }
0xa8: {  	s4 =	sshll.u32 s28, $0x1;
	[dreg:$0x2] =	wrdreg s2  }
0xa9: {  	[dreg:$0x3] =	wrdreg s4  }
0xaa: {  	[dreg:$0x4] =	wrdreg $0xC0  }
0xab: {  	_ =	task [dreg:s6], $0x5FFFF  }
0xac: {  	[dreg:$0x1] =	wrdreg $0xFFFFFFFF  }
0xad: {  	[dreg:$0x0] =	wrdreg $0x60  }
0xae: {  	[dreg:$0x2] =	wrdreg s24  }
0xaf: {  	[dreg:$0x3] =	wrdreg $0x80800  }
0xb0: {  	[dreg:$0x4] =	wrdreg $0x9  }
0xb1: {  	_ =	task.clear_ibuf [dreg:s6], $0x5FFFF;
	_ =	strace $0x90000046  }
0xb2: {  	s29 =	simm.s32 $0x9;
	_ =	strace $0x80000048  }
0xb3: {  	_ =	swait.ge [sflag:s29], $0x1  }
0xb4: {  	[sflag:s29] =	ssyncadd.s32 $0xFFFFFFFF  }
0xb5: {  	_ =	strace $0x90000048  }
0xb6: {  	_ =	sfence  }
0xb7: {  	s30 =	sld [smem:$0x0];
	_ =	sdelay $0x2  }
0xb8: {  	s31 =	sshll.u32 s1, $0xD;
	s1 =	sshrl.u32 s1, $0x2  }
0xb9: {  	s3 =	sand.u32 $0x4000, s31;
	s1 =	sadd.s32 s1, s30  }
0xba: {  	s0 =	sor.u32 s3, s0;
	s1 =	sshll.u32 s1, $0x11  }
0xbb: {  	s0 =	sor.u32 s1, s0  }
0xbc: {  	s0 =	sadd.s32 $0x8F2B, s0  }
0xbd: {  	[sflag:s0] =	ssyncadd.remote.s32 $0x1  }
0xbe: {  	_ =	sfence.sel $0xFFFF  }
0xbf: {  	[dreg:$0x0] =	wrdreg $0xFFFFFFFF;
	(pc) =	sbr.abs _section_cstart, $3  }
0xc0: {  	[dreg:$0x1] =	wrdreg $0xFFFFFFFF  }
0xc1: {  	_ =	task.clear_ibuf [dreg:s6], $0x2FFFF;
	_ =	strace $0x9FFFFFFF  }
0xc2: {  	(tm) =	ssettm $0x7FFFFFFF  }
0xc3: {  	_ =	shalt  }
tec
execute0_lowered:
.L_overlay_start_1:
0x0: {  	(tag) =	ssettag $0x1  }
0x1: {  	s6 =	rddreg [dreg:$0x0]  }
0x2: {  	s1 =	rddreg [dreg:$0x1]  }
0x3: {  	s0 =	rddreg [dreg:$0x2]  }
0x4: {  	s2 =	simm.s32 $0x0;
	s11 =	stileid.u32;
	s3 =	srdreg.scid  }
0x5: {  	s13 =	simm.s32 $0x0;
	[smem:$0x7FF] =	sst s2;
	s4 =	sshll.u32 s11, $0xC  }
0x6: {  	s5 =	sand.u32 $0x1, s3;
	s3 =	sadd.s32 $0x23C00, s6;
	s31 =	smul.u32 $0x280, s11  }
0x7: {  	_ =	strace $0x80000047;
	s4 =	sadd.s32 s4, s6;
	s7 =	ssub.s32 $0x2, s5  }
0x8: {  	s9 =	sshll.u32 s5, $0x10;
	p0 =	seq.s32 s5, $0x1;
	s8 =	sshrl.u32 s7, $0x1  }
0x9: {  	s4 =	sadd.s32 s9, s4;
	s9 =	simm.s32 $0x24200;
	s10 =	sshrl.u32 s31, $0x3  }
0xa: {  	s12 =	sadd.s32 s31, s1;
	s7 =	ssub.s32 s7, s8;
	s4 =	sadd.s32 $0x3C00, s4  }
0xb: {  	s9 =	simm.s32 @!p0 $0x24800;
	p0 =	sne.s32 s11, $0x0;
	s8 =	simm.s32 $0x1  }
0xc: {  	s11 =	sshll.u32 s11, $0x6;
	s12 =	sshrl.u32 s12, $0x3;
	s5 =	smax.u32 s7, $0x1  }
0xd: {  	s6 =	sadd.s32 s9, s6;
	s7 =	sshrl.u32 @!p0 s1, $0x3;
	s9 =	simm.s32 $0x50  }
0xe: {  	v0 =	vimm.f32 $1.000000000e+00;
	s11 =	sor.u32 $0x1C01, s11;
	s6 =	sadd.s32 s6, s10;
	s10 =	simm.s32 $0x8000  }
.LBB2_1:
0xf: {  	s14 =	simm.s32 @!p0 $0x1C01  }
0x10: {  	[spmem:s7], [sflag:s14] =	dma.local @!p0 [hbm:s3], $0x500  }
0x11: {  	s14 =	simm.s32 @!p0 $0x1  }
0x12: {  	_ =	swait.ge @!p0 [sflag:s14], $0x500  }
0x13: {  	[sflag:s14] =	ssyncset.done @!p0 $0x0  }
0x14: {  	[sflag:s14] =	ssyncadd.s32 @!p0 $0xFFFFFB00  }
0x15: {  	[tilespmem:s2], [sflag:$0x1] =	stream.linear.gather [hbm4b:s4+s2], $0x7D00, $0x38;
	[tilespmem:$0x8310] =	vst v63  }
0x16: {  	_ =	swait.ge [sflag:s8], $0x7D00  }
0x17: {  	[sflag:s8] =	ssyncset.done $0x0  }
0x18: {  	[sflag:s8] =	ssyncadd.s32 $0xFFFF8300  }
0x19: {  	[tilespmem:$0x8000] =	vst v0  }
0x1a: {  	[tilespmem:$0x8010] =	vst v0  }
0x1b: {  	[tilespmem:$0x8020] =	vst v0  }
0x1c: {  	[tilespmem:$0x8030] =	vst v0  }
0x1d: {  	[tilespmem:$0x8040] =	vst v0  }
0x1e: {  	s31 =	simm.s32 $0x0;
	[bflag:$0x0] =	sbarrier.arrive $0xFFFF  }
0x1f: {  	[spmem:s1] =	stream.indirect.scatter.add.f32 [tilespmem:s10], [sflag:$0x1], $0x1, s31, s9, $0xb8;
	[tilespmem:$0x8310] =	vst v63  }
0x20: {  	_ =	swait.ge [sflag:s8], $0x50  }
0x21: {  	s14 =	simm.s32 $0x200;
	[sflag:s8] =	ssyncset.done $0x0  }
.LBB2_2:
0x22: {  	s15 =	sshra.s32 s14, $0x2;
	[sflag:s8] =	ssyncadd.s32 $0xFFFFFFB0;
	p1 =	sne.s32 s14, $0x1F200  }
0x23: {  	[spmem:s1] =	stream.indirect.scatter.add.f32 [tilespmem:s10], [sflag:$0x1], $0x1, s15, s9, $0xb8;
	[tilespmem:$0x8310] =	vst v63  }
.Ltmp0:
0x24: {  	_ = 	snop;
	(pc) =	sbr.rel @p1 .LBB2_2-.Ltmp0, $4  }
0x25: {  	_ = 	snop  }
0x26: {  	s14 =	sadd.s32 $0x200, s14  }
0x27: {  	_ =	swait.ge [sflag:s8], $0x50  }
0x28: {  	[sflag:s8] =	ssyncset.done $0x0  }
0x29: {  	s13 =	sadd.s32 $0x1, s13  }
0x2a: {  	[sflag:s8] =	ssyncadd.s32 $0xFFFFFFB0;
	p1 =	sne.s32 s13, s5  }
.Ltmp1:
0x2b: {  	[bflag:$0x0] =	sbarrier.arrive $0xFFFF;
	(pc) =	sbr.rel @p1 .LBB2_1-.Ltmp1, $4  }
0x2c: {  	[hbm:s6], [sflag:s11] =	dma.local [spmem:s12], $0x50  }
0x2d: {  	_ =	swait.ge [sflag:s8], $0x50  }
0x2e: {  	[sflag:s8] =	ssyncset.done $0x0  }
0x2f: {  	[sflag:s8] =	ssyncadd.s32 $0xFFFFFFB0  }
0x30: {  	_ =	sfence.sel $0x180000  }
0x31: {  	[bflag:$0x0] =	sbarrier.arrive $0xFFFF  }
0x32: {  	_ =	strace $0x90000047  }
0x33: {  	s0 =	sadd.s32 @!p0 $0x100000, s0;
	[bflag:$0x2] =	sbarrier.arrive $0xFFFF  }
0x34: {  	[sflag:s0] =	ssyncadd.tile.s32 @!p0 $0x1;
	_ =	shalt  }
.Lfunc_end2:
_tile_overlayer_lowered:
.L_overlay_start_2:
0x35: {  	(tag) =	ssettag $0x2  }
0x36: {  	s0 =	rddreg [dreg:$0x0];
	s2 =	stileid.u32  }
0x37: {  	s1 =	rddreg [dreg:$0x1];
	p0 =	sne.s32 s2, $0x0  }
0x38: {  	s3 =	rddreg [dreg:$0x2];
	[bflag:$0x3] =	sbarrier.arrive $0xFFFF;
	s2 =	simm.s32 @!p0 $0x1C01  }
0x39: {  	[timem:s3], [sflag:s2] =	dma.local @!p0 [hbm:s0], s1  }
0x3a: {  	s0 =	simm.s32 @!p0 $0x1  }
0x3b: {  	_ =	swait.ge @!p0 [sflag:s0], s1  }
0x3c: {  	s1 =	ssub.s32 @!p0 $0x0, s1;
	[sflag:s0] =	ssyncset.done @!p0 $0x0  }
0x3d: {  	[sflag:s0] =	ssyncadd.s32 @!p0 s1  }
0x3e: {  	[bflag:$0x3] =	sbarrier.arrive $0xFFFF  }
0x3f: {  	_ =	shalt  }

</sc_bundles>
